<compile_context>
chip_gen: v7x
topology: tpu7x:2x2x1
jax: 0.10.2.dev20260603
libtpu: 0.0.44.dev20260713+nightly
codegen_flags: <defaults>
</compile_context>

<pallas_src>
import functools

import jax
import jax.numpy as jnp
from jax import lax
from jax.experimental import pallas as pl
from jax.experimental.pallas import tpu as pltpu
from jax.experimental.pallas import tpu_sc as plsc

NC = 2
NS = 16
NW = NC * NS
CHUNK = 128

N_PAD = 10240

_f32 = jnp.float32



def _core_chunks(c, ch0, ch1):
  return jnp.where(c == 0, jnp.int32(ch0), jnp.int32(ch1))


def _sc_degree(dst3, ones_rows, zeros_tbl, ch0, ch1):
  rows_per_tile = N_PAD // NS

  @functools.partial(
      pl.kernel,
      out_type=jax.ShapeDtypeStruct((NC, N_PAD, 16), _f32),
      mesh=plsc.VectorSubcoreMesh(core_axis_name="c", subcore_axis_name="s"),
      scratch_types=[
          pltpu.VMEM((ch0, CHUNK), jnp.int32),
          pltpu.VMEM((CHUNK, 16), _f32),
          pltpu.VMEM_SHARED((N_PAD, 16), _f32),
          pltpu.SemaphoreType.DMA,
      ],
      compiler_params=pltpu.CompilerParams(use_tc_tiling_on_sc=False),
  )
  def deg_kernel(dst_hbm, ones_hbm, zeros_hbm, out_hbm, idx_v, ones_v, acc,
                 sem):
    c = lax.axis_index("c")
    s = lax.axis_index("s")
    w = c * NS + s
    chc = _core_chunks(c, ch0, ch1)
    pltpu.sync_copy(dst_hbm.at[w], idx_v)
    pltpu.sync_copy(ones_hbm, ones_v)
    sl = pl.ds(s * rows_per_tile, rows_per_tile)
    pltpu.sync_copy(zeros_hbm.at[sl], acc.at[sl])
    plsc.subcore_barrier()

    def step(k, carry):
      j0 = k * 8
      for b in range(8):
        pltpu.async_copy(ones_v, acc.at[idx_v.at[j0 + b]], sem, add=True)
      for b in range(8):
        pltpu.make_async_copy(ones_v, acc.at[idx_v.at[j0 + b]], sem).wait()
      return carry

    lax.fori_loop(0, chc // 8, step, 0)
    plsc.subcore_barrier()
    pltpu.sync_copy(acc.at[sl], out_hbm.at[c, sl])

  return deg_kernel(dst3, ones_rows, zeros_tbl)


@functools.cache
def _make_sc_aggregate(ch0, ch1, d):
  del ch1
  ch = ch0
  rows_per_tile = N_PAD // NS
  ring = 2

  @functools.partial(
      pl.kernel,
      out_type=jax.ShapeDtypeStruct((NC, N_PAD, d), _f32),
      mesh=plsc.VectorSubcoreMesh(core_axis_name="c", subcore_axis_name="s"),
      scratch_types=[
          pltpu.VMEM((ch, CHUNK), jnp.int32),
          pltpu.VMEM((ch, CHUNK), jnp.int32),
          pltpu.VMEM((ring, CHUNK, d), _f32),
          pltpu.VMEM_SHARED((N_PAD, d), _f32),
          pltpu.VMEM_SHARED((N_PAD, d), _f32),
          [pltpu.SemaphoreType.DMA] * ring,
          [pltpu.SemaphoreType.DMA] * ring,
      ],
      compiler_params=pltpu.CompilerParams(use_tc_tiling_on_sc=False),
  )
  def agg_kernel(y_hbm, src_hbm, dst_hbm, out_hbm,
                 idx_s, idx_d, buf, acc, ytbl, sems_g, sems_s):
    c = lax.axis_index("c")
    s = lax.axis_index("s")
    w = c * NS + s
    pltpu.sync_copy(src_hbm.at[w], idx_s)
    pltpu.sync_copy(dst_hbm.at[w], idx_d)
    sl = pl.ds(s * rows_per_tile, rows_per_tile)
    pltpu.sync_copy(y_hbm.at[sl], ytbl.at[sl])

    def zstep(i, carry):
      for k in range(d // 16):
        buf[0, i, pl.ds(k * 16, 16)] = jnp.zeros((16,), _f32)
      return carry

    lax.fori_loop(0, CHUNK, zstep, 0)
    for t in range(rows_per_tile // CHUNK):
      pltpu.sync_copy(buf.at[0],
                      acc.at[pl.ds(s * rows_per_tile + t * CHUNK, CHUNK)])

    def gissue(j, r):
      pltpu.async_copy(ytbl.at[idx_s.at[j]], buf.at[r], sems_g[r])

    def gwait(j, r):
      pltpu.make_async_copy(ytbl.at[idx_s.at[j]], buf.at[r],
                            sems_g[r]).wait()

    def sissue(j, r):
      pltpu.async_copy(buf.at[r], acc.at[idx_d.at[j]], sems_s[r], add=True)

    def swait(j, r):
      pltpu.make_async_copy(buf.at[r], acc.at[idx_d.at[j]],
                            sems_s[r]).wait()

    plsc.subcore_barrier()

    gissue(0, 0)
    gwait(0, 0)
    sissue(0, 0)
    gissue(1, 1)

    def step(k, carry):
      j0 = k * 2 + 1
      for bp in range(2):
        j = j0 + bp
        r = (1 + bp) % 2
        gwait(j, r)
        sissue(j, r)
        swait(j - 1, 1 - r)
        gissue(j + 1, 1 - r)
      return carry

    lax.fori_loop(0, (ch - 2) // 2, step, 0)

    gwait(ch - 1, 1)
    sissue(ch - 1, 1)
    swait(ch - 2, 0)
    swait(ch - 1, 1)
    plsc.subcore_barrier()
    pltpu.sync_copy(acc.at[sl], out_hbm.at[c, sl])

  return agg_kernel



ROWS = 512


def _dinv_block(degp_ref):
  deg = degp_ref[0, :, 0:1] + degp_ref[1, :, 0:1] + 1.0
  return lax.rsqrt(deg)


def _tc1_body(degp_ref, x_ref, w1_ref, y1_ref, dinv_ref):
  dinv = _dinv_block(degp_ref)
  xw = jnp.dot(x_ref[...], w1_ref[...], preferred_element_type=_f32)
  y1_ref[...] = dinv * xw
  dinv_ref[...] = jnp.broadcast_to(dinv, y1_ref.shape)


def _tc2_body(s1_ref, y1_ref, dinv_ref, b1_ref, w2_ref, y2_ref):
  dinv = dinv_ref[...]
  agg = (s1_ref[0] + s1_ref[1] + y1_ref[...]) * dinv
  h1 = jnp.maximum(agg + b1_ref[...], 0.0)
  y2_ref[...] = dinv * jnp.dot(h1, w2_ref[...], preferred_element_type=_f32)


def _tc3_body(s2_ref, y2_ref, dinv_ref, b2_ref, wih0_ref, bi0_ref, bh0_ref,
              wih1_ref, bi1_ref, bh1_ref, fct_ref, fcb_ref, out_ref):
  dinv = dinv_ref[...]
  agg = (s2_ref[0] + s2_ref[1] + y2_ref[...]) * dinv
  h2 = jnp.maximum(agg + b2_ref[...], 0.0)

  def lstm_step(xin, wih_ref, bi_ref, bh_ref, hdim):
    gates = (jnp.dot(xin, wih_ref[...], preferred_element_type=_f32)
             + bi_ref[...] + bh_ref[...])
    i = jax.nn.sigmoid(gates[:, 0:hdim])
    g = jnp.tanh(gates[:, 2 * hdim:3 * hdim])
    o = jax.nn.sigmoid(gates[:, 3 * hdim:4 * hdim])
    return o * jnp.tanh(i * g)

  hdim = wih1_ref.shape[0]
  h0 = lstm_step(h2, wih0_ref, bi0_ref, bh0_ref, hdim)
  h1 = lstm_step(h0, wih1_ref, bi1_ref, bh1_ref, hdim)
  out_ref[...] = (jnp.dot(h1, fct_ref[...], preferred_element_type=_f32)
                  + fcb_ref[...])


def _row_grid_call(body, out_dims, *args_and_specs):
  args = [a for a, _ in args_and_specs]
  in_specs = [spec for _, spec in args_and_specs]
  grid = N_PAD // ROWS
  return pl.pallas_call(
      body,
      grid=(grid,),
      in_specs=in_specs,
      out_specs=pl.BlockSpec((ROWS, out_dims), lambda i: (i, 0)),
      out_shape=jax.ShapeDtypeStruct((N_PAD, out_dims), _f32),
  )(*args)


def _whole(a):
  nd = a.ndim
  return pl.BlockSpec(a.shape, lambda i, _nd=nd: (0,) * _nd)


def _rows(a):
  return pl.BlockSpec((ROWS,) + a.shape[1:], lambda i: (i,) + (0,) * (a.ndim - 1))


def _parts(a):
  return pl.BlockSpec((NC, ROWS) + a.shape[2:],
                      lambda i: (0, i) + (0,) * (a.ndim - 2))



def kernel(x, edge_index, W1, b1, W2, b2, Wih0, Whh0, bih0, bhh0,
           Wih1, Whh1, bih1, bhh1, fcW, fcb):
  del Whh0, Whh1
  n = x.shape[0]
  d_gnn = W1.shape[1]
  d_out = fcW.shape[0]

  src = edge_index[0].astype(jnp.int32)
  dst = edge_index[1].astype(jnp.int32)
  e = src.shape[0]

  per_op = NW * CHUNK
  ch = -(-e // per_op)
  ch = -(-ch // 8) * 8
  e_pad = ch * per_op
  n_trash = N_PAD - n
  pad_src = jnp.zeros((e_pad - e,), jnp.int32)
  pad_dst = n + (jnp.arange(e_pad - e, dtype=jnp.int32) % n_trash)
  src3 = jnp.concatenate([src, pad_src]).reshape(NW, ch, CHUNK)
  dst3 = jnp.concatenate([dst, pad_dst]).reshape(NW, ch, CHUNK)

  x_pad = jnp.pad(x, ((0, N_PAD - n), (0, 0)))
  zeros16 = jnp.zeros((N_PAD, 16), _f32)
  ones_rows = jnp.ones((CHUNK, 16), _f32)

  degp = _sc_degree(dst3, ones_rows, zeros16, ch, ch)

  y1, dinv64 = pl.pallas_call(
      _tc1_body,
      grid=(N_PAD // ROWS,),
      in_specs=[_parts(degp), _rows(x_pad), _whole(W1)],
      out_specs=[pl.BlockSpec((ROWS, d_gnn), lambda i: (i, 0))] * 2,
      out_shape=[jax.ShapeDtypeStruct((N_PAD, d_gnn), _f32)] * 2,
  )(degp, x_pad, W1)

  agg_fn = _make_sc_aggregate(ch, ch, d_gnn)
  s1 = agg_fn(y1, src3, dst3)

  b1r = b1.reshape(1, -1)
  y2 = _row_grid_call(_tc2_body, d_gnn,
                      (s1, _parts(s1)), (y1, _rows(y1)),
                      (dinv64, _rows(dinv64)), (b1r, _whole(b1r)),
                      (W2, _whole(W2)))

  s2 = agg_fn(y2, src3, dst3)

  b2r = b2.reshape(1, -1)
  wih0t = Wih0.T
  wih1t = Wih1.T
  bi0 = bih0.reshape(1, -1)
  bh0 = bhh0.reshape(1, -1)
  bi1 = bih1.reshape(1, -1)
  bh1 = bhh1.reshape(1, -1)
  d_head = 8
  fct = jnp.pad(fcW.T, ((0, 0), (0, d_head - d_out)))
  fcbp = jnp.pad(fcb, (0, d_head - d_out)).reshape(1, -1)

  out = _row_grid_call(_tc3_body, d_head,
                       (s2, _parts(s2)), (y2, _rows(y2)),
                       (dinv64, _rows(dinv64)), (b2r, _whole(b2r)),
                       (wih0t, _whole(wih0t)), (bi0, _whole(bi0)),
                       (bh0, _whole(bh0)),
                       (wih1t, _whole(wih1t)), (bi1, _whole(bi1)),
                       (bh1, _whole(bh1)),
                       (fct, _whole(fct)), (fcbp, _whole(fcbp)))
  return out[:n, :d_out]

# --- scband reference (transcript-rebuilt; emitter-appended) ---
"""Pipeline reference for scband-hybrid-gnnrnn-14413910245709 (READ-ONLY COPY).

The authoritative reference and input builder live on the scoring server;
editing this copy changes nothing except your own understanding.
"""

import jax, jax.numpy as jnp
import numpy as np

N = 10000
E = 320000
D_IN = 128
D_GNN = 64
D_RNN = 128
D_OUT = 7
SEQ_LEN = 1


def setup_inputs(seed: int = 0):
    key = jax.random.key(seed)
    ks = jax.random.split(key, 20)
    x = jax.random.normal(ks[0], (N, D_IN), dtype=jnp.float32)
    edge_index = jax.random.randint(ks[1], (2, E), 0, N)
    W1 = jax.random.normal(ks[2], (D_IN, D_GNN), dtype=jnp.float32) * (1.0 / np.sqrt(D_IN))
    b1 = jnp.zeros((D_GNN,), dtype=jnp.float32)
    W2 = jax.random.normal(ks[3], (D_GNN, D_GNN), dtype=jnp.float32) * (1.0 / np.sqrt(D_GNN))
    b2 = jnp.zeros((D_GNN,), dtype=jnp.float32)
    s0 = 1.0 / np.sqrt(D_RNN)
    Wih0 = jax.random.uniform(ks[4], (4 * D_RNN, D_GNN), dtype=jnp.float32, minval=-s0, maxval=s0)
    Whh0 = jax.random.uniform(ks[5], (4 * D_RNN, D_RNN), dtype=jnp.float32, minval=-s0, maxval=s0)
    bih0 = jax.random.uniform(ks[6], (4 * D_RNN,), dtype=jnp.float32, minval=-s0, maxval=s0)
    bhh0 = jax.random.uniform(ks[7], (4 * D_RNN,), dtype=jnp.float32, minval=-s0, maxval=s0)
    Wih1 = jax.random.uniform(ks[8], (4 * D_RNN, D_RNN), dtype=jnp.float32, minval=-s0, maxval=s0)
    Whh1 = jax.random.uniform(ks[9], (4 * D_RNN, D_RNN), dtype=jnp.float32, minval=-s0, maxval=s0)
    bih1 = jax.random.uniform(ks[10], (4 * D_RNN,), dtype=jnp.float32, minval=-s0, maxval=s0)
    bhh1 = jax.random.uniform(ks[11], (4 * D_RNN,), dtype=jnp.float32, minval=-s0, maxval=s0)
    fcW = jax.random.normal(ks[12], (D_OUT, D_RNN), dtype=jnp.float32) * (1.0 / np.sqrt(D_RNN))
    fcb = jnp.zeros((D_OUT,), dtype=jnp.float32)
    return {"x": x, "edge_index": edge_index, "W1": W1, "b1": b1, "W2": W2, "b2": b2,
            "Wih0": Wih0, "Whh0": Whh0, "bih0": bih0, "bhh0": bhh0,
            "Wih1": Wih1, "Whh1": Whh1, "bih1": bih1, "bhh1": bhh1,
            "fcW": fcW, "fcb": fcb}


def gcn_conv(x, src, dst, W, b):
    n = x.shape[0]
    xw = x @ W
    loop = jnp.arange(n)
    s = jnp.concatenate([src, loop])
    d = jnp.concatenate([dst, loop])
    deg = jax.ops.segment_sum(jnp.ones(s.shape[0], x.dtype), d, num_segments=n)
    dinv = jnp.where(deg > 0, jax.lax.rsqrt(jnp.maximum(deg, 1e-12)), 0.0)
    norm = (dinv[s] * dinv[d])[:, None]
    msg = xw[s] * norm
    out = jax.ops.segment_sum(msg, d, num_segments=n)
    return out + b


def lstm_layer(x_seq, Wih, Whh, bih, bhh):
    B = x_seq.shape[0]
    H = Whh.shape[1]

    def step(carry, xt):
        h, c = carry
        gates = xt @ Wih.T + h @ Whh.T + bih + bhh
        i, f, g, o = jnp.split(gates, 4, axis=-1)
        i = jax.nn.sigmoid(i)
        f = jax.nn.sigmoid(f)
        g = jnp.tanh(g)
        o = jax.nn.sigmoid(o)
        c = f * c + i * g
        h = o * jnp.tanh(c)
        return (h, c), h

    h0 = jnp.zeros((B, H), x_seq.dtype)
    c0 = jnp.zeros((B, H), x_seq.dtype)
    _, hs = jax.lax.scan(step, (h0, c0), jnp.swapaxes(x_seq, 0, 1))
    return jnp.swapaxes(hs, 0, 1)


def reference(x, edge_index, W1, b1, W2, b2, Wih0, Whh0, bih0, bhh0, Wih1, Whh1, bih1, bhh1, fcW, fcb):
    src = edge_index[0]
    dst = edge_index[1]
    h = jax.nn.relu(gcn_conv(x, src, dst, W1, b1))
    h = jax.nn.relu(gcn_conv(h, src, dst, W2, b2))
    seq = h.reshape(h.shape[0], SEQ_LEN, -1)
    out = lstm_layer(seq, Wih0, Whh0, bih0, bhh0)
    out = lstm_layer(out, Wih1, Whh1, bih1, bhh1)
    last = out[:, -1, :]
    return last @ fcW.T + fcb

if __name__ == "__main__":
    import jax
    _d = setup_inputs()
    print(jax.jit(kernel)(*tuple(_d.values())))

</pallas_src>

<mosaic_0001>
#map = affine_map<(d0, d1) -> (0, 0, 0)>
#map1 = affine_map<(d0, d1) -> (0, 0)>
module attributes {stable_mosaic.version = 14 : i64} {
  func.func @deg_kernel(%arg0: i32, %arg1: i32, %arg2: memref<32x80x128xi32, #tpu.memory_space<hbm>>, %arg3: memref<128x16xf32, #tpu.memory_space<hbm>>, %arg4: memref<10240x16xf32, #tpu.memory_space<hbm>>, %arg5: memref<2x10240x16xf32, #tpu.memory_space<hbm>>, %arg6: memref<80x128xi32, #tpu.memory_space<vmem>>, %arg7: memref<128x16xf32, #tpu.memory_space<vmem>>, %arg8: memref<10240x16xf32, #tpu.memory_space<vmem_shared>>, %arg9: memref<!tpu.dma_semaphore, #tpu.memory_space<semaphore_mem>>) attributes {dimension_semantics = [#tpu.dimension_semantics<core_parallel>, #tpu.dimension_semantics<subcore_parallel>], iteration_bounds = array<i64: 2, 16>, scalar_prefetch = 0 : i64, scratch_operands = 4 : i64, tpu.core_type = #tpu.core_type<sc_vector_subcore>, window_params = [{transform_indices = #map}, {transform_indices = #map1}, {transform_indices = #map1}, {transform_indices = #map}]} {
    %mul3A = arith.constant 16 : i32
    %mul3A_0 = arith.muli %arg0, %mul3A : i32
    %add3A = arith.addi %mul3A_0, %arg1 : i32
    %eq3A = arith.constant 0 : i32
    %eq3A_1 = arith.cmpi eq, %arg0, %eq3A : i32
    %jit3A = arith.constant 80 : i32
    %jit3A_2 = arith.constant 80 : i32
    %select_n3A = arith.select %eq3A_1, %jit3A, %jit3A_2 : i32
    "tpu.region"() ({
      %run_scoped3A = tpu.sem_alloc : memref<!tpu.dma_semaphore, #tpu.memory_space<semaphore_mem>>
      %dma_start3A = arith.constant 0 : i32
      %dma_start3A_33 = arith.constant 0 : i32
      %dma_start3A_34 = tpu.memref_slice %arg2[%add3A, %dma_start3A, %dma_start3A_33] : memref<32x80x128xi32, #tpu.memory_space<hbm>> -> memref<1x80x128xi32, #tpu.memory_space<hbm>>
      %dma_start3A_35 = tpu.memref_squeeze %dma_start3A_34 : memref<1x80x128xi32, #tpu.memory_space<hbm>> -> memref<80x128xi32, #tpu.memory_space<hbm>>
      %dma_start3A_36 = arith.constant 0 : i32
      %dma_start3A_37 = arith.constant 0 : i32
      %dma_start3A_38 = tpu.memref_slice %arg2[%add3A, %dma_start3A_36, %dma_start3A_37] : memref<32x80x128xi32, #tpu.memory_space<hbm>> -> memref<1x80x128xi32, #tpu.memory_space<hbm>>
      %dma_start3A_39 = tpu.memref_squeeze %dma_start3A_38 : memref<1x80x128xi32, #tpu.memory_space<hbm>> -> memref<80x128xi32, #tpu.memory_space<hbm>>
      tpu.enqueue_dma source(%dma_start3A_39 : memref<80x128xi32, #tpu.memory_space<hbm>>) target(%arg6 : memref<80x128xi32, #tpu.memory_space<vmem>>) target_semaphore(%run_scoped3A : memref<!tpu.dma_semaphore, #tpu.memory_space<semaphore_mem>>)
      %dma_wait3A = arith.constant 0 : i32
      %dma_wait3A_40 = arith.constant 0 : i32
      %dma_wait3A_41 = tpu.memref_slice %arg2[%add3A, %dma_wait3A, %dma_wait3A_40] : memref<32x80x128xi32, #tpu.memory_space<hbm>> -> memref<1x80x128xi32, #tpu.memory_space<hbm>>
      %dma_wait3A_42 = tpu.memref_squeeze %dma_wait3A_41 : memref<1x80x128xi32, #tpu.memory_space<hbm>> -> memref<80x128xi32, #tpu.memory_space<hbm>>
      %dma_wait3A_43 = arith.constant 0 : i32
      %dma_wait3A_44 = arith.constant 0 : i32
      %dma_wait3A_45 = tpu.memref_slice %arg2[%add3A, %dma_wait3A_43, %dma_wait3A_44] : memref<32x80x128xi32, #tpu.memory_space<hbm>> -> memref<1x80x128xi32, #tpu.memory_space<hbm>>
      %dma_wait3A_46 = tpu.memref_squeeze %dma_wait3A_45 : memref<1x80x128xi32, #tpu.memory_space<hbm>> -> memref<80x128xi32, #tpu.memory_space<hbm>>
      tpu.wait_dma2 semaphore(%run_scoped3A : memref<!tpu.dma_semaphore, #tpu.memory_space<semaphore_mem>>) src(%dma_wait3A_46 : memref<80x128xi32, #tpu.memory_space<hbm>>) dst(%arg6 : memref<80x128xi32, #tpu.memory_space<vmem>>)
      tpu.yield
    }) : () -> ()
    "tpu.region"() ({
      %run_scoped3A = tpu.sem_alloc : memref<!tpu.dma_semaphore, #tpu.memory_space<semaphore_mem>>
      tpu.enqueue_dma source(%arg3 : memref<128x16xf32, #tpu.memory_space<hbm>>) target(%arg7 : memref<128x16xf32, #tpu.memory_space<vmem>>) target_semaphore(%run_scoped3A : memref<!tpu.dma_semaphore, #tpu.memory_space<semaphore_mem>>)
      tpu.wait_dma2 semaphore(%run_scoped3A : memref<!tpu.dma_semaphore, #tpu.memory_space<semaphore_mem>>) src(%arg3 : memref<128x16xf32, #tpu.memory_space<hbm>>) dst(%arg7 : memref<128x16xf32, #tpu.memory_space<vmem>>)
      tpu.yield
    }) : () -> ()
    %mul3A_3 = arith.constant 640 : i32
    %mul3A_4 = arith.muli %arg1, %mul3A_3 : i32
    "tpu.region"() ({
      %run_scoped3A = tpu.sem_alloc : memref<!tpu.dma_semaphore, #tpu.memory_space<semaphore_mem>>
      %dma_start3A = arith.constant 0 : i32
      %dma_start3A_33 = tpu.memref_slice %arg8[%mul3A_4, %dma_start3A] : memref<10240x16xf32, #tpu.memory_space<vmem_shared>> -> memref<640x16xf32, #tpu.memory_space<vmem_shared>>
      %dma_start3A_34 = arith.constant 0 : i32
      %dma_start3A_35 = tpu.memref_slice %arg4[%mul3A_4, %dma_start3A_34] : memref<10240x16xf32, #tpu.memory_space<hbm>> -> memref<640x16xf32, #tpu.memory_space<hbm>>
      tpu.enqueue_dma source(%dma_start3A_35 : memref<640x16xf32, #tpu.memory_space<hbm>>) target(%dma_start3A_33 : memref<640x16xf32, #tpu.memory_space<vmem_shared>>) target_semaphore(%run_scoped3A : memref<!tpu.dma_semaphore, #tpu.memory_space<semaphore_mem>>)
      %dma_wait3A = arith.constant 0 : i32
      %dma_wait3A_36 = tpu.memref_slice %arg8[%mul3A_4, %dma_wait3A] : memref<10240x16xf32, #tpu.memory_space<vmem_shared>> -> memref<640x16xf32, #tpu.memory_space<vmem_shared>>
      %dma_wait3A_37 = arith.constant 0 : i32
      %dma_wait3A_38 = tpu.memref_slice %arg4[%mul3A_4, %dma_wait3A_37] : memref<10240x16xf32, #tpu.memory_space<hbm>> -> memref<640x16xf32, #tpu.memory_space<hbm>>
      tpu.wait_dma2 semaphore(%run_scoped3A : memref<!tpu.dma_semaphore, #tpu.memory_space<semaphore_mem>>) src(%dma_wait3A_38 : memref<640x16xf32, #tpu.memory_space<hbm>>) dst(%dma_wait3A_36 : memref<640x16xf32, #tpu.memory_space<vmem_shared>>)
      tpu.yield
    }) : () -> ()
    %barrier3A = arith.constant 0 : index
    tpu.barrier barrier_id(%barrier3A)
    %jit3A_5 = arith.constant 8 : i32
    %div3A = arith.divsi %select_n3A, %jit3A_5 : i32
    %sign3A = arith.constant 0 : i32
    %sign3A_6 = arith.cmpi sgt, %select_n3A, %sign3A : i32
    %sign3A_7 = arith.extui %sign3A_6 : i1 to i32
    %sign3A_8 = arith.constant 0 : i32
    %sign3A_9 = arith.cmpi slt, %select_n3A, %sign3A_8 : i32
    %sign3A_10 = arith.extui %sign3A_9 : i1 to i32
    %sign3A_11 = arith.subi %sign3A_7, %sign3A_10 : i32
    %sign3A_12 = arith.constant 0 : i32
    %sign3A_13 = arith.cmpi sgt, %jit3A_5, %sign3A_12 : i32
    %sign3A_14 = arith.extui %sign3A_13 : i1 to i32
    %sign3A_15 = arith.constant 0 : i32
    %sign3A_16 = arith.cmpi slt, %jit3A_5, %sign3A_15 : i32
    %sign3A_17 = arith.extui %sign3A_16 : i1 to i32
    %sign3A_18 = arith.subi %sign3A_14, %sign3A_17 : i32
    %ne3A = arith.cmpi ne, %sign3A_11, %sign3A_18 : i32
    %rem3A = arith.remsi %select_n3A, %jit3A_5 : i32
    %ne3A_19 = arith.constant 0 : i32
    %ne3A_20 = arith.cmpi ne, %rem3A, %ne3A_19 : i32
    %and3A = arith.andi %ne3A, %ne3A_20 : i1
    %sub3A = arith.constant 1 : i32
    %sub3A_21 = arith.subi %div3A, %sub3A : i32
    %select_n3A_22 = arith.select %and3A, %sub3A_21, %div3A : i32
    %while3A = arith.constant 0 : i32
    %while3A_23 = arith.constant 0 : i32
    %while3A_24 = arith.subi %select_n3A_22, %while3A_23 : i32
    %while3A_25 = arith.addi %while3A_23, %while3A_24 : i32
    %while3A_26 = arith.constant 1 : i32
    %while3A_27 = arith.divsi %while3A_24, %while3A_26 : i32
    %while3A_28 = arith.muli %while3A_27, %while3A_26 : i32
    %while3A_29 = arith.addi %while3A_23, %while3A_28 : i32
    %while3A_30 = arith.constant 1 : i32
    scf.for %while3A_33 = %while3A_23 to %while3A_29 step %while3A_30  : i32 {
      %mul3A_34 = arith.constant 8 : i32
      %mul3A_35 = arith.muli %while3A_33, %mul3A_34 : i32
      %add3A_36 = arith.constant 0 : i32
      %add3A_37 = arith.addi %mul3A_35, %add3A_36 : i32
      %dma_start3A = arith.constant 0 : i32
      %dma_start3A_38 = tpu.memref_slice %arg6[%add3A_37, %dma_start3A] : memref<80x128xi32, #tpu.memory_space<vmem>> -> memref<1x128xi32, #tpu.memory_space<vmem>>
      %dma_start3A_39 = tpu.memref_squeeze %dma_start3A_38 : memref<1x128xi32, #tpu.memory_space<vmem>> -> memref<128xi32, #tpu.memory_space<vmem>>
      %dma_start3A_40 = arith.constant 0 : i32
      %dma_start3A_41 = arith.constant 0 : i32
      %dma_start3A_42 = tpu.memref_slice %arg8[%dma_start3A_40, %dma_start3A_41] : memref<10240x16xf32, #tpu.memory_space<vmem_shared>> -> memref<10240x16xf32, #tpu.memory_space<vmem_shared>>
      tpu.enqueue_indirect_dma source(%arg7 : memref<128x16xf32, #tpu.memory_space<vmem>>) target(%dma_start3A_42 : memref<10240x16xf32, #tpu.memory_space<vmem_shared>>) offsets(%dma_start3A_39 : memref<128xi32, #tpu.memory_space<vmem>>) semaphore(%arg9 : memref<!tpu.dma_semaphore, #tpu.memory_space<semaphore_mem>>) {add = true}
      %add3A_43 = arith.constant 1 : i32
      %add3A_44 = arith.addi %mul3A_35, %add3A_43 : i32
      %dma_start3A_45 = arith.constant 0 : i32
      %dma_start3A_46 = tpu.memref_slice %arg6[%add3A_44, %dma_start3A_45] : memref<80x128xi32, #tpu.memory_space<vmem>> -> memref<1x128xi32, #tpu.memory_space<vmem>>
      %dma_start3A_47 = tpu.memref_squeeze %dma_start3A_46 : memref<1x128xi32, #tpu.memory_space<vmem>> -> memref<128xi32, #tpu.memory_space<vmem>>
      %dma_start3A_48 = arith.constant 0 : i32
      %dma_start3A_49 = arith.constant 0 : i32
      %dma_start3A_50 = tpu.memref_slice %arg8[%dma_start3A_48, %dma_start3A_49] : memref<10240x16xf32, #tpu.memory_space<vmem_shared>> -> memref<10240x16xf32, #tpu.memory_space<vmem_shared>>
      tpu.enqueue_indirect_dma source(%arg7 : memref<128x16xf32, #tpu.memory_space<vmem>>) target(%dma_start3A_50 : memref<10240x16xf32, #tpu.memory_space<vmem_shared>>) offsets(%dma_start3A_47 : memref<128xi32, #tpu.memory_space<vmem>>) semaphore(%arg9 : memref<!tpu.dma_semaphore, #tpu.memory_space<semaphore_mem>>) {add = true}
      %add3A_51 = arith.constant 2 : i32
      %add3A_52 = arith.addi %mul3A_35, %add3A_51 : i32
      %dma_start3A_53 = arith.constant 0 : i32
      %dma_start3A_54 = tpu.memref_slice %arg6[%add3A_52, %dma_start3A_53] : memref<80x128xi32, #tpu.memory_space<vmem>> -> memref<1x128xi32, #tpu.memory_space<vmem>>
      %dma_start3A_55 = tpu.memref_squeeze %dma_start3A_54 : memref<1x128xi32, #tpu.memory_space<vmem>> -> memref<128xi32, #tpu.memory_space<vmem>>
      %dma_start3A_56 = arith.constant 0 : i32
      %dma_start3A_57 = arith.constant 0 : i32
      %dma_start3A_58 = tpu.memref_slice %arg8[%dma_start3A_56, %dma_start3A_57] : memref<10240x16xf32, #tpu.memory_space<vmem_shared>> -> memref<10240x16xf32, #tpu.memory_space<vmem_shared>>
      tpu.enqueue_indirect_dma source(%arg7 : memref<128x16xf32, #tpu.memory_space<vmem>>) target(%dma_start3A_58 : memref<10240x16xf32, #tpu.memory_space<vmem_shared>>) offsets(%dma_start3A_55 : memref<128xi32, #tpu.memory_space<vmem>>) semaphore(%arg9 : memref<!tpu.dma_semaphore, #tpu.memory_space<semaphore_mem>>) {add = true}
      %add3A_59 = arith.constant 3 : i32
      %add3A_60 = arith.addi %mul3A_35, %add3A_59 : i32
      %dma_start3A_61 = arith.constant 0 : i32
      %dma_start3A_62 = tpu.memref_slice %arg6[%add3A_60, %dma_start3A_61] : memref<80x128xi32, #tpu.memory_space<vmem>> -> memref<1x128xi32, #tpu.memory_space<vmem>>
      %dma_start3A_63 = tpu.memref_squeeze %dma_start3A_62 : memref<1x128xi32, #tpu.memory_space<vmem>> -> memref<128xi32, #tpu.memory_space<vmem>>
      %dma_start3A_64 = arith.constant 0 : i32
      %dma_start3A_65 = arith.constant 0 : i32
      %dma_start3A_66 = tpu.memref_slice %arg8[%dma_start3A_64, %dma_start3A_65] : memref<10240x16xf32, #tpu.memory_space<vmem_shared>> -> memref<10240x16xf32, #tpu.memory_space<vmem_shared>>
      tpu.enqueue_indirect_dma source(%arg7 : memref<128x16xf32, #tpu.memory_space<vmem>>) target(%dma_start3A_66 : memref<10240x16xf32, #tpu.memory_space<vmem_shared>>) offsets(%dma_start3A_63 : memref<128xi32, #tpu.memory_space<vmem>>) semaphore(%arg9 : memref<!tpu.dma_semaphore, #tpu.memory_space<semaphore_mem>>) {add = true}
      %add3A_67 = arith.constant 4 : i32
      %add3A_68 = arith.addi %mul3A_35, %add3A_67 : i32
      %dma_start3A_69 = arith.constant 0 : i32
      %dma_start3A_70 = tpu.memref_slice %arg6[%add3A_68, %dma_start3A_69] : memref<80x128xi32, #tpu.memory_space<vmem>> -> memref<1x128xi32, #tpu.memory_space<vmem>>
      %dma_start3A_71 = tpu.memref_squeeze %dma_start3A_70 : memref<1x128xi32, #tpu.memory_space<vmem>> -> memref<128xi32, #tpu.memory_space<vmem>>
      %dma_start3A_72 = arith.constant 0 : i32
      %dma_start3A_73 = arith.constant 0 : i32
      %dma_start3A_74 = tpu.memref_slice %arg8[%dma_start3A_72, %dma_start3A_73] : memref<10240x16xf32, #tpu.memory_space<vmem_shared>> -> memref<10240x16xf32, #tpu.memory_space<vmem_shared>>
      tpu.enqueue_indirect_dma source(%arg7 : memref<128x16xf32, #tpu.memory_space<vmem>>) target(%dma_start3A_74 : memref<10240x16xf32, #tpu.memory_space<vmem_shared>>) offsets(%dma_start3A_71 : memref<128xi32, #tpu.memory_space<vmem>>) semaphore(%arg9 : memref<!tpu.dma_semaphore, #tpu.memory_space<semaphore_mem>>) {add = true}
      %add3A_75 = arith.constant 5 : i32
      %add3A_76 = arith.addi %mul3A_35, %add3A_75 : i32
      %dma_start3A_77 = arith.constant 0 : i32
      %dma_start3A_78 = tpu.memref_slice %arg6[%add3A_76, %dma_start3A_77] : memref<80x128xi32, #tpu.memory_space<vmem>> -> memref<1x128xi32, #tpu.memory_space<vmem>>
      %dma_start3A_79 = tpu.memref_squeeze %dma_start3A_78 : memref<1x128xi32, #tpu.memory_space<vmem>> -> memref<128xi32, #tpu.memory_space<vmem>>
      %dma_start3A_80 = arith.constant 0 : i32
      %dma_start3A_81 = arith.constant 0 : i32
      %dma_start3A_82 = tpu.memref_slice %arg8[%dma_start3A_80, %dma_start3A_81] : memref<10240x16xf32, #tpu.memory_space<vmem_shared>> -> memref<10240x16xf32, #tpu.memory_space<vmem_shared>>
      tpu.enqueue_indirect_dma source(%arg7 : memref<128x16xf32, #tpu.memory_space<vmem>>) target(%dma_start3A_82 : memref<10240x16xf32, #tpu.memory_space<vmem_shared>>) offsets(%dma_start3A_79 : memref<128xi32, #tpu.memory_space<vmem>>) semaphore(%arg9 : memref<!tpu.dma_semaphore, #tpu.memory_space<semaphore_mem>>) {add = true}
      %add3A_83 = arith.constant 6 : i32
      %add3A_84 = arith.addi %mul3A_35, %add3A_83 : i32
      %dma_start3A_85 = arith.constant 0 : i32
      %dma_start3A_86 = tpu.memref_slice %arg6[%add3A_84, %dma_start3A_85] : memref<80x128xi32, #tpu.memory_space<vmem>> -> memref<1x128xi32, #tpu.memory_space<vmem>>
      %dma_start3A_87 = tpu.memref_squeeze %dma_start3A_86 : memref<1x128xi32, #tpu.memory_space<vmem>> -> memref<128xi32, #tpu.memory_space<vmem>>
      %dma_start3A_88 = arith.constant 0 : i32
      %dma_start3A_89 = arith.constant 0 : i32
      %dma_start3A_90 = tpu.memref_slice %arg8[%dma_start3A_88, %dma_start3A_89] : memref<10240x16xf32, #tpu.memory_space<vmem_shared>> -> memref<10240x16xf32, #tpu.memory_space<vmem_shared>>
      tpu.enqueue_indirect_dma source(%arg7 : memref<128x16xf32, #tpu.memory_space<vmem>>) target(%dma_start3A_90 : memref<10240x16xf32, #tpu.memory_space<vmem_shared>>) offsets(%dma_start3A_87 : memref<128xi32, #tpu.memory_space<vmem>>) semaphore(%arg9 : memref<!tpu.dma_semaphore, #tpu.memory_space<semaphore_mem>>) {add = true}
      %add3A_91 = arith.constant 7 : i32
      %add3A_92 = arith.addi %mul3A_35, %add3A_91 : i32
      %dma_start3A_93 = arith.constant 0 : i32
      %dma_start3A_94 = tpu.memref_slice %arg6[%add3A_92, %dma_start3A_93] : memref<80x128xi32, #tpu.memory_space<vmem>> -> memref<1x128xi32, #tpu.memory_space<vmem>>
      %dma_start3A_95 = tpu.memref_squeeze %dma_start3A_94 : memref<1x128xi32, #tpu.memory_space<vmem>> -> memref<128xi32, #tpu.memory_space<vmem>>
      %dma_start3A_96 = arith.constant 0 : i32
      %dma_start3A_97 = arith.constant 0 : i32
      %dma_start3A_98 = tpu.memref_slice %arg8[%dma_start3A_96, %dma_start3A_97] : memref<10240x16xf32, #tpu.memory_space<vmem_shared>> -> memref<10240x16xf32, #tpu.memory_space<vmem_shared>>
      tpu.enqueue_indirect_dma source(%arg7 : memref<128x16xf32, #tpu.memory_space<vmem>>) target(%dma_start3A_98 : memref<10240x16xf32, #tpu.memory_space<vmem_shared>>) offsets(%dma_start3A_95 : memref<128xi32, #tpu.memory_space<vmem>>) semaphore(%arg9 : memref<!tpu.dma_semaphore, #tpu.memory_space<semaphore_mem>>) {add = true}
      %add3A_99 = arith.constant 0 : i32
      %add3A_100 = arith.addi %mul3A_35, %add3A_99 : i32
      %dma_wait3A = arith.constant 0 : i32
      %dma_wait3A_101 = tpu.memref_slice %arg6[%add3A_100, %dma_wait3A] : memref<80x128xi32, #tpu.memory_space<vmem>> -> memref<1x128xi32, #tpu.memory_space<vmem>>
      %dma_wait3A_102 = tpu.memref_squeeze %dma_wait3A_101 : memref<1x128xi32, #tpu.memory_space<vmem>> -> memref<128xi32, #tpu.memory_space<vmem>>
      %dma_wait3A_103 = arith.constant 0 : i32
      %dma_wait3A_104 = arith.constant 0 : i32
      %dma_wait3A_105 = tpu.memref_slice %arg8[%dma_wait3A_103, %dma_wait3A_104] : memref<10240x16xf32, #tpu.memory_space<vmem_shared>> -> memref<10240x16xf32, #tpu.memory_space<vmem_shared>>
      tpu.wait_indirect_dma semaphore(%arg9 : memref<!tpu.dma_semaphore, #tpu.memory_space<semaphore_mem>>) src(%arg7 : memref<128x16xf32, #tpu.memory_space<vmem>>) dst(%dma_wait3A_105 : memref<10240x16xf32, #tpu.memory_space<vmem_shared>>)
      %add3A_106 = arith.constant 1 : i32
      %add3A_107 = arith.addi %mul3A_35, %add3A_106 : i32
      %dma_wait3A_108 = arith.constant 0 : i32
      %dma_wait3A_109 = tpu.memref_slice %arg6[%add3A_107, %dma_wait3A_108] : memref<80x128xi32, #tpu.memory_space<vmem>> -> memref<1x128xi32, #tpu.memory_space<vmem>>
      %dma_wait3A_110 = tpu.memref_squeeze %dma_wait3A_109 : memref<1x128xi32, #tpu.memory_space<vmem>> -> memref<128xi32, #tpu.memory_space<vmem>>
      %dma_wait3A_111 = arith.constant 0 : i32
      %dma_wait3A_112 = arith.constant 0 : i32
      %dma_wait3A_113 = tpu.memref_slice %arg8[%dma_wait3A_111, %dma_wait3A_112] : memref<10240x16xf32, #tpu.memory_space<vmem_shared>> -> memref<10240x16xf32, #tpu.memory_space<vmem_shared>>
      tpu.wait_indirect_dma semaphore(%arg9 : memref<!tpu.dma_semaphore, #tpu.memory_space<semaphore_mem>>) src(%arg7 : memref<128x16xf32, #tpu.memory_space<vmem>>) dst(%dma_wait3A_113 : memref<10240x16xf32, #tpu.memory_space<vmem_shared>>)
      %add3A_114 = arith.constant 2 : i32
      %add3A_115 = arith.addi %mul3A_35, %add3A_114 : i32
      %dma_wait3A_116 = arith.constant 0 : i32
      %dma_wait3A_117 = tpu.memref_slice %arg6[%add3A_115, %dma_wait3A_116] : memref<80x128xi32, #tpu.memory_space<vmem>> -> memref<1x128xi32, #tpu.memory_space<vmem>>
      %dma_wait3A_118 = tpu.memref_squeeze %dma_wait3A_117 : memref<1x128xi32, #tpu.memory_space<vmem>> -> memref<128xi32, #tpu.memory_space<vmem>>
      %dma_wait3A_119 = arith.constant 0 : i32
      %dma_wait3A_120 = arith.constant 0 : i32
      %dma_wait3A_121 = tpu.memref_slice %arg8[%dma_wait3A_119, %dma_wait3A_120] : memref<10240x16xf32, #tpu.memory_space<vmem_shared>> -> memref<10240x16xf32, #tpu.memory_space<vmem_shared>>
      tpu.wait_indirect_dma semaphore(%arg9 : memref<!tpu.dma_semaphore, #tpu.memory_space<semaphore_mem>>) src(%arg7 : memref<128x16xf32, #tpu.memory_space<vmem>>) dst(%dma_wait3A_121 : memref<10240x16xf32, #tpu.memory_space<vmem_shared>>)
      %add3A_122 = arith.constant 3 : i32
      %add3A_123 = arith.addi %mul3A_35, %add3A_122 : i32
      %dma_wait3A_124 = arith.constant 0 : i32
      %dma_wait3A_125 = tpu.memref_slice %arg6[%add3A_123, %dma_wait3A_124] : memref<80x128xi32, #tpu.memory_space<vmem>> -> memref<1x128xi32, #tpu.memory_space<vmem>>
      %dma_wait3A_126 = tpu.memref_squeeze %dma_wait3A_125 : memref<1x128xi32, #tpu.memory_space<vmem>> -> memref<128xi32, #tpu.memory_space<vmem>>
      %dma_wait3A_127 = arith.constant 0 : i32
      %dma_wait3A_128 = arith.constant 0 : i32
      %dma_wait3A_129 = tpu.memref_slice %arg8[%dma_wait3A_127, %dma_wait3A_128] : memref<10240x16xf32, #tpu.memory_space<vmem_shared>> -> memref<10240x16xf32, #tpu.memory_space<vmem_shared>>
      tpu.wait_indirect_dma semaphore(%arg9 : memref<!tpu.dma_semaphore, #tpu.memory_space<semaphore_mem>>) src(%arg7 : memref<128x16xf32, #tpu.memory_space<vmem>>) dst(%dma_wait3A_129 : memref<10240x16xf32, #tpu.memory_space<vmem_shared>>)
      %add3A_130 = arith.constant 4 : i32
      %add3A_131 = arith.addi %mul3A_35, %add3A_130 : i32
      %dma_wait3A_132 = arith.constant 0 : i32
      %dma_wait3A_133 = tpu.memref_slice %arg6[%add3A_131, %dma_wait3A_132] : memref<80x128xi32, #tpu.memory_space<vmem>> -> memref<1x128xi32, #tpu.memory_space<vmem>>
      %dma_wait3A_134 = tpu.memref_squeeze %dma_wait3A_133 : memref<1x128xi32, #tpu.memory_space<vmem>> -> memref<128xi32, #tpu.memory_space<vmem>>
      %dma_wait3A_135 = arith.constant 0 : i32
      %dma_wait3A_136 = arith.constant 0 : i32
      %dma_wait3A_137 = tpu.memref_slice %arg8[%dma_wait3A_135, %dma_wait3A_136] : memref<10240x16xf32, #tpu.memory_space<vmem_shared>> -> memref<10240x16xf32, #tpu.memory_space<vmem_shared>>
      tpu.wait_indirect_dma semaphore(%arg9 : memref<!tpu.dma_semaphore, #tpu.memory_space<semaphore_mem>>) src(%arg7 : memref<128x16xf32, #tpu.memory_space<vmem>>) dst(%dma_wait3A_137 : memref<10240x16xf32, #tpu.memory_space<vmem_shared>>)
      %add3A_138 = arith.constant 5 : i32
      %add3A_139 = arith.addi %mul3A_35, %add3A_138 : i32
      %dma_wait3A_140 = arith.constant 0 : i32
      %dma_wait3A_141 = tpu.memref_slice %arg6[%add3A_139, %dma_wait3A_140] : memref<80x128xi32, #tpu.memory_space<vmem>> -> memref<1x128xi32, #tpu.memory_space<vmem>>
      %dma_wait3A_142 = tpu.memref_squeeze %dma_wait3A_141 : memref<1x128xi32, #tpu.memory_space<vmem>> -> memref<128xi32, #tpu.memory_space<vmem>>
      %dma_wait3A_143 = arith.constant 0 : i32
      %dma_wait3A_144 = arith.constant 0 : i32
      %dma_wait3A_145 = tpu.memref_slice %arg8[%dma_wait3A_143, %dma_wait3A_144] : memref<10240x16xf32, #tpu.memory_space<vmem_shared>> -> memref<10240x16xf32, #tpu.memory_space<vmem_shared>>
      tpu.wait_indirect_dma semaphore(%arg9 : memref<!tpu.dma_semaphore, #tpu.memory_space<semaphore_mem>>) src(%arg7 : memref<128x16xf32, #tpu.memory_space<vmem>>) dst(%dma_wait3A_145 : memref<10240x16xf32, #tpu.memory_space<vmem_shared>>)
      %add3A_146 = arith.constant 6 : i32
      %add3A_147 = arith.addi %mul3A_35, %add3A_146 : i32
      %dma_wait3A_148 = arith.constant 0 : i32
      %dma_wait3A_149 = tpu.memref_slice %arg6[%add3A_147, %dma_wait3A_148] : memref<80x128xi32, #tpu.memory_space<vmem>> -> memref<1x128xi32, #tpu.memory_space<vmem>>
      %dma_wait3A_150 = tpu.memref_squeeze %dma_wait3A_149 : memref<1x128xi32, #tpu.memory_space<vmem>> -> memref<128xi32, #tpu.memory_space<vmem>>
      %dma_wait3A_151 = arith.constant 0 : i32
      %dma_wait3A_152 = arith.constant 0 : i32
      %dma_wait3A_153 = tpu.memref_slice %arg8[%dma_wait3A_151, %dma_wait3A_152] : memref<10240x16xf32, #tpu.memory_space<vmem_shared>> -> memref<10240x16xf32, #tpu.memory_space<vmem_shared>>
      tpu.wait_indirect_dma semaphore(%arg9 : memref<!tpu.dma_semaphore, #tpu.memory_space<semaphore_mem>>) src(%arg7 : memref<128x16xf32, #tpu.memory_space<vmem>>) dst(%dma_wait3A_153 : memref<10240x16xf32, #tpu.memory_space<vmem_shared>>)
      %add3A_154 = arith.constant 7 : i32
      %add3A_155 = arith.addi %mul3A_35, %add3A_154 : i32
      %dma_wait3A_156 = arith.constant 0 : i32
      %dma_wait3A_157 = tpu.memref_slice %arg6[%add3A_155, %dma_wait3A_156] : memref<80x128xi32, #tpu.memory_space<vmem>> -> memref<1x128xi32, #tpu.memory_space<vmem>>
      %dma_wait3A_158 = tpu.memref_squeeze %dma_wait3A_157 : memref<1x128xi32, #tpu.memory_space<vmem>> -> memref<128xi32, #tpu.memory_space<vmem>>
      %dma_wait3A_159 = arith.constant 0 : i32
      %dma_wait3A_160 = arith.constant 0 : i32
      %dma_wait3A_161 = tpu.memref_slice %arg8[%dma_wait3A_159, %dma_wait3A_160] : memref<10240x16xf32, #tpu.memory_space<vmem_shared>> -> memref<10240x16xf32, #tpu.memory_space<vmem_shared>>
      tpu.wait_indirect_dma semaphore(%arg9 : memref<!tpu.dma_semaphore, #tpu.memory_space<semaphore_mem>>) src(%arg7 : memref<128x16xf32, #tpu.memory_space<vmem>>) dst(%dma_wait3A_161 : memref<10240x16xf32, #tpu.memory_space<vmem_shared>>)
    }
    %while3A_31 = arith.constant 1 : i32
    scf.for %while3A_33 = %while3A_29 to %while3A_25 step %while3A_31  : i32 {
      %mul3A_34 = arith.constant 8 : i32
      %mul3A_35 = arith.muli %while3A_33, %mul3A_34 : i32
      %add3A_36 = arith.constant 0 : i32
      %add3A_37 = arith.addi %mul3A_35, %add3A_36 : i32
      %dma_start3A = arith.constant 0 : i32
      %dma_start3A_38 = tpu.memref_slice %arg6[%add3A_37, %dma_start3A] : memref<80x128xi32, #tpu.memory_space<vmem>> -> memref<1x128xi32, #tpu.memory_space<vmem>>
      %dma_start3A_39 = tpu.memref_squeeze %dma_start3A_38 : memref<1x128xi32, #tpu.memory_space<vmem>> -> memref<128xi32, #tpu.memory_space<vmem>>
      %dma_start3A_40 = arith.constant 0 : i32
      %dma_start3A_41 = arith.constant 0 : i32
      %dma_start3A_42 = tpu.memref_slice %arg8[%dma_start3A_40, %dma_start3A_41] : memref<10240x16xf32, #tpu.memory_space<vmem_shared>> -> memref<10240x16xf32, #tpu.memory_space<vmem_shared>>
      tpu.enqueue_indirect_dma source(%arg7 : memref<128x16xf32, #tpu.memory_space<vmem>>) target(%dma_start3A_42 : memref<10240x16xf32, #tpu.memory_space<vmem_shared>>) offsets(%dma_start3A_39 : memref<128xi32, #tpu.memory_space<vmem>>) semaphore(%arg9 : memref<!tpu.dma_semaphore, #tpu.memory_space<semaphore_mem>>) {add = true}
      %add3A_43 = arith.constant 1 : i32
      %add3A_44 = arith.addi %mul3A_35, %add3A_43 : i32
      %dma_start3A_45 = arith.constant 0 : i32
      %dma_start3A_46 = tpu.memref_slice %arg6[%add3A_44, %dma_start3A_45] : memref<80x128xi32, #tpu.memory_space<vmem>> -> memref<1x128xi32, #tpu.memory_space<vmem>>
      %dma_start3A_47 = tpu.memref_squeeze %dma_start3A_46 : memref<1x128xi32, #tpu.memory_space<vmem>> -> memref<128xi32, #tpu.memory_space<vmem>>
      %dma_start3A_48 = arith.constant 0 : i32
      %dma_start3A_49 = arith.constant 0 : i32
      %dma_start3A_50 = tpu.memref_slice %arg8[%dma_start3A_48, %dma_start3A_49] : memref<10240x16xf32, #tpu.memory_space<vmem_shared>> -> memref<10240x16xf32, #tpu.memory_space<vmem_shared>>
      tpu.enqueue_indirect_dma source(%arg7 : memref<128x16xf32, #tpu.memory_space<vmem>>) target(%dma_start3A_50 : memref<10240x16xf32, #tpu.memory_space<vmem_shared>>) offsets(%dma_start3A_47 : memref<128xi32, #tpu.memory_space<vmem>>) semaphore(%arg9 : memref<!tpu.dma_semaphore, #tpu.memory_space<semaphore_mem>>) {add = true}
      %add3A_51 = arith.constant 2 : i32
      %add3A_52 = arith.addi %mul3A_35, %add3A_51 : i32
      %dma_start3A_53 = arith.constant 0 : i32
      %dma_start3A_54 = tpu.memref_slice %arg6[%add3A_52, %dma_start3A_53] : memref<80x128xi32, #tpu.memory_space<vmem>> -> memref<1x128xi32, #tpu.memory_space<vmem>>
      %dma_start3A_55 = tpu.memref_squeeze %dma_start3A_54 : memref<1x128xi32, #tpu.memory_space<vmem>> -> memref<128xi32, #tpu.memory_space<vmem>>
      %dma_start3A_56 = arith.constant 0 : i32
      %dma_start3A_57 = arith.constant 0 : i32
      %dma_start3A_58 = tpu.memref_slice %arg8[%dma_start3A_56, %dma_start3A_57] : memref<10240x16xf32, #tpu.memory_space<vmem_shared>> -> memref<10240x16xf32, #tpu.memory_space<vmem_shared>>
      tpu.enqueue_indirect_dma source(%arg7 : memref<128x16xf32, #tpu.memory_space<vmem>>) target(%dma_start3A_58 : memref<10240x16xf32, #tpu.memory_space<vmem_shared>>) offsets(%dma_start3A_55 : memref<128xi32, #tpu.memory_space<vmem>>) semaphore(%arg9 : memref<!tpu.dma_semaphore, #tpu.memory_space<semaphore_mem>>) {add = true}
      %add3A_59 = arith.constant 3 : i32
      %add3A_60 = arith.addi %mul3A_35, %add3A_59 : i32
      %dma_start3A_61 = arith.constant 0 : i32
      %dma_start3A_62 = tpu.memref_slice %arg6[%add3A_60, %dma_start3A_61] : memref<80x128xi32, #tpu.memory_space<vmem>> -> memref<1x128xi32, #tpu.memory_space<vmem>>
      %dma_start3A_63 = tpu.memref_squeeze %dma_start3A_62 : memref<1x128xi32, #tpu.memory_space<vmem>> -> memref<128xi32, #tpu.memory_space<vmem>>
      %dma_start3A_64 = arith.constant 0 : i32
      %dma_start3A_65 = arith.constant 0 : i32
      %dma_start3A_66 = tpu.memref_slice %arg8[%dma_start3A_64, %dma_start3A_65] : memref<10240x16xf32, #tpu.memory_space<vmem_shared>> -> memref<10240x16xf32, #tpu.memory_space<vmem_shared>>
      tpu.enqueue_indirect_dma source(%arg7 : memref<128x16xf32, #tpu.memory_space<vmem>>) target(%dma_start3A_66 : memref<10240x16xf32, #tpu.memory_space<vmem_shared>>) offsets(%dma_start3A_63 : memref<128xi32, #tpu.memory_space<vmem>>) semaphore(%arg9 : memref<!tpu.dma_semaphore, #tpu.memory_space<semaphore_mem>>) {add = true}
      %add3A_67 = arith.constant 4 : i32
      %add3A_68 = arith.addi %mul3A_35, %add3A_67 : i32
      %dma_start3A_69 = arith.constant 0 : i32
      %dma_start3A_70 = tpu.memref_slice %arg6[%add3A_68, %dma_start3A_69] : memref<80x128xi32, #tpu.memory_space<vmem>> -> memref<1x128xi32, #tpu.memory_space<vmem>>
      %dma_start3A_71 = tpu.memref_squeeze %dma_start3A_70 : memref<1x128xi32, #tpu.memory_space<vmem>> -> memref<128xi32, #tpu.memory_space<vmem>>
      %dma_start3A_72 = arith.constant 0 : i32
      %dma_start3A_73 = arith.constant 0 : i32
      %dma_start3A_74 = tpu.memref_slice %arg8[%dma_start3A_72, %dma_start3A_73] : memref<10240x16xf32, #tpu.memory_space<vmem_shared>> -> memref<10240x16xf32, #tpu.memory_space<vmem_shared>>
      tpu.enqueue_indirect_dma source(%arg7 : memref<128x16xf32, #tpu.memory_space<vmem>>) target(%dma_start3A_74 : memref<10240x16xf32, #tpu.memory_space<vmem_shared>>) offsets(%dma_start3A_71 : memref<128xi32, #tpu.memory_space<vmem>>) semaphore(%arg9 : memref<!tpu.dma_semaphore, #tpu.memory_space<semaphore_mem>>) {add = true}
      %add3A_75 = arith.constant 5 : i32
      %add3A_76 = arith.addi %mul3A_35, %add3A_75 : i32
      %dma_start3A_77 = arith.constant 0 : i32
      %dma_start3A_78 = tpu.memref_slice %arg6[%add3A_76, %dma_start3A_77] : memref<80x128xi32, #tpu.memory_space<vmem>> -> memref<1x128xi32, #tpu.memory_space<vmem>>
      %dma_start3A_79 = tpu.memref_squeeze %dma_start3A_78 : memref<1x128xi32, #tpu.memory_space<vmem>> -> memref<128xi32, #tpu.memory_space<vmem>>
      %dma_start3A_80 = arith.constant 0 : i32
      %dma_start3A_81 = arith.constant 0 : i32
      %dma_start3A_82 = tpu.memref_slice %arg8[%dma_start3A_80, %dma_start3A_81] : memref<10240x16xf32, #tpu.memory_space<vmem_shared>> -> memref<10240x16xf32, #tpu.memory_space<vmem_shared>>
      tpu.enqueue_indirect_dma source(%arg7 : memref<128x16xf32, #tpu.memory_space<vmem>>) target(%dma_start3A_82 : memref<10240x16xf32, #tpu.memory_space<vmem_shared>>) offsets(%dma_start3A_79 : memref<128xi32, #tpu.memory_space<vmem>>) semaphore(%arg9 : memref<!tpu.dma_semaphore, #tpu.memory_space<semaphore_mem>>) {add = true}
      %add3A_83 = arith.constant 6 : i32
      %add3A_84 = arith.addi %mul3A_35, %add3A_83 : i32
      %dma_start3A_85 = arith.constant 0 : i32
      %dma_start3A_86 = tpu.memref_slice %arg6[%add3A_84, %dma_start3A_85] : memref<80x128xi32, #tpu.memory_space<vmem>> -> memref<1x128xi32, #tpu.memory_space<vmem>>
      %dma_start3A_87 = tpu.memref_squeeze %dma_start3A_86 : memref<1x128xi32, #tpu.memory_space<vmem>> -> memref<128xi32, #tpu.memory_space<vmem>>
      %dma_start3A_88 = arith.constant 0 : i32
      %dma_start3A_89 = arith.constant 0 : i32
      %dma_start3A_90 = tpu.memref_slice %arg8[%dma_start3A_88, %dma_start3A_89] : memref<10240x16xf32, #tpu.memory_space<vmem_shared>> -> memref<10240x16xf32, #tpu.memory_space<vmem_shared>>
      tpu.enqueue_indirect_dma source(%arg7 : memref<128x16xf32, #tpu.memory_space<vmem>>) target(%dma_start3A_90 : memref<10240x16xf32, #tpu.memory_space<vmem_shared>>) offsets(%dma_start3A_87 : memref<128xi32, #tpu.memory_space<vmem>>) semaphore(%arg9 : memref<!tpu.dma_semaphore, #tpu.memory_space<semaphore_mem>>) {add = true}
      %add3A_91 = arith.constant 7 : i32
      %add3A_92 = arith.addi %mul3A_35, %add3A_91 : i32
      %dma_start3A_93 = arith.constant 0 : i32
      %dma_start3A_94 = tpu.memref_slice %arg6[%add3A_92, %dma_start3A_93] : memref<80x128xi32, #tpu.memory_space<vmem>> -> memref<1x128xi32, #tpu.memory_space<vmem>>
      %dma_start3A_95 = tpu.memref_squeeze %dma_start3A_94 : memref<1x128xi32, #tpu.memory_space<vmem>> -> memref<128xi32, #tpu.memory_space<vmem>>
      %dma_start3A_96 = arith.constant 0 : i32
      %dma_start3A_97 = arith.constant 0 : i32
      %dma_start3A_98 = tpu.memref_slice %arg8[%dma_start3A_96, %dma_start3A_97] : memref<10240x16xf32, #tpu.memory_space<vmem_shared>> -> memref<10240x16xf32, #tpu.memory_space<vmem_shared>>
      tpu.enqueue_indirect_dma source(%arg7 : memref<128x16xf32, #tpu.memory_space<vmem>>) target(%dma_start3A_98 : memref<10240x16xf32, #tpu.memory_space<vmem_shared>>) offsets(%dma_start3A_95 : memref<128xi32, #tpu.memory_space<vmem>>) semaphore(%arg9 : memref<!tpu.dma_semaphore, #tpu.memory_space<semaphore_mem>>) {add = true}
      %add3A_99 = arith.constant 0 : i32
      %add3A_100 = arith.addi %mul3A_35, %add3A_99 : i32
      %dma_wait3A = arith.constant 0 : i32
      %dma_wait3A_101 = tpu.memref_slice %arg6[%add3A_100, %dma_wait3A] : memref<80x128xi32, #tpu.memory_space<vmem>> -> memref<1x128xi32, #tpu.memory_space<vmem>>
      %dma_wait3A_102 = tpu.memref_squeeze %dma_wait3A_101 : memref<1x128xi32, #tpu.memory_space<vmem>> -> memref<128xi32, #tpu.memory_space<vmem>>
      %dma_wait3A_103 = arith.constant 0 : i32
      %dma_wait3A_104 = arith.constant 0 : i32
      %dma_wait3A_105 = tpu.memref_slice %arg8[%dma_wait3A_103, %dma_wait3A_104] : memref<10240x16xf32, #tpu.memory_space<vmem_shared>> -> memref<10240x16xf32, #tpu.memory_space<vmem_shared>>
      tpu.wait_indirect_dma semaphore(%arg9 : memref<!tpu.dma_semaphore, #tpu.memory_space<semaphore_mem>>) src(%arg7 : memref<128x16xf32, #tpu.memory_space<vmem>>) dst(%dma_wait3A_105 : memref<10240x16xf32, #tpu.memory_space<vmem_shared>>)
      %add3A_106 = arith.constant 1 : i32
      %add3A_107 = arith.addi %mul3A_35, %add3A_106 : i32
      %dma_wait3A_108 = arith.constant 0 : i32
      %dma_wait3A_109 = tpu.memref_slice %arg6[%add3A_107, %dma_wait3A_108] : memref<80x128xi32, #tpu.memory_space<vmem>> -> memref<1x128xi32, #tpu.memory_space<vmem>>
      %dma_wait3A_110 = tpu.memref_squeeze %dma_wait3A_109 : memref<1x128xi32, #tpu.memory_space<vmem>> -> memref<128xi32, #tpu.memory_space<vmem>>
      %dma_wait3A_111 = arith.constant 0 : i32
      %dma_wait3A_112 = arith.constant 0 : i32
      %dma_wait3A_113 = tpu.memref_slice %arg8[%dma_wait3A_111, %dma_wait3A_112] : memref<10240x16xf32, #tpu.memory_space<vmem_shared>> -> memref<10240x16xf32, #tpu.memory_space<vmem_shared>>
      tpu.wait_indirect_dma semaphore(%arg9 : memref<!tpu.dma_semaphore, #tpu.memory_space<semaphore_mem>>) src(%arg7 : memref<128x16xf32, #tpu.memory_space<vmem>>) dst(%dma_wait3A_113 : memref<10240x16xf32, #tpu.memory_space<vmem_shared>>)
      %add3A_114 = arith.constant 2 : i32
      %add3A_115 = arith.addi %mul3A_35, %add3A_114 : i32
      %dma_wait3A_116 = arith.constant 0 : i32
      %dma_wait3A_117 = tpu.memref_slice %arg6[%add3A_115, %dma_wait3A_116] : memref<80x128xi32, #tpu.memory_space<vmem>> -> memref<1x128xi32, #tpu.memory_space<vmem>>
      %dma_wait3A_118 = tpu.memref_squeeze %dma_wait3A_117 : memref<1x128xi32, #tpu.memory_space<vmem>> -> memref<128xi32, #tpu.memory_space<vmem>>
      %dma_wait3A_119 = arith.constant 0 : i32
      %dma_wait3A_120 = arith.constant 0 : i32
      %dma_wait3A_121 = tpu.memref_slice %arg8[%dma_wait3A_119, %dma_wait3A_120] : memref<10240x16xf32, #tpu.memory_space<vmem_shared>> -> memref<10240x16xf32, #tpu.memory_space<vmem_shared>>
      tpu.wait_indirect_dma semaphore(%arg9 : memref<!tpu.dma_semaphore, #tpu.memory_space<semaphore_mem>>) src(%arg7 : memref<128x16xf32, #tpu.memory_space<vmem>>) dst(%dma_wait3A_121 : memref<10240x16xf32, #tpu.memory_space<vmem_shared>>)
      %add3A_122 = arith.constant 3 : i32
      %add3A_123 = arith.addi %mul3A_35, %add3A_122 : i32
      %dma_wait3A_124 = arith.constant 0 : i32
      %dma_wait3A_125 = tpu.memref_slice %arg6[%add3A_123, %dma_wait3A_124] : memref<80x128xi32, #tpu.memory_space<vmem>> -> memref<1x128xi32, #tpu.memory_space<vmem>>
      %dma_wait3A_126 = tpu.memref_squeeze %dma_wait3A_125 : memref<1x128xi32, #tpu.memory_space<vmem>> -> memref<128xi32, #tpu.memory_space<vmem>>
      %dma_wait3A_127 = arith.constant 0 : i32
      %dma_wait3A_128 = arith.constant 0 : i32
      %dma_wait3A_129 = tpu.memref_slice %arg8[%dma_wait3A_127, %dma_wait3A_128] : memref<10240x16xf32, #tpu.memory_space<vmem_shared>> -> memref<10240x16xf32, #tpu.memory_space<vmem_shared>>
      tpu.wait_indirect_dma semaphore(%arg9 : memref<!tpu.dma_semaphore, #tpu.memory_space<semaphore_mem>>) src(%arg7 : memref<128x16xf32, #tpu.memory_space<vmem>>) dst(%dma_wait3A_129 : memref<10240x16xf32, #tpu.memory_space<vmem_shared>>)
      %add3A_130 = arith.constant 4 : i32
      %add3A_131 = arith.addi %mul3A_35, %add3A_130 : i32
      %dma_wait3A_132 = arith.constant 0 : i32
      %dma_wait3A_133 = tpu.memref_slice %arg6[%add3A_131, %dma_wait3A_132] : memref<80x128xi32, #tpu.memory_space<vmem>> -> memref<1x128xi32, #tpu.memory_space<vmem>>
      %dma_wait3A_134 = tpu.memref_squeeze %dma_wait3A_133 : memref<1x128xi32, #tpu.memory_space<vmem>> -> memref<128xi32, #tpu.memory_space<vmem>>
      %dma_wait3A_135 = arith.constant 0 : i32
      %dma_wait3A_136 = arith.constant 0 : i32
      %dma_wait3A_137 = tpu.memref_slice %arg8[%dma_wait3A_135, %dma_wait3A_136] : memref<10240x16xf32, #tpu.memory_space<vmem_shared>> -> memref<10240x16xf32, #tpu.memory_space<vmem_shared>>
      tpu.wait_indirect_dma semaphore(%arg9 : memref<!tpu.dma_semaphore, #tpu.memory_space<semaphore_mem>>) src(%arg7 : memref<128x16xf32, #tpu.memory_space<vmem>>) dst(%dma_wait3A_137 : memref<10240x16xf32, #tpu.memory_space<vmem_shared>>)
      %add3A_138 = arith.constant 5 : i32
      %add3A_139 = arith.addi %mul3A_35, %add3A_138 : i32
      %dma_wait3A_140 = arith.constant 0 : i32
      %dma_wait3A_141 = tpu.memref_slice %arg6[%add3A_139, %dma_wait3A_140] : memref<80x128xi32, #tpu.memory_space<vmem>> -> memref<1x128xi32, #tpu.memory_space<vmem>>
      %dma_wait3A_142 = tpu.memref_squeeze %dma_wait3A_141 : memref<1x128xi32, #tpu.memory_space<vmem>> -> memref<128xi32, #tpu.memory_space<vmem>>
      %dma_wait3A_143 = arith.constant 0 : i32
      %dma_wait3A_144 = arith.constant 0 : i32
      %dma_wait3A_145 = tpu.memref_slice %arg8[%dma_wait3A_143, %dma_wait3A_144] : memref<10240x16xf32, #tpu.memory_space<vmem_shared>> -> memref<10240x16xf32, #tpu.memory_space<vmem_shared>>
      tpu.wait_indirect_dma semaphore(%arg9 : memref<!tpu.dma_semaphore, #tpu.memory_space<semaphore_mem>>) src(%arg7 : memref<128x16xf32, #tpu.memory_space<vmem>>) dst(%dma_wait3A_145 : memref<10240x16xf32, #tpu.memory_space<vmem_shared>>)
      %add3A_146 = arith.constant 6 : i32
      %add3A_147 = arith.addi %mul3A_35, %add3A_146 : i32
      %dma_wait3A_148 = arith.constant 0 : i32
      %dma_wait3A_149 = tpu.memref_slice %arg6[%add3A_147, %dma_wait3A_148] : memref<80x128xi32, #tpu.memory_space<vmem>> -> memref<1x128xi32, #tpu.memory_space<vmem>>
      %dma_wait3A_150 = tpu.memref_squeeze %dma_wait3A_149 : memref<1x128xi32, #tpu.memory_space<vmem>> -> memref<128xi32, #tpu.memory_space<vmem>>
      %dma_wait3A_151 = arith.constant 0 : i32
      %dma_wait3A_152 = arith.constant 0 : i32
      %dma_wait3A_153 = tpu.memref_slice %arg8[%dma_wait3A_151, %dma_wait3A_152] : memref<10240x16xf32, #tpu.memory_space<vmem_shared>> -> memref<10240x16xf32, #tpu.memory_space<vmem_shared>>
      tpu.wait_indirect_dma semaphore(%arg9 : memref<!tpu.dma_semaphore, #tpu.memory_space<semaphore_mem>>) src(%arg7 : memref<128x16xf32, #tpu.memory_space<vmem>>) dst(%dma_wait3A_153 : memref<10240x16xf32, #tpu.memory_space<vmem_shared>>)
      %add3A_154 = arith.constant 7 : i32
      %add3A_155 = arith.addi %mul3A_35, %add3A_154 : i32
      %dma_wait3A_156 = arith.constant 0 : i32
      %dma_wait3A_157 = tpu.memref_slice %arg6[%add3A_155, %dma_wait3A_156] : memref<80x128xi32, #tpu.memory_space<vmem>> -> memref<1x128xi32, #tpu.memory_space<vmem>>
      %dma_wait3A_158 = tpu.memref_squeeze %dma_wait3A_157 : memref<1x128xi32, #tpu.memory_space<vmem>> -> memref<128xi32, #tpu.memory_space<vmem>>
      %dma_wait3A_159 = arith.constant 0 : i32
      %dma_wait3A_160 = arith.constant 0 : i32
      %dma_wait3A_161 = tpu.memref_slice %arg8[%dma_wait3A_159, %dma_wait3A_160] : memref<10240x16xf32, #tpu.memory_space<vmem_shared>> -> memref<10240x16xf32, #tpu.memory_space<vmem_shared>>
      tpu.wait_indirect_dma semaphore(%arg9 : memref<!tpu.dma_semaphore, #tpu.memory_space<semaphore_mem>>) src(%arg7 : memref<128x16xf32, #tpu.memory_space<vmem>>) dst(%dma_wait3A_161 : memref<10240x16xf32, #tpu.memory_space<vmem_shared>>)
    }
    %barrier3A_32 = arith.constant 0 : index
    tpu.barrier barrier_id(%barrier3A_32)
    "tpu.region"() ({
      %run_scoped3A = tpu.sem_alloc : memref<!tpu.dma_semaphore, #tpu.memory_space<semaphore_mem>>
      %dma_start3A = arith.constant 0 : i32
      %dma_start3A_33 = tpu.memref_slice %arg5[%arg0, %mul3A_4, %dma_start3A] : memref<2x10240x16xf32, #tpu.memory_space<hbm>> -> memref<1x640x16xf32, #tpu.memory_space<hbm>>
      %dma_start3A_34 = tpu.memref_squeeze %dma_start3A_33 : memref<1x640x16xf32, #tpu.memory_space<hbm>> -> memref<640x16xf32, #tpu.memory_space<hbm>>
      %dma_start3A_35 = arith.constant 0 : i32
      %dma_start3A_36 = tpu.memref_slice %arg8[%mul3A_4, %dma_start3A_35] : memref<10240x16xf32, #tpu.memory_space<vmem_shared>> -> memref<640x16xf32, #tpu.memory_space<vmem_shared>>
      tpu.enqueue_dma source(%dma_start3A_36 : memref<640x16xf32, #tpu.memory_space<vmem_shared>>) target(%dma_start3A_34 : memref<640x16xf32, #tpu.memory_space<hbm>>) target_semaphore(%run_scoped3A : memref<!tpu.dma_semaphore, #tpu.memory_space<semaphore_mem>>)
      %dma_wait3A = arith.constant 0 : i32
      %dma_wait3A_37 = tpu.memref_slice %arg5[%arg0, %mul3A_4, %dma_wait3A] : memref<2x10240x16xf32, #tpu.memory_space<hbm>> -> memref<1x640x16xf32, #tpu.memory_space<hbm>>
      %dma_wait3A_38 = tpu.memref_squeeze %dma_wait3A_37 : memref<1x640x16xf32, #tpu.memory_space<hbm>> -> memref<640x16xf32, #tpu.memory_space<hbm>>
      %dma_wait3A_39 = arith.constant 0 : i32
      %dma_wait3A_40 = tpu.memref_slice %arg8[%mul3A_4, %dma_wait3A_39] : memref<10240x16xf32, #tpu.memory_space<vmem_shared>> -> memref<640x16xf32, #tpu.memory_space<vmem_shared>>
      tpu.wait_dma2 semaphore(%run_scoped3A : memref<!tpu.dma_semaphore, #tpu.memory_space<semaphore_mem>>) src(%dma_wait3A_40 : memref<640x16xf32, #tpu.memory_space<vmem_shared>>) dst(%dma_wait3A_38 : memref<640x16xf32, #tpu.memory_space<hbm>>)
      tpu.yield
    }) : () -> ()
    return
  }
}

#map = affine_map<(d0, d1) -> (0, 0)>
#map1 = affine_map<(d0, d1) -> (0, 0, 0)>
module attributes {stable_mosaic.version = 14 : i64} {
  func.func @agg_kernel(%arg0: i32, %arg1: i32, %arg2: memref<10240x64xf32, #tpu.memory_space<hbm>>, %arg3: memref<32x80x128xi32, #tpu.memory_space<hbm>>, %arg4: memref<32x80x128xi32, #tpu.memory_space<hbm>>, %arg5: memref<2x10240x64xf32, #tpu.memory_space<hbm>>, %arg6: memref<80x128xi32, #tpu.memory_space<vmem>>, %arg7: memref<80x128xi32, #tpu.memory_space<vmem>>, %arg8: memref<2x128x64xf32, #tpu.memory_space<vmem>>, %arg9: memref<10240x64xf32, #tpu.memory_space<vmem_shared>>, %arg10: memref<10240x64xf32, #tpu.memory_space<vmem_shared>>, %arg11: memref<!tpu.dma_semaphore, #tpu.memory_space<semaphore_mem>>, %arg12: memref<!tpu.dma_semaphore, #tpu.memory_space<semaphore_mem>>, %arg13: memref<!tpu.dma_semaphore, #tpu.memory_space<semaphore_mem>>, %arg14: memref<!tpu.dma_semaphore, #tpu.memory_space<semaphore_mem>>) attributes {dimension_semantics = [#tpu.dimension_semantics<core_parallel>, #tpu.dimension_semantics<subcore_parallel>], iteration_bounds = array<i64: 2, 16>, scalar_prefetch = 0 : i64, scratch_operands = 9 : i64, tpu.core_type = #tpu.core_type<sc_vector_subcore>, window_params = [{transform_indices = #map}, {transform_indices = #map1}, {transform_indices = #map1}, {transform_indices = #map1}]} {
    %mul3A = arith.constant 16 : i32
    %mul3A_0 = arith.muli %arg0, %mul3A : i32
    %add3A = arith.addi %mul3A_0, %arg1 : i32
    "tpu.region"() ({
      %run_scoped3A_133 = tpu.sem_alloc : memref<!tpu.dma_semaphore, #tpu.memory_space<semaphore_mem>>
      %dma_start3A_134 = arith.constant 0 : i32
      %dma_start3A_135 = arith.constant 0 : i32
      %dma_start3A_136 = tpu.memref_slice %arg3[%add3A, %dma_start3A_134, %dma_start3A_135] : memref<32x80x128xi32, #tpu.memory_space<hbm>> -> memref<1x80x128xi32, #tpu.memory_space<hbm>>
      %dma_start3A_137 = tpu.memref_squeeze %dma_start3A_136 : memref<1x80x128xi32, #tpu.memory_space<hbm>> -> memref<80x128xi32, #tpu.memory_space<hbm>>
      %dma_start3A_138 = arith.constant 0 : i32
      %dma_start3A_139 = arith.constant 0 : i32
      %dma_start3A_140 = tpu.memref_slice %arg3[%add3A, %dma_start3A_138, %dma_start3A_139] : memref<32x80x128xi32, #tpu.memory_space<hbm>> -> memref<1x80x128xi32, #tpu.memory_space<hbm>>
      %dma_start3A_141 = tpu.memref_squeeze %dma_start3A_140 : memref<1x80x128xi32, #tpu.memory_space<hbm>> -> memref<80x128xi32, #tpu.memory_space<hbm>>
      tpu.enqueue_dma source(%dma_start3A_141 : memref<80x128xi32, #tpu.memory_space<hbm>>) target(%arg6 : memref<80x128xi32, #tpu.memory_space<vmem>>) target_semaphore(%run_scoped3A_133 : memref<!tpu.dma_semaphore, #tpu.memory_space<semaphore_mem>>)
      %dma_wait3A_142 = arith.constant 0 : i32
      %dma_wait3A_143 = arith.constant 0 : i32
      %dma_wait3A_144 = tpu.memref_slice %arg3[%add3A, %dma_wait3A_142, %dma_wait3A_143] : memref<32x80x128xi32, #tpu.memory_space<hbm>> -> memref<1x80x128xi32, #tpu.memory_space<hbm>>
      %dma_wait3A_145 = tpu.memref_squeeze %dma_wait3A_144 : memref<1x80x128xi32, #tpu.memory_space<hbm>> -> memref<80x128xi32, #tpu.memory_space<hbm>>
      %dma_wait3A_146 = arith.constant 0 : i32
      %dma_wait3A_147 = arith.constant 0 : i32
      %dma_wait3A_148 = tpu.memref_slice %arg3[%add3A, %dma_wait3A_146, %dma_wait3A_147] : memref<32x80x128xi32, #tpu.memory_space<hbm>> -> memref<1x80x128xi32, #tpu.memory_space<hbm>>
      %dma_wait3A_149 = tpu.memref_squeeze %dma_wait3A_148 : memref<1x80x128xi32, #tpu.memory_space<hbm>> -> memref<80x128xi32, #tpu.memory_space<hbm>>
      tpu.wait_dma2 semaphore(%run_scoped3A_133 : memref<!tpu.dma_semaphore, #tpu.memory_space<semaphore_mem>>) src(%dma_wait3A_149 : memref<80x128xi32, #tpu.memory_space<hbm>>) dst(%arg6 : memref<80x128xi32, #tpu.memory_space<vmem>>)
      tpu.yield
    }) : () -> ()
    "tpu.region"() ({
      %run_scoped3A_133 = tpu.sem_alloc : memref<!tpu.dma_semaphore, #tpu.memory_space<semaphore_mem>>
      %dma_start3A_134 = arith.constant 0 : i32
      %dma_start3A_135 = arith.constant 0 : i32
      %dma_start3A_136 = tpu.memref_slice %arg4[%add3A, %dma_start3A_134, %dma_start3A_135] : memref<32x80x128xi32, #tpu.memory_space<hbm>> -> memref<1x80x128xi32, #tpu.memory_space<hbm>>
      %dma_start3A_137 = tpu.memref_squeeze %dma_start3A_136 : memref<1x80x128xi32, #tpu.memory_space<hbm>> -> memref<80x128xi32, #tpu.memory_space<hbm>>
      %dma_start3A_138 = arith.constant 0 : i32
      %dma_start3A_139 = arith.constant 0 : i32
      %dma_start3A_140 = tpu.memref_slice %arg4[%add3A, %dma_start3A_138, %dma_start3A_139] : memref<32x80x128xi32, #tpu.memory_space<hbm>> -> memref<1x80x128xi32, #tpu.memory_space<hbm>>
      %dma_start3A_141 = tpu.memref_squeeze %dma_start3A_140 : memref<1x80x128xi32, #tpu.memory_space<hbm>> -> memref<80x128xi32, #tpu.memory_space<hbm>>
      tpu.enqueue_dma source(%dma_start3A_141 : memref<80x128xi32, #tpu.memory_space<hbm>>) target(%arg7 : memref<80x128xi32, #tpu.memory_space<vmem>>) target_semaphore(%run_scoped3A_133 : memref<!tpu.dma_semaphore, #tpu.memory_space<semaphore_mem>>)
      %dma_wait3A_142 = arith.constant 0 : i32
      %dma_wait3A_143 = arith.constant 0 : i32
      %dma_wait3A_144 = tpu.memref_slice %arg4[%add3A, %dma_wait3A_142, %dma_wait3A_143] : memref<32x80x128xi32, #tpu.memory_space<hbm>> -> memref<1x80x128xi32, #tpu.memory_space<hbm>>
      %dma_wait3A_145 = tpu.memref_squeeze %dma_wait3A_144 : memref<1x80x128xi32, #tpu.memory_space<hbm>> -> memref<80x128xi32, #tpu.memory_space<hbm>>
      %dma_wait3A_146 = arith.constant 0 : i32
      %dma_wait3A_147 = arith.constant 0 : i32
      %dma_wait3A_148 = tpu.memref_slice %arg4[%add3A, %dma_wait3A_146, %dma_wait3A_147] : memref<32x80x128xi32, #tpu.memory_space<hbm>> -> memref<1x80x128xi32, #tpu.memory_space<hbm>>
      %dma_wait3A_149 = tpu.memref_squeeze %dma_wait3A_148 : memref<1x80x128xi32, #tpu.memory_space<hbm>> -> memref<80x128xi32, #tpu.memory_space<hbm>>
      tpu.wait_dma2 semaphore(%run_scoped3A_133 : memref<!tpu.dma_semaphore, #tpu.memory_space<semaphore_mem>>) src(%dma_wait3A_149 : memref<80x128xi32, #tpu.memory_space<hbm>>) dst(%arg7 : memref<80x128xi32, #tpu.memory_space<vmem>>)
      tpu.yield
    }) : () -> ()
    %mul3A_1 = arith.constant 640 : i32
    %mul3A_2 = arith.muli %arg1, %mul3A_1 : i32
    "tpu.region"() ({
      %run_scoped3A_133 = tpu.sem_alloc : memref<!tpu.dma_semaphore, #tpu.memory_space<semaphore_mem>>
      %dma_start3A_134 = arith.constant 0 : i32
      %dma_start3A_135 = tpu.memref_slice %arg10[%mul3A_2, %dma_start3A_134] : memref<10240x64xf32, #tpu.memory_space<vmem_shared>> -> memref<640x64xf32, #tpu.memory_space<vmem_shared>>
      %dma_start3A_136 = arith.constant 0 : i32
      %dma_start3A_137 = tpu.memref_slice %arg2[%mul3A_2, %dma_start3A_136] : memref<10240x64xf32, #tpu.memory_space<hbm>> -> memref<640x64xf32, #tpu.memory_space<hbm>>
      tpu.enqueue_dma source(%dma_start3A_137 : memref<640x64xf32, #tpu.memory_space<hbm>>) target(%dma_start3A_135 : memref<640x64xf32, #tpu.memory_space<vmem_shared>>) target_semaphore(%run_scoped3A_133 : memref<!tpu.dma_semaphore, #tpu.memory_space<semaphore_mem>>)
      %dma_wait3A_138 = arith.constant 0 : i32
      %dma_wait3A_139 = tpu.memref_slice %arg10[%mul3A_2, %dma_wait3A_138] : memref<10240x64xf32, #tpu.memory_space<vmem_shared>> -> memref<640x64xf32, #tpu.memory_space<vmem_shared>>
      %dma_wait3A_140 = arith.constant 0 : i32
      %dma_wait3A_141 = tpu.memref_slice %arg2[%mul3A_2, %dma_wait3A_140] : memref<10240x64xf32, #tpu.memory_space<hbm>> -> memref<640x64xf32, #tpu.memory_space<hbm>>
      tpu.wait_dma2 semaphore(%run_scoped3A_133 : memref<!tpu.dma_semaphore, #tpu.memory_space<semaphore_mem>>) src(%dma_wait3A_141 : memref<640x64xf32, #tpu.memory_space<hbm>>) dst(%dma_wait3A_139 : memref<640x64xf32, #tpu.memory_space<vmem_shared>>)
      tpu.yield
    }) : () -> ()
    %scan3A = arith.constant 0 : i32
    %scan3A_3 = arith.constant 0 : i32
    %scan3A_4 = arith.constant 128 : i32
    %scan3A_5 = arith.addi %scan3A_3, %scan3A_4 : i32
    %scan3A_6 = arith.constant 1 : i32
    scf.for %scan3A_133 = %scan3A_3 to %scan3A_5 step %scan3A_6  : i32 {
      %broadcast_in_dim3A = arith.constant 0.000000e+00 : f32
      %broadcast_in_dim3A_134 = vector.broadcast %broadcast_in_dim3A : f32 to vector<16xf32>
      %swap3A = arith.constant 0 : i32
      %swap3A_135 = arith.index_cast %swap3A : i32 to index
      %swap3A_136 = arith.index_cast %scan3A_133 : i32 to index
      %swap3A_137 = arith.constant 0 : index
      %swap3A_138 = tpu.vector_load %arg8[%swap3A_135, %swap3A_136, %swap3A_137] {strides = array<i32>} : memref<2x128x64xf32, #tpu.memory_space<vmem>>, vector<1x1x16xf32>,
      %swap3A_139 = vector.shape_cast %swap3A_138 : vector<1x1x16xf32> to vector<16xf32>
      %swap3A_140 = vector.shape_cast %broadcast_in_dim3A_134 : vector<16xf32> to vector<1x1x16xf32>
      tpu.vector_store %arg8[%swap3A_135, %swap3A_136, %swap3A_137], %swap3A_140 {strides = array<i32>} : memref<2x128x64xf32, #tpu.memory_space<vmem>>, vector<1x1x16xf32>,
      %broadcast_in_dim3A_141 = arith.constant 0.000000e+00 : f32
      %broadcast_in_dim3A_142 = vector.broadcast %broadcast_in_dim3A_141 : f32 to vector<16xf32>
      %swap3A_143 = arith.constant 0 : i32
      %swap3A_144 = arith.index_cast %swap3A_143 : i32 to index
      %swap3A_145 = arith.index_cast %scan3A_133 : i32 to index
      %swap3A_146 = arith.constant 16 : index
      %swap3A_147 = tpu.vector_load %arg8[%swap3A_144, %swap3A_145, %swap3A_146] {strides = array<i32>} : memref<2x128x64xf32, #tpu.memory_space<vmem>>, vector<1x1x16xf32>,
      %swap3A_148 = vector.shape_cast %swap3A_147 : vector<1x1x16xf32> to vector<16xf32>
      %swap3A_149 = vector.shape_cast %broadcast_in_dim3A_142 : vector<16xf32> to vector<1x1x16xf32>
      tpu.vector_store %arg8[%swap3A_144, %swap3A_145, %swap3A_146], %swap3A_149 {strides = array<i32>} : memref<2x128x64xf32, #tpu.memory_space<vmem>>, vector<1x1x16xf32>,
      %broadcast_in_dim3A_150 = arith.constant 0.000000e+00 : f32
      %broadcast_in_dim3A_151 = vector.broadcast %broadcast_in_dim3A_150 : f32 to vector<16xf32>
      %swap3A_152 = arith.constant 0 : i32
      %swap3A_153 = arith.index_cast %swap3A_152 : i32 to index
      %swap3A_154 = arith.index_cast %scan3A_133 : i32 to index
      %swap3A_155 = arith.constant 32 : index
      %swap3A_156 = tpu.vector_load %arg8[%swap3A_153, %swap3A_154, %swap3A_155] {strides = array<i32>} : memref<2x128x64xf32, #tpu.memory_space<vmem>>, vector<1x1x16xf32>,
      %swap3A_157 = vector.shape_cast %swap3A_156 : vector<1x1x16xf32> to vector<16xf32>
      %swap3A_158 = vector.shape_cast %broadcast_in_dim3A_151 : vector<16xf32> to vector<1x1x16xf32>
      tpu.vector_store %arg8[%swap3A_153, %swap3A_154, %swap3A_155], %swap3A_158 {strides = array<i32>} : memref<2x128x64xf32, #tpu.memory_space<vmem>>, vector<1x1x16xf32>,
      %broadcast_in_dim3A_159 = arith.constant 0.000000e+00 : f32
      %broadcast_in_dim3A_160 = vector.broadcast %broadcast_in_dim3A_159 : f32 to vector<16xf32>
      %swap3A_161 = arith.constant 0 : i32
      %swap3A_162 = arith.index_cast %swap3A_161 : i32 to index
      %swap3A_163 = arith.index_cast %scan3A_133 : i32 to index
      %swap3A_164 = arith.constant 48 : index
      %swap3A_165 = tpu.vector_load %arg8[%swap3A_162, %swap3A_163, %swap3A_164] {strides = array<i32>} : memref<2x128x64xf32, #tpu.memory_space<vmem>>, vector<1x1x16xf32>,
      %swap3A_166 = vector.shape_cast %swap3A_165 : vector<1x1x16xf32> to vector<16xf32>
      %swap3A_167 = vector.shape_cast %broadcast_in_dim3A_160 : vector<16xf32> to vector<1x1x16xf32>
      tpu.vector_store %arg8[%swap3A_162, %swap3A_163, %swap3A_164], %swap3A_167 {strides = array<i32>} : memref<2x128x64xf32, #tpu.memory_space<vmem>>, vector<1x1x16xf32>,
    }
    %scan3A_7 = arith.constant 128 : i32
    %mul3A_8 = arith.constant 640 : i32
    %mul3A_9 = arith.muli %arg1, %mul3A_8 : i32
    %add3A_10 = arith.constant 0 : i32
    %add3A_11 = arith.addi %mul3A_9, %add3A_10 : i32
    %run_scoped3A = arith.constant 0 : i32
    "tpu.region"() ({
      %run_scoped3A_133 = tpu.sem_alloc : memref<!tpu.dma_semaphore, #tpu.memory_space<semaphore_mem>>
      %dma_start3A_134 = arith.constant 0 : i32
      %dma_start3A_135 = arith.constant 0 : i32
      %dma_start3A_136 = tpu.memref_slice %arg8[%run_scoped3A, %dma_start3A_134, %dma_start3A_135] : memref<2x128x64xf32, #tpu.memory_space<vmem>> -> memref<1x128x64xf32, #tpu.memory_space<vmem>>
      %dma_start3A_137 = tpu.memref_squeeze %dma_start3A_136 : memref<1x128x64xf32, #tpu.memory_space<vmem>> -> memref<128x64xf32, #tpu.memory_space<vmem>>
      %dma_start3A_138 = arith.constant 0 : i32
      %dma_start3A_139 = tpu.memref_slice %arg9[%add3A_11, %dma_start3A_138] : memref<10240x64xf32, #tpu.memory_space<vmem_shared>> -> memref<128x64xf32, #tpu.memory_space<vmem_shared>>
      %dma_start3A_140 = arith.constant 0 : i32
      %dma_start3A_141 = tpu.memref_slice %arg9[%add3A_11, %dma_start3A_140] : memref<10240x64xf32, #tpu.memory_space<vmem_shared>> -> memref<128x64xf32, #tpu.memory_space<vmem_shared>>
      %dma_start3A_142 = arith.constant 0 : i32
      %dma_start3A_143 = arith.constant 0 : i32
      %dma_start3A_144 = tpu.memref_slice %arg8[%run_scoped3A, %dma_start3A_142, %dma_start3A_143] : memref<2x128x64xf32, #tpu.memory_space<vmem>> -> memref<1x128x64xf32, #tpu.memory_space<vmem>>
      %dma_start3A_145 = tpu.memref_squeeze %dma_start3A_144 : memref<1x128x64xf32, #tpu.memory_space<vmem>> -> memref<128x64xf32, #tpu.memory_space<vmem>>
      tpu.enqueue_dma source(%dma_start3A_145 : memref<128x64xf32, #tpu.memory_space<vmem>>) target(%dma_start3A_141 : memref<128x64xf32, #tpu.memory_space<vmem_shared>>) target_semaphore(%run_scoped3A_133 : memref<!tpu.dma_semaphore, #tpu.memory_space<semaphore_mem>>)
      %dma_wait3A_146 = arith.constant 0 : i32
      %dma_wait3A_147 = arith.constant 0 : i32
      %dma_wait3A_148 = tpu.memref_slice %arg8[%run_scoped3A, %dma_wait3A_146, %dma_wait3A_147] : memref<2x128x64xf32, #tpu.memory_space<vmem>> -> memref<1x128x64xf32, #tpu.memory_space<vmem>>
      %dma_wait3A_149 = tpu.memref_squeeze %dma_wait3A_148 : memref<1x128x64xf32, #tpu.memory_space<vmem>> -> memref<128x64xf32, #tpu.memory_space<vmem>>
      %dma_wait3A_150 = arith.constant 0 : i32
      %dma_wait3A_151 = tpu.memref_slice %arg9[%add3A_11, %dma_wait3A_150] : memref<10240x64xf32, #tpu.memory_space<vmem_shared>> -> memref<128x64xf32, #tpu.memory_space<vmem_shared>>
      %dma_wait3A_152 = arith.constant 0 : i32
      %dma_wait3A_153 = tpu.memref_slice %arg9[%add3A_11, %dma_wait3A_152] : memref<10240x64xf32, #tpu.memory_space<vmem_shared>> -> memref<128x64xf32, #tpu.memory_space<vmem_shared>>
      %dma_wait3A_154 = arith.constant 0 : i32
      %dma_wait3A_155 = arith.constant 0 : i32
      %dma_wait3A_156 = tpu.memref_slice %arg8[%run_scoped3A, %dma_wait3A_154, %dma_wait3A_155] : memref<2x128x64xf32, #tpu.memory_space<vmem>> -> memref<1x128x64xf32, #tpu.memory_space<vmem>>
      %dma_wait3A_157 = tpu.memref_squeeze %dma_wait3A_156 : memref<1x128x64xf32, #tpu.memory_space<vmem>> -> memref<128x64xf32, #tpu.memory_space<vmem>>
      tpu.wait_dma2 semaphore(%run_scoped3A_133 : memref<!tpu.dma_semaphore, #tpu.memory_space<semaphore_mem>>) src(%dma_wait3A_157 : memref<128x64xf32, #tpu.memory_space<vmem>>) dst(%dma_wait3A_153 : memref<128x64xf32, #tpu.memory_space<vmem_shared>>)
      tpu.yield
    }) : () -> ()
    %mul3A_12 = arith.constant 640 : i32
    %mul3A_13 = arith.muli %arg1, %mul3A_12 : i32
    %add3A_14 = arith.constant 128 : i32
    %add3A_15 = arith.addi %mul3A_13, %add3A_14 : i32
    %run_scoped3A_16 = arith.constant 0 : i32
    "tpu.region"() ({
      %run_scoped3A_133 = tpu.sem_alloc : memref<!tpu.dma_semaphore, #tpu.memory_space<semaphore_mem>>
      %dma_start3A_134 = arith.constant 0 : i32
      %dma_start3A_135 = arith.constant 0 : i32
      %dma_start3A_136 = tpu.memref_slice %arg8[%run_scoped3A_16, %dma_start3A_134, %dma_start3A_135] : memref<2x128x64xf32, #tpu.memory_space<vmem>> -> memref<1x128x64xf32, #tpu.memory_space<vmem>>
      %dma_start3A_137 = tpu.memref_squeeze %dma_start3A_136 : memref<1x128x64xf32, #tpu.memory_space<vmem>> -> memref<128x64xf32, #tpu.memory_space<vmem>>
      %dma_start3A_138 = arith.constant 0 : i32
      %dma_start3A_139 = tpu.memref_slice %arg9[%add3A_15, %dma_start3A_138] : memref<10240x64xf32, #tpu.memory_space<vmem_shared>> -> memref<128x64xf32, #tpu.memory_space<vmem_shared>>
      %dma_start3A_140 = arith.constant 0 : i32
      %dma_start3A_141 = tpu.memref_slice %arg9[%add3A_15, %dma_start3A_140] : memref<10240x64xf32, #tpu.memory_space<vmem_shared>> -> memref<128x64xf32, #tpu.memory_space<vmem_shared>>
      %dma_start3A_142 = arith.constant 0 : i32
      %dma_start3A_143 = arith.constant 0 : i32
      %dma_start3A_144 = tpu.memref_slice %arg8[%run_scoped3A_16, %dma_start3A_142, %dma_start3A_143] : memref<2x128x64xf32, #tpu.memory_space<vmem>> -> memref<1x128x64xf32, #tpu.memory_space<vmem>>
      %dma_start3A_145 = tpu.memref_squeeze %dma_start3A_144 : memref<1x128x64xf32, #tpu.memory_space<vmem>> -> memref<128x64xf32, #tpu.memory_space<vmem>>
      tpu.enqueue_dma source(%dma_start3A_145 : memref<128x64xf32, #tpu.memory_space<vmem>>) target(%dma_start3A_141 : memref<128x64xf32, #tpu.memory_space<vmem_shared>>) target_semaphore(%run_scoped3A_133 : memref<!tpu.dma_semaphore, #tpu.memory_space<semaphore_mem>>)
      %dma_wait3A_146 = arith.constant 0 : i32
      %dma_wait3A_147 = arith.constant 0 : i32
      %dma_wait3A_148 = tpu.memref_slice %arg8[%run_scoped3A_16, %dma_wait3A_146, %dma_wait3A_147] : memref<2x128x64xf32, #tpu.memory_space<vmem>> -> memref<1x128x64xf32, #tpu.memory_space<vmem>>
      %dma_wait3A_149 = tpu.memref_squeeze %dma_wait3A_148 : memref<1x128x64xf32, #tpu.memory_space<vmem>> -> memref<128x64xf32, #tpu.memory_space<vmem>>
      %dma_wait3A_150 = arith.constant 0 : i32
      %dma_wait3A_151 = tpu.memref_slice %arg9[%add3A_15, %dma_wait3A_150] : memref<10240x64xf32, #tpu.memory_space<vmem_shared>> -> memref<128x64xf32, #tpu.memory_space<vmem_shared>>
      %dma_wait3A_152 = arith.constant 0 : i32
      %dma_wait3A_153 = tpu.memref_slice %arg9[%add3A_15, %dma_wait3A_152] : memref<10240x64xf32, #tpu.memory_space<vmem_shared>> -> memref<128x64xf32, #tpu.memory_space<vmem_shared>>
      %dma_wait3A_154 = arith.constant 0 : i32
      %dma_wait3A_155 = arith.constant 0 : i32
      %dma_wait3A_156 = tpu.memref_slice %arg8[%run_scoped3A_16, %dma_wait3A_154, %dma_wait3A_155] : memref<2x128x64xf32, #tpu.memory_space<vmem>> -> memref<1x128x64xf32, #tpu.memory_space<vmem>>
      %dma_wait3A_157 = tpu.memref_squeeze %dma_wait3A_156 : memref<1x128x64xf32, #tpu.memory_space<vmem>> -> memref<128x64xf32, #tpu.memory_space<vmem>>
      tpu.wait_dma2 semaphore(%run_scoped3A_133 : memref<!tpu.dma_semaphore, #tpu.memory_space<semaphore_mem>>) src(%dma_wait3A_157 : memref<128x64xf32, #tpu.memory_space<vmem>>) dst(%dma_wait3A_153 : memref<128x64xf32, #tpu.memory_space<vmem_shared>>)
      tpu.yield
    }) : () -> ()
    %mul3A_17 = arith.constant 640 : i32
    %mul3A_18 = arith.muli %arg1, %mul3A_17 : i32
    %add3A_19 = arith.constant 256 : i32
    %add3A_20 = arith.addi %mul3A_18, %add3A_19 : i32
    %run_scoped3A_21 = arith.constant 0 : i32
    "tpu.region"() ({
      %run_scoped3A_133 = tpu.sem_alloc : memref<!tpu.dma_semaphore, #tpu.memory_space<semaphore_mem>>
      %dma_start3A_134 = arith.constant 0 : i32
      %dma_start3A_135 = arith.constant 0 : i32
      %dma_start3A_136 = tpu.memref_slice %arg8[%run_scoped3A_21, %dma_start3A_134, %dma_start3A_135] : memref<2x128x64xf32, #tpu.memory_space<vmem>> -> memref<1x128x64xf32, #tpu.memory_space<vmem>>
      %dma_start3A_137 = tpu.memref_squeeze %dma_start3A_136 : memref<1x128x64xf32, #tpu.memory_space<vmem>> -> memref<128x64xf32, #tpu.memory_space<vmem>>
      %dma_start3A_138 = arith.constant 0 : i32
      %dma_start3A_139 = tpu.memref_slice %arg9[%add3A_20, %dma_start3A_138] : memref<10240x64xf32, #tpu.memory_space<vmem_shared>> -> memref<128x64xf32, #tpu.memory_space<vmem_shared>>
      %dma_start3A_140 = arith.constant 0 : i32
      %dma_start3A_141 = tpu.memref_slice %arg9[%add3A_20, %dma_start3A_140] : memref<10240x64xf32, #tpu.memory_space<vmem_shared>> -> memref<128x64xf32, #tpu.memory_space<vmem_shared>>
      %dma_start3A_142 = arith.constant 0 : i32
      %dma_start3A_143 = arith.constant 0 : i32
      %dma_start3A_144 = tpu.memref_slice %arg8[%run_scoped3A_21, %dma_start3A_142, %dma_start3A_143] : memref<2x128x64xf32, #tpu.memory_space<vmem>> -> memref<1x128x64xf32, #tpu.memory_space<vmem>>
      %dma_start3A_145 = tpu.memref_squeeze %dma_start3A_144 : memref<1x128x64xf32, #tpu.memory_space<vmem>> -> memref<128x64xf32, #tpu.memory_space<vmem>>
      tpu.enqueue_dma source(%dma_start3A_145 : memref<128x64xf32, #tpu.memory_space<vmem>>) target(%dma_start3A_141 : memref<128x64xf32, #tpu.memory_space<vmem_shared>>) target_semaphore(%run_scoped3A_133 : memref<!tpu.dma_semaphore, #tpu.memory_space<semaphore_mem>>)
      %dma_wait3A_146 = arith.constant 0 : i32
      %dma_wait3A_147 = arith.constant 0 : i32
      %dma_wait3A_148 = tpu.memref_slice %arg8[%run_scoped3A_21, %dma_wait3A_146, %dma_wait3A_147] : memref<2x128x64xf32, #tpu.memory_space<vmem>> -> memref<1x128x64xf32, #tpu.memory_space<vmem>>
      %dma_wait3A_149 = tpu.memref_squeeze %dma_wait3A_148 : memref<1x128x64xf32, #tpu.memory_space<vmem>> -> memref<128x64xf32, #tpu.memory_space<vmem>>
      %dma_wait3A_150 = arith.constant 0 : i32
      %dma_wait3A_151 = tpu.memref_slice %arg9[%add3A_20, %dma_wait3A_150] : memref<10240x64xf32, #tpu.memory_space<vmem_shared>> -> memref<128x64xf32, #tpu.memory_space<vmem_shared>>
      %dma_wait3A_152 = arith.constant 0 : i32
      %dma_wait3A_153 = tpu.memref_slice %arg9[%add3A_20, %dma_wait3A_152] : memref<10240x64xf32, #tpu.memory_space<vmem_shared>> -> memref<128x64xf32, #tpu.memory_space<vmem_shared>>
      %dma_wait3A_154 = arith.constant 0 : i32
      %dma_wait3A_155 = arith.constant 0 : i32
      %dma_wait3A_156 = tpu.memref_slice %arg8[%run_scoped3A_21, %dma_wait3A_154, %dma_wait3A_155] : memref<2x128x64xf32, #tpu.memory_space<vmem>> -> memref<1x128x64xf32, #tpu.memory_space<vmem>>
      %dma_wait3A_157 = tpu.memref_squeeze %dma_wait3A_156 : memref<1x128x64xf32, #tpu.memory_space<vmem>> -> memref<128x64xf32, #tpu.memory_space<vmem>>
      tpu.wait_dma2 semaphore(%run_scoped3A_133 : memref<!tpu.dma_semaphore, #tpu.memory_space<semaphore_mem>>) src(%dma_wait3A_157 : memref<128x64xf32, #tpu.memory_space<vmem>>) dst(%dma_wait3A_153 : memref<128x64xf32, #tpu.memory_space<vmem_shared>>)
      tpu.yield
    }) : () -> ()
    %mul3A_22 = arith.constant 640 : i32
    %mul3A_23 = arith.muli %arg1, %mul3A_22 : i32
    %add3A_24 = arith.constant 384 : i32
    %add3A_25 = arith.addi %mul3A_23, %add3A_24 : i32
    %run_scoped3A_26 = arith.constant 0 : i32
    "tpu.region"() ({
      %run_scoped3A_133 = tpu.sem_alloc : memref<!tpu.dma_semaphore, #tpu.memory_space<semaphore_mem>>
      %dma_start3A_134 = arith.constant 0 : i32
      %dma_start3A_135 = arith.constant 0 : i32
      %dma_start3A_136 = tpu.memref_slice %arg8[%run_scoped3A_26, %dma_start3A_134, %dma_start3A_135] : memref<2x128x64xf32, #tpu.memory_space<vmem>> -> memref<1x128x64xf32, #tpu.memory_space<vmem>>
      %dma_start3A_137 = tpu.memref_squeeze %dma_start3A_136 : memref<1x128x64xf32, #tpu.memory_space<vmem>> -> memref<128x64xf32, #tpu.memory_space<vmem>>
      %dma_start3A_138 = arith.constant 0 : i32
      %dma_start3A_139 = tpu.memref_slice %arg9[%add3A_25, %dma_start3A_138] : memref<10240x64xf32, #tpu.memory_space<vmem_shared>> -> memref<128x64xf32, #tpu.memory_space<vmem_shared>>
      %dma_start3A_140 = arith.constant 0 : i32
      %dma_start3A_141 = tpu.memref_slice %arg9[%add3A_25, %dma_start3A_140] : memref<10240x64xf32, #tpu.memory_space<vmem_shared>> -> memref<128x64xf32, #tpu.memory_space<vmem_shared>>
      %dma_start3A_142 = arith.constant 0 : i32
      %dma_start3A_143 = arith.constant 0 : i32
      %dma_start3A_144 = tpu.memref_slice %arg8[%run_scoped3A_26, %dma_start3A_142, %dma_start3A_143] : memref<2x128x64xf32, #tpu.memory_space<vmem>> -> memref<1x128x64xf32, #tpu.memory_space<vmem>>
      %dma_start3A_145 = tpu.memref_squeeze %dma_start3A_144 : memref<1x128x64xf32, #tpu.memory_space<vmem>> -> memref<128x64xf32, #tpu.memory_space<vmem>>
      tpu.enqueue_dma source(%dma_start3A_145 : memref<128x64xf32, #tpu.memory_space<vmem>>) target(%dma_start3A_141 : memref<128x64xf32, #tpu.memory_space<vmem_shared>>) target_semaphore(%run_scoped3A_133 : memref<!tpu.dma_semaphore, #tpu.memory_space<semaphore_mem>>)
      %dma_wait3A_146 = arith.constant 0 : i32
      %dma_wait3A_147 = arith.constant 0 : i32
      %dma_wait3A_148 = tpu.memref_slice %arg8[%run_scoped3A_26, %dma_wait3A_146, %dma_wait3A_147] : memref<2x128x64xf32, #tpu.memory_space<vmem>> -> memref<1x128x64xf32, #tpu.memory_space<vmem>>
      %dma_wait3A_149 = tpu.memref_squeeze %dma_wait3A_148 : memref<1x128x64xf32, #tpu.memory_space<vmem>> -> memref<128x64xf32, #tpu.memory_space<vmem>>
      %dma_wait3A_150 = arith.constant 0 : i32
      %dma_wait3A_151 = tpu.memref_slice %arg9[%add3A_25, %dma_wait3A_150] : memref<10240x64xf32, #tpu.memory_space<vmem_shared>> -> memref<128x64xf32, #tpu.memory_space<vmem_shared>>
      %dma_wait3A_152 = arith.constant 0 : i32
      %dma_wait3A_153 = tpu.memref_slice %arg9[%add3A_25, %dma_wait3A_152] : memref<10240x64xf32, #tpu.memory_space<vmem_shared>> -> memref<128x64xf32, #tpu.memory_space<vmem_shared>>
      %dma_wait3A_154 = arith.constant 0 : i32
      %dma_wait3A_155 = arith.constant 0 : i32
      %dma_wait3A_156 = tpu.memref_slice %arg8[%run_scoped3A_26, %dma_wait3A_154, %dma_wait3A_155] : memref<2x128x64xf32, #tpu.memory_space<vmem>> -> memref<1x128x64xf32, #tpu.memory_space<vmem>>
      %dma_wait3A_157 = tpu.memref_squeeze %dma_wait3A_156 : memref<1x128x64xf32, #tpu.memory_space<vmem>> -> memref<128x64xf32, #tpu.memory_space<vmem>>
      tpu.wait_dma2 semaphore(%run_scoped3A_133 : memref<!tpu.dma_semaphore, #tpu.memory_space<semaphore_mem>>) src(%dma_wait3A_157 : memref<128x64xf32, #tpu.memory_space<vmem>>) dst(%dma_wait3A_153 : memref<128x64xf32, #tpu.memory_space<vmem_shared>>)
      tpu.yield
    }) : () -> ()
    %mul3A_27 = arith.constant 640 : i32
    %mul3A_28 = arith.muli %arg1, %mul3A_27 : i32
    %add3A_29 = arith.constant 512 : i32
    %add3A_30 = arith.addi %mul3A_28, %add3A_29 : i32
    %run_scoped3A_31 = arith.constant 0 : i32
    "tpu.region"() ({
      %run_scoped3A_133 = tpu.sem_alloc : memref<!tpu.dma_semaphore, #tpu.memory_space<semaphore_mem>>
      %dma_start3A_134 = arith.constant 0 : i32
      %dma_start3A_135 = arith.constant 0 : i32
      %dma_start3A_136 = tpu.memref_slice %arg8[%run_scoped3A_31, %dma_start3A_134, %dma_start3A_135] : memref<2x128x64xf32, #tpu.memory_space<vmem>> -> memref<1x128x64xf32, #tpu.memory_space<vmem>>
      %dma_start3A_137 = tpu.memref_squeeze %dma_start3A_136 : memref<1x128x64xf32, #tpu.memory_space<vmem>> -> memref<128x64xf32, #tpu.memory_space<vmem>>
      %dma_start3A_138 = arith.constant 0 : i32
      %dma_start3A_139 = tpu.memref_slice %arg9[%add3A_30, %dma_start3A_138] : memref<10240x64xf32, #tpu.memory_space<vmem_shared>> -> memref<128x64xf32, #tpu.memory_space<vmem_shared>>
      %dma_start3A_140 = arith.constant 0 : i32
      %dma_start3A_141 = tpu.memref_slice %arg9[%add3A_30, %dma_start3A_140] : memref<10240x64xf32, #tpu.memory_space<vmem_shared>> -> memref<128x64xf32, #tpu.memory_space<vmem_shared>>
      %dma_start3A_142 = arith.constant 0 : i32
      %dma_start3A_143 = arith.constant 0 : i32
      %dma_start3A_144 = tpu.memref_slice %arg8[%run_scoped3A_31, %dma_start3A_142, %dma_start3A_143] : memref<2x128x64xf32, #tpu.memory_space<vmem>> -> memref<1x128x64xf32, #tpu.memory_space<vmem>>
      %dma_start3A_145 = tpu.memref_squeeze %dma_start3A_144 : memref<1x128x64xf32, #tpu.memory_space<vmem>> -> memref<128x64xf32, #tpu.memory_space<vmem>>
      tpu.enqueue_dma source(%dma_start3A_145 : memref<128x64xf32, #tpu.memory_space<vmem>>) target(%dma_start3A_141 : memref<128x64xf32, #tpu.memory_space<vmem_shared>>) target_semaphore(%run_scoped3A_133 : memref<!tpu.dma_semaphore, #tpu.memory_space<semaphore_mem>>)
      %dma_wait3A_146 = arith.constant 0 : i32
      %dma_wait3A_147 = arith.constant 0 : i32
      %dma_wait3A_148 = tpu.memref_slice %arg8[%run_scoped3A_31, %dma_wait3A_146, %dma_wait3A_147] : memref<2x128x64xf32, #tpu.memory_space<vmem>> -> memref<1x128x64xf32, #tpu.memory_space<vmem>>
      %dma_wait3A_149 = tpu.memref_squeeze %dma_wait3A_148 : memref<1x128x64xf32, #tpu.memory_space<vmem>> -> memref<128x64xf32, #tpu.memory_space<vmem>>
      %dma_wait3A_150 = arith.constant 0 : i32
      %dma_wait3A_151 = tpu.memref_slice %arg9[%add3A_30, %dma_wait3A_150] : memref<10240x64xf32, #tpu.memory_space<vmem_shared>> -> memref<128x64xf32, #tpu.memory_space<vmem_shared>>
      %dma_wait3A_152 = arith.constant 0 : i32
      %dma_wait3A_153 = tpu.memref_slice %arg9[%add3A_30, %dma_wait3A_152] : memref<10240x64xf32, #tpu.memory_space<vmem_shared>> -> memref<128x64xf32, #tpu.memory_space<vmem_shared>>
      %dma_wait3A_154 = arith.constant 0 : i32
      %dma_wait3A_155 = arith.constant 0 : i32
      %dma_wait3A_156 = tpu.memref_slice %arg8[%run_scoped3A_31, %dma_wait3A_154, %dma_wait3A_155] : memref<2x128x64xf32, #tpu.memory_space<vmem>> -> memref<1x128x64xf32, #tpu.memory_space<vmem>>
      %dma_wait3A_157 = tpu.memref_squeeze %dma_wait3A_156 : memref<1x128x64xf32, #tpu.memory_space<vmem>> -> memref<128x64xf32, #tpu.memory_space<vmem>>
      tpu.wait_dma2 semaphore(%run_scoped3A_133 : memref<!tpu.dma_semaphore, #tpu.memory_space<semaphore_mem>>) src(%dma_wait3A_157 : memref<128x64xf32, #tpu.memory_space<vmem>>) dst(%dma_wait3A_153 : memref<128x64xf32, #tpu.memory_space<vmem_shared>>)
      tpu.yield
    }) : () -> ()
    %barrier3A = arith.constant 0 : index
    tpu.barrier barrier_id(%barrier3A)
    %dma_start3A = arith.constant 0 : i32
    %dma_start3A_32 = arith.constant 0 : i32
    %dma_start3A_33 = arith.constant 0 : i32
    %dma_start3A_34 = arith.constant 0 : i32
    %dma_start3A_35 = tpu.memref_slice %arg8[%dma_start3A_32, %dma_start3A_33, %dma_start3A_34] : memref<2x128x64xf32, #tpu.memory_space<vmem>> -> memref<1x128x64xf32, #tpu.memory_space<vmem>>
    %dma_start3A_36 = tpu.memref_squeeze %dma_start3A_35 : memref<1x128x64xf32, #tpu.memory_space<vmem>> -> memref<128x64xf32, #tpu.memory_space<vmem>>
    %dma_start3A_37 = arith.constant 0 : i32
    %dma_start3A_38 = tpu.memref_slice %arg6[%dma_start3A, %dma_start3A_37] : memref<80x128xi32, #tpu.memory_space<vmem>> -> memref<1x128xi32, #tpu.memory_space<vmem>>
    %dma_start3A_39 = tpu.memref_squeeze %dma_start3A_38 : memref<1x128xi32, #tpu.memory_space<vmem>> -> memref<128xi32, #tpu.memory_space<vmem>>
    %dma_start3A_40 = arith.constant 0 : i32
    %dma_start3A_41 = arith.constant 0 : i32
    %dma_start3A_42 = tpu.memref_slice %arg10[%dma_start3A_40, %dma_start3A_41] : memref<10240x64xf32, #tpu.memory_space<vmem_shared>> -> memref<10240x64xf32, #tpu.memory_space<vmem_shared>>
    tpu.enqueue_indirect_dma source(%dma_start3A_42 : memref<10240x64xf32, #tpu.memory_space<vmem_shared>>) target(%dma_start3A_36 : memref<128x64xf32, #tpu.memory_space<vmem>>) offsets(%dma_start3A_39 : memref<128xi32, #tpu.memory_space<vmem>>) semaphore(%arg11 : memref<!tpu.dma_semaphore, #tpu.memory_space<semaphore_mem>>)
    %dma_wait3A = arith.constant 0 : i32
    %dma_wait3A_43 = arith.constant 0 : i32
    %dma_wait3A_44 = arith.constant 0 : i32
    %dma_wait3A_45 = arith.constant 0 : i32
    %dma_wait3A_46 = tpu.memref_slice %arg8[%dma_wait3A_43, %dma_wait3A_44, %dma_wait3A_45] : memref<2x128x64xf32, #tpu.memory_space<vmem>> -> memref<1x128x64xf32, #tpu.memory_space<vmem>>
    %dma_wait3A_47 = tpu.memref_squeeze %dma_wait3A_46 : memref<1x128x64xf32, #tpu.memory_space<vmem>> -> memref<128x64xf32, #tpu.memory_space<vmem>>
    %dma_wait3A_48 = arith.constant 0 : i32
    %dma_wait3A_49 = tpu.memref_slice %arg6[%dma_wait3A, %dma_wait3A_48] : memref<80x128xi32, #tpu.memory_space<vmem>> -> memref<1x128xi32, #tpu.memory_space<vmem>>
    %dma_wait3A_50 = tpu.memref_squeeze %dma_wait3A_49 : memref<1x128xi32, #tpu.memory_space<vmem>> -> memref<128xi32, #tpu.memory_space<vmem>>
    %dma_wait3A_51 = arith.constant 0 : i32
    %dma_wait3A_52 = arith.constant 0 : i32
    %dma_wait3A_53 = tpu.memref_slice %arg10[%dma_wait3A_51, %dma_wait3A_52] : memref<10240x64xf32, #tpu.memory_space<vmem_shared>> -> memref<10240x64xf32, #tpu.memory_space<vmem_shared>>
    tpu.wait_indirect_dma semaphore(%arg11 : memref<!tpu.dma_semaphore, #tpu.memory_space<semaphore_mem>>) src(%dma_wait3A_53 : memref<10240x64xf32, #tpu.memory_space<vmem_shared>>) dst(%dma_wait3A_47 : memref<128x64xf32, #tpu.memory_space<vmem>>)
    %dma_start3A_54 = arith.constant 0 : i32
    %dma_start3A_55 = arith.constant 0 : i32
    %dma_start3A_56 = arith.constant 0 : i32
    %dma_start3A_57 = arith.constant 0 : i32
    %dma_start3A_58 = tpu.memref_slice %arg8[%dma_start3A_54, %dma_start3A_56, %dma_start3A_57] : memref<2x128x64xf32, #tpu.memory_space<vmem>> -> memref<1x128x64xf32, #tpu.memory_space<vmem>>
    %dma_start3A_59 = tpu.memref_squeeze %dma_start3A_58 : memref<1x128x64xf32, #tpu.memory_space<vmem>> -> memref<128x64xf32, #tpu.memory_space<vmem>>
    %dma_start3A_60 = arith.constant 0 : i32
    %dma_start3A_61 = tpu.memref_slice %arg7[%dma_start3A_55, %dma_start3A_60] : memref<80x128xi32, #tpu.memory_space<vmem>> -> memref<1x128xi32, #tpu.memory_space<vmem>>
    %dma_start3A_62 = tpu.memref_squeeze %dma_start3A_61 : memref<1x128xi32, #tpu.memory_space<vmem>> -> memref<128xi32, #tpu.memory_space<vmem>>
    %dma_start3A_63 = arith.constant 0 : i32
    %dma_start3A_64 = arith.constant 0 : i32
    %dma_start3A_65 = tpu.memref_slice %arg9[%dma_start3A_63, %dma_start3A_64] : memref<10240x64xf32, #tpu.memory_space<vmem_shared>> -> memref<10240x64xf32, #tpu.memory_space<vmem_shared>>
    tpu.enqueue_indirect_dma source(%dma_start3A_59 : memref<128x64xf32, #tpu.memory_space<vmem>>) target(%dma_start3A_65 : memref<10240x64xf32, #tpu.memory_space<vmem_shared>>) offsets(%dma_start3A_62 : memref<128xi32, #tpu.memory_space<vmem>>) semaphore(%arg13 : memref<!tpu.dma_semaphore, #tpu.memory_space<semaphore_mem>>) {add = true}
    %dma_start3A_66 = arith.constant 1 : i32
    %dma_start3A_67 = arith.constant 1 : i32
    %dma_start3A_68 = arith.constant 0 : i32
    %dma_start3A_69 = arith.constant 0 : i32
    %dma_start3A_70 = tpu.memref_slice %arg8[%dma_start3A_67, %dma_start3A_68, %dma_start3A_69] : memref<2x128x64xf32, #tpu.memory_space<vmem>> -> memref<1x128x64xf32, #tpu.memory_space<vmem>>
    %dma_start3A_71 = tpu.memref_squeeze %dma_start3A_70 : memref<1x128x64xf32, #tpu.memory_space<vmem>> -> memref<128x64xf32, #tpu.memory_space<vmem>>
    %dma_start3A_72 = arith.constant 0 : i32
    %dma_start3A_73 = tpu.memref_slice %arg6[%dma_start3A_66, %dma_start3A_72] : memref<80x128xi32, #tpu.memory_space<vmem>> -> memref<1x128xi32, #tpu.memory_space<vmem>>
    %dma_start3A_74 = tpu.memref_squeeze %dma_start3A_73 : memref<1x128xi32, #tpu.memory_space<vmem>> -> memref<128xi32, #tpu.memory_space<vmem>>
    %dma_start3A_75 = arith.constant 0 : i32
    %dma_start3A_76 = arith.constant 0 : i32
    %dma_start3A_77 = tpu.memref_slice %arg10[%dma_start3A_75, %dma_start3A_76] : memref<10240x64xf32, #tpu.memory_space<vmem_shared>> -> memref<10240x64xf32, #tpu.memory_space<vmem_shared>>
    tpu.enqueue_indirect_dma source(%dma_start3A_77 : memref<10240x64xf32, #tpu.memory_space<vmem_shared>>) target(%dma_start3A_71 : memref<128x64xf32, #tpu.memory_space<vmem>>) offsets(%dma_start3A_74 : memref<128xi32, #tpu.memory_space<vmem>>) semaphore(%arg12 : memref<!tpu.dma_semaphore, #tpu.memory_space<semaphore_mem>>)
    %scan3A_78 = arith.constant 0 : i32
    %scan3A_79 = arith.constant 0 : i32
    %scan3A_80 = arith.constant 39 : i32
    %scan3A_81 = arith.addi %scan3A_79, %scan3A_80 : i32
    %scan3A_82 = arith.constant 1 : i32
    scf.for %scan3A_133 = %scan3A_79 to %scan3A_81 step %scan3A_82  : i32 {
      %mul3A_134 = arith.constant 2 : i32
      %mul3A_135 = arith.muli %scan3A_133, %mul3A_134 : i32
      %add3A_136 = arith.constant 1 : i32
      %add3A_137 = arith.addi %mul3A_135, %add3A_136 : i32
      %add3A_138 = arith.constant 0 : i32
      %add3A_139 = arith.addi %add3A_137, %add3A_138 : i32
      %dma_wait3A_140 = arith.constant 1 : i32
      %dma_wait3A_141 = arith.constant 0 : i32
      %dma_wait3A_142 = arith.constant 0 : i32
      %dma_wait3A_143 = tpu.memref_slice %arg8[%dma_wait3A_140, %dma_wait3A_141, %dma_wait3A_142] : memref<2x128x64xf32, #tpu.memory_space<vmem>> -> memref<1x128x64xf32, #tpu.memory_space<vmem>>
      %dma_wait3A_144 = tpu.memref_squeeze %dma_wait3A_143 : memref<1x128x64xf32, #tpu.memory_space<vmem>> -> memref<128x64xf32, #tpu.memory_space<vmem>>
      %dma_wait3A_145 = arith.constant 0 : i32
      %dma_wait3A_146 = tpu.memref_slice %arg6[%add3A_139, %dma_wait3A_145] : memref<80x128xi32, #tpu.memory_space<vmem>> -> memref<1x128xi32, #tpu.memory_space<vmem>>
      %dma_wait3A_147 = tpu.memref_squeeze %dma_wait3A_146 : memref<1x128xi32, #tpu.memory_space<vmem>> -> memref<128xi32, #tpu.memory_space<vmem>>
      %dma_wait3A_148 = arith.constant 0 : i32
      %dma_wait3A_149 = arith.constant 0 : i32
      %dma_wait3A_150 = tpu.memref_slice %arg10[%dma_wait3A_148, %dma_wait3A_149] : memref<10240x64xf32, #tpu.memory_space<vmem_shared>> -> memref<10240x64xf32, #tpu.memory_space<vmem_shared>>
      tpu.wait_indirect_dma semaphore(%arg12 : memref<!tpu.dma_semaphore, #tpu.memory_space<semaphore_mem>>) src(%dma_wait3A_150 : memref<10240x64xf32, #tpu.memory_space<vmem_shared>>) dst(%dma_wait3A_144 : memref<128x64xf32, #tpu.memory_space<vmem>>)
      %dma_start3A_151 = arith.constant 1 : i32
      %dma_start3A_152 = arith.constant 0 : i32
      %dma_start3A_153 = arith.constant 0 : i32
      %dma_start3A_154 = tpu.memref_slice %arg8[%dma_start3A_151, %dma_start3A_152, %dma_start3A_153] : memref<2x128x64xf32, #tpu.memory_space<vmem>> -> memref<1x128x64xf32, #tpu.memory_space<vmem>>
      %dma_start3A_155 = tpu.memref_squeeze %dma_start3A_154 : memref<1x128x64xf32, #tpu.memory_space<vmem>> -> memref<128x64xf32, #tpu.memory_space<vmem>>
      %dma_start3A_156 = arith.constant 0 : i32
      %dma_start3A_157 = tpu.memref_slice %arg7[%add3A_139, %dma_start3A_156] : memref<80x128xi32, #tpu.memory_space<vmem>> -> memref<1x128xi32, #tpu.memory_space<vmem>>
      %dma_start3A_158 = tpu.memref_squeeze %dma_start3A_157 : memref<1x128xi32, #tpu.memory_space<vmem>> -> memref<128xi32, #tpu.memory_space<vmem>>
      %dma_start3A_159 = arith.constant 0 : i32
      %dma_start3A_160 = arith.constant 0 : i32
      %dma_start3A_161 = tpu.memref_slice %arg9[%dma_start3A_159, %dma_start3A_160] : memref<10240x64xf32, #tpu.memory_space<vmem_shared>> -> memref<10240x64xf32, #tpu.memory_space<vmem_shared>>
      tpu.enqueue_indirect_dma source(%dma_start3A_155 : memref<128x64xf32, #tpu.memory_space<vmem>>) target(%dma_start3A_161 : memref<10240x64xf32, #tpu.memory_space<vmem_shared>>) offsets(%dma_start3A_158 : memref<128xi32, #tpu.memory_space<vmem>>) semaphore(%arg14 : memref<!tpu.dma_semaphore, #tpu.memory_space<semaphore_mem>>) {add = true}
      %sub3A = arith.constant 1 : i32
      %sub3A_162 = arith.subi %add3A_139, %sub3A : i32
      %dma_wait3A_163 = arith.constant 0 : i32
      %dma_wait3A_164 = arith.constant 0 : i32
      %dma_wait3A_165 = arith.constant 0 : i32
      %dma_wait3A_166 = tpu.memref_slice %arg8[%dma_wait3A_163, %dma_wait3A_164, %dma_wait3A_165] : memref<2x128x64xf32, #tpu.memory_space<vmem>> -> memref<1x128x64xf32, #tpu.memory_space<vmem>>
      %dma_wait3A_167 = tpu.memref_squeeze %dma_wait3A_166 : memref<1x128x64xf32, #tpu.memory_space<vmem>> -> memref<128x64xf32, #tpu.memory_space<vmem>>
      %dma_wait3A_168 = arith.constant 0 : i32
      %dma_wait3A_169 = tpu.memref_slice %arg7[%sub3A_162, %dma_wait3A_168] : memref<80x128xi32, #tpu.memory_space<vmem>> -> memref<1x128xi32, #tpu.memory_space<vmem>>
      %dma_wait3A_170 = tpu.memref_squeeze %dma_wait3A_169 : memref<1x128xi32, #tpu.memory_space<vmem>> -> memref<128xi32, #tpu.memory_space<vmem>>
      %dma_wait3A_171 = arith.constant 0 : i32
      %dma_wait3A_172 = arith.constant 0 : i32
      %dma_wait3A_173 = tpu.memref_slice %arg9[%dma_wait3A_171, %dma_wait3A_172] : memref<10240x64xf32, #tpu.memory_space<vmem_shared>> -> memref<10240x64xf32, #tpu.memory_space<vmem_shared>>
      tpu.wait_indirect_dma semaphore(%arg13 : memref<!tpu.dma_semaphore, #tpu.memory_space<semaphore_mem>>) src(%dma_wait3A_167 : memref<128x64xf32, #tpu.memory_space<vmem>>) dst(%dma_wait3A_173 : memref<10240x64xf32, #tpu.memory_space<vmem_shared>>)
      %add3A_174 = arith.constant 1 : i32
      %add3A_175 = arith.addi %add3A_139, %add3A_174 : i32
      %dma_start3A_176 = arith.constant 0 : i32
      %dma_start3A_177 = arith.constant 0 : i32
      %dma_start3A_178 = arith.constant 0 : i32
      %dma_start3A_179 = tpu.memref_slice %arg8[%dma_start3A_176, %dma_start3A_177, %dma_start3A_178] : memref<2x128x64xf32, #tpu.memory_space<vmem>> -> memref<1x128x64xf32, #tpu.memory_space<vmem>>
      %dma_start3A_180 = tpu.memref_squeeze %dma_start3A_179 : memref<1x128x64xf32, #tpu.memory_space<vmem>> -> memref<128x64xf32, #tpu.memory_space<vmem>>
      %dma_start3A_181 = arith.constant 0 : i32
      %dma_start3A_182 = tpu.memref_slice %arg6[%add3A_175, %dma_start3A_181] : memref<80x128xi32, #tpu.memory_space<vmem>> -> memref<1x128xi32, #tpu.memory_space<vmem>>
      %dma_start3A_183 = tpu.memref_squeeze %dma_start3A_182 : memref<1x128xi32, #tpu.memory_space<vmem>> -> memref<128xi32, #tpu.memory_space<vmem>>
      %dma_start3A_184 = arith.constant 0 : i32
      %dma_start3A_185 = arith.constant 0 : i32
      %dma_start3A_186 = tpu.memref_slice %arg10[%dma_start3A_184, %dma_start3A_185] : memref<10240x64xf32, #tpu.memory_space<vmem_shared>> -> memref<10240x64xf32, #tpu.memory_space<vmem_shared>>
      tpu.enqueue_indirect_dma source(%dma_start3A_186 : memref<10240x64xf32, #tpu.memory_space<vmem_shared>>) target(%dma_start3A_180 : memref<128x64xf32, #tpu.memory_space<vmem>>) offsets(%dma_start3A_183 : memref<128xi32, #tpu.memory_space<vmem>>) semaphore(%arg11 : memref<!tpu.dma_semaphore, #tpu.memory_space<semaphore_mem>>)
      %add3A_187 = arith.constant 1 : i32
      %add3A_188 = arith.addi %add3A_137, %add3A_187 : i32
      %dma_wait3A_189 = arith.constant 0 : i32
      %dma_wait3A_190 = arith.constant 0 : i32
      %dma_wait3A_191 = arith.constant 0 : i32
      %dma_wait3A_192 = tpu.memref_slice %arg8[%dma_wait3A_189, %dma_wait3A_190, %dma_wait3A_191] : memref<2x128x64xf32, #tpu.memory_space<vmem>> -> memref<1x128x64xf32, #tpu.memory_space<vmem>>
      %dma_wait3A_193 = tpu.memref_squeeze %dma_wait3A_192 : memref<1x128x64xf32, #tpu.memory_space<vmem>> -> memref<128x64xf32, #tpu.memory_space<vmem>>
      %dma_wait3A_194 = arith.constant 0 : i32
      %dma_wait3A_195 = tpu.memref_slice %arg6[%add3A_188, %dma_wait3A_194] : memref<80x128xi32, #tpu.memory_space<vmem>> -> memref<1x128xi32, #tpu.memory_space<vmem>>
      %dma_wait3A_196 = tpu.memref_squeeze %dma_wait3A_195 : memref<1x128xi32, #tpu.memory_space<vmem>> -> memref<128xi32, #tpu.memory_space<vmem>>
      %dma_wait3A_197 = arith.constant 0 : i32
      %dma_wait3A_198 = arith.constant 0 : i32
      %dma_wait3A_199 = tpu.memref_slice %arg10[%dma_wait3A_197, %dma_wait3A_198] : memref<10240x64xf32, #tpu.memory_space<vmem_shared>> -> memref<10240x64xf32, #tpu.memory_space<vmem_shared>>
      tpu.wait_indirect_dma semaphore(%arg11 : memref<!tpu.dma_semaphore, #tpu.memory_space<semaphore_mem>>) src(%dma_wait3A_199 : memref<10240x64xf32, #tpu.memory_space<vmem_shared>>) dst(%dma_wait3A_193 : memref<128x64xf32, #tpu.memory_space<vmem>>)
      %dma_start3A_200 = arith.constant 0 : i32
      %dma_start3A_201 = arith.constant 0 : i32
      %dma_start3A_202 = arith.constant 0 : i32
      %dma_start3A_203 = tpu.memref_slice %arg8[%dma_start3A_200, %dma_start3A_201, %dma_start3A_202] : memref<2x128x64xf32, #tpu.memory_space<vmem>> -> memref<1x128x64xf32, #tpu.memory_space<vmem>>
      %dma_start3A_204 = tpu.memref_squeeze %dma_start3A_203 : memref<1x128x64xf32, #tpu.memory_space<vmem>> -> memref<128x64xf32, #tpu.memory_space<vmem>>
      %dma_start3A_205 = arith.constant 0 : i32
      %dma_start3A_206 = tpu.memref_slice %arg7[%add3A_188, %dma_start3A_205] : memref<80x128xi32, #tpu.memory_space<vmem>> -> memref<1x128xi32, #tpu.memory_space<vmem>>
      %dma_start3A_207 = tpu.memref_squeeze %dma_start3A_206 : memref<1x128xi32, #tpu.memory_space<vmem>> -> memref<128xi32, #tpu.memory_space<vmem>>
      %dma_start3A_208 = arith.constant 0 : i32
      %dma_start3A_209 = arith.constant 0 : i32
      %dma_start3A_210 = tpu.memref_slice %arg9[%dma_start3A_208, %dma_start3A_209] : memref<10240x64xf32, #tpu.memory_space<vmem_shared>> -> memref<10240x64xf32, #tpu.memory_space<vmem_shared>>
      tpu.enqueue_indirect_dma source(%dma_start3A_204 : memref<128x64xf32, #tpu.memory_space<vmem>>) target(%dma_start3A_210 : memref<10240x64xf32, #tpu.memory_space<vmem_shared>>) offsets(%dma_start3A_207 : memref<128xi32, #tpu.memory_space<vmem>>) semaphore(%arg13 : memref<!tpu.dma_semaphore, #tpu.memory_space<semaphore_mem>>) {add = true}
      %sub3A_211 = arith.constant 1 : i32
      %sub3A_212 = arith.subi %add3A_188, %sub3A_211 : i32
      %dma_wait3A_213 = arith.constant 1 : i32
      %dma_wait3A_214 = arith.constant 0 : i32
      %dma_wait3A_215 = arith.constant 0 : i32
      %dma_wait3A_216 = tpu.memref_slice %arg8[%dma_wait3A_213, %dma_wait3A_214, %dma_wait3A_215] : memref<2x128x64xf32, #tpu.memory_space<vmem>> -> memref<1x128x64xf32, #tpu.memory_space<vmem>>
      %dma_wait3A_217 = tpu.memref_squeeze %dma_wait3A_216 : memref<1x128x64xf32, #tpu.memory_space<vmem>> -> memref<128x64xf32, #tpu.memory_space<vmem>>
      %dma_wait3A_218 = arith.constant 0 : i32
      %dma_wait3A_219 = tpu.memref_slice %arg7[%sub3A_212, %dma_wait3A_218] : memref<80x128xi32, #tpu.memory_space<vmem>> -> memref<1x128xi32, #tpu.memory_space<vmem>>
      %dma_wait3A_220 = tpu.memref_squeeze %dma_wait3A_219 : memref<1x128xi32, #tpu.memory_space<vmem>> -> memref<128xi32, #tpu.memory_space<vmem>>
      %dma_wait3A_221 = arith.constant 0 : i32
      %dma_wait3A_222 = arith.constant 0 : i32
      %dma_wait3A_223 = tpu.memref_slice %arg9[%dma_wait3A_221, %dma_wait3A_222] : memref<10240x64xf32, #tpu.memory_space<vmem_shared>> -> memref<10240x64xf32, #tpu.memory_space<vmem_shared>>
      tpu.wait_indirect_dma semaphore(%arg14 : memref<!tpu.dma_semaphore, #tpu.memory_space<semaphore_mem>>) src(%dma_wait3A_217 : memref<128x64xf32, #tpu.memory_space<vmem>>) dst(%dma_wait3A_223 : memref<10240x64xf32, #tpu.memory_space<vmem_shared>>)
      %add3A_224 = arith.constant 1 : i32
      %add3A_225 = arith.addi %add3A_188, %add3A_224 : i32
      %dma_start3A_226 = arith.constant 1 : i32
      %dma_start3A_227 = arith.constant 0 : i32
      %dma_start3A_228 = arith.constant 0 : i32
      %dma_start3A_229 = tpu.memref_slice %arg8[%dma_start3A_226, %dma_start3A_227, %dma_start3A_228] : memref<2x128x64xf32, #tpu.memory_space<vmem>> -> memref<1x128x64xf32, #tpu.memory_space<vmem>>
      %dma_start3A_230 = tpu.memref_squeeze %dma_start3A_229 : memref<1x128x64xf32, #tpu.memory_space<vmem>> -> memref<128x64xf32, #tpu.memory_space<vmem>>
      %dma_start3A_231 = arith.constant 0 : i32
      %dma_start3A_232 = tpu.memref_slice %arg6[%add3A_225, %dma_start3A_231] : memref<80x128xi32, #tpu.memory_space<vmem>> -> memref<1x128xi32, #tpu.memory_space<vmem>>
      %dma_start3A_233 = tpu.memref_squeeze %dma_start3A_232 : memref<1x128xi32, #tpu.memory_space<vmem>> -> memref<128xi32, #tpu.memory_space<vmem>>
      %dma_start3A_234 = arith.constant 0 : i32
      %dma_start3A_235 = arith.constant 0 : i32
      %dma_start3A_236 = tpu.memref_slice %arg10[%dma_start3A_234, %dma_start3A_235] : memref<10240x64xf32, #tpu.memory_space<vmem_shared>> -> memref<10240x64xf32, #tpu.memory_space<vmem_shared>>
      tpu.enqueue_indirect_dma source(%dma_start3A_236 : memref<10240x64xf32, #tpu.memory_space<vmem_shared>>) target(%dma_start3A_230 : memref<128x64xf32, #tpu.memory_space<vmem>>) offsets(%dma_start3A_233 : memref<128xi32, #tpu.memory_space<vmem>>) semaphore(%arg12 : memref<!tpu.dma_semaphore, #tpu.memory_space<semaphore_mem>>)
    }
    %scan3A_83 = arith.constant 39 : i32
    %dma_wait3A_84 = arith.constant 79 : i32
    %dma_wait3A_85 = arith.constant 1 : i32
    %dma_wait3A_86 = arith.constant 0 : i32
    %dma_wait3A_87 = arith.constant 0 : i32
    %dma_wait3A_88 = tpu.memref_slice %arg8[%dma_wait3A_85, %dma_wait3A_86, %dma_wait3A_87] : memref<2x128x64xf32, #tpu.memory_space<vmem>> -> memref<1x128x64xf32, #tpu.memory_space<vmem>>
    %dma_wait3A_89 = tpu.memref_squeeze %dma_wait3A_88 : memref<1x128x64xf32, #tpu.memory_space<vmem>> -> memref<128x64xf32, #tpu.memory_space<vmem>>
    %dma_wait3A_90 = arith.constant 0 : i32
    %dma_wait3A_91 = tpu.memref_slice %arg6[%dma_wait3A_84, %dma_wait3A_90] : memref<80x128xi32, #tpu.memory_space<vmem>> -> memref<1x128xi32, #tpu.memory_space<vmem>>
    %dma_wait3A_92 = tpu.memref_squeeze %dma_wait3A_91 : memref<1x128xi32, #tpu.memory_space<vmem>> -> memref<128xi32, #tpu.memory_space<vmem>>
    %dma_wait3A_93 = arith.constant 0 : i32
    %dma_wait3A_94 = arith.constant 0 : i32
    %dma_wait3A_95 = tpu.memref_slice %arg10[%dma_wait3A_93, %dma_wait3A_94] : memref<10240x64xf32, #tpu.memory_space<vmem_shared>> -> memref<10240x64xf32, #tpu.memory_space<vmem_shared>>
    tpu.wait_indirect_dma semaphore(%arg12 : memref<!tpu.dma_semaphore, #tpu.memory_space<semaphore_mem>>) src(%dma_wait3A_95 : memref<10240x64xf32, #tpu.memory_space<vmem_shared>>) dst(%dma_wait3A_89 : memref<128x64xf32, #tpu.memory_space<vmem>>)
    %dma_start3A_96 = arith.constant 1 : i32
    %dma_start3A_97 = arith.constant 79 : i32
    %dma_start3A_98 = arith.constant 0 : i32
    %dma_start3A_99 = arith.constant 0 : i32
    %dma_start3A_100 = tpu.memref_slice %arg8[%dma_start3A_96, %dma_start3A_98, %dma_start3A_99] : memref<2x128x64xf32, #tpu.memory_space<vmem>> -> memref<1x128x64xf32, #tpu.memory_space<vmem>>
    %dma_start3A_101 = tpu.memref_squeeze %dma_start3A_100 : memref<1x128x64xf32, #tpu.memory_space<vmem>> -> memref<128x64xf32, #tpu.memory_space<vmem>>
    %dma_start3A_102 = arith.constant 0 : i32
    %dma_start3A_103 = tpu.memref_slice %arg7[%dma_start3A_97, %dma_start3A_102] : memref<80x128xi32, #tpu.memory_space<vmem>> -> memref<1x128xi32, #tpu.memory_space<vmem>>
    %dma_start3A_104 = tpu.memref_squeeze %dma_start3A_103 : memref<1x128xi32, #tpu.memory_space<vmem>> -> memref<128xi32, #tpu.memory_space<vmem>>
    %dma_start3A_105 = arith.constant 0 : i32
    %dma_start3A_106 = arith.constant 0 : i32
    %dma_start3A_107 = tpu.memref_slice %arg9[%dma_start3A_105, %dma_start3A_106] : memref<10240x64xf32, #tpu.memory_space<vmem_shared>> -> memref<10240x64xf32, #tpu.memory_space<vmem_shared>>
    tpu.enqueue_indirect_dma source(%dma_start3A_101 : memref<128x64xf32, #tpu.memory_space<vmem>>) target(%dma_start3A_107 : memref<10240x64xf32, #tpu.memory_space<vmem_shared>>) offsets(%dma_start3A_104 : memref<128xi32, #tpu.memory_space<vmem>>) semaphore(%arg14 : memref<!tpu.dma_semaphore, #tpu.memory_space<semaphore_mem>>) {add = true}
    %dma_wait3A_108 = arith.constant 0 : i32
    %dma_wait3A_109 = arith.constant 78 : i32
    %dma_wait3A_110 = arith.constant 0 : i32
    %dma_wait3A_111 = arith.constant 0 : i32
    %dma_wait3A_112 = tpu.memref_slice %arg8[%dma_wait3A_108, %dma_wait3A_110, %dma_wait3A_111] : memref<2x128x64xf32, #tpu.memory_space<vmem>> -> memref<1x128x64xf32, #tpu.memory_space<vmem>>
    %dma_wait3A_113 = tpu.memref_squeeze %dma_wait3A_112 : memref<1x128x64xf32, #tpu.memory_space<vmem>> -> memref<128x64xf32, #tpu.memory_space<vmem>>
    %dma_wait3A_114 = arith.constant 0 : i32
    %dma_wait3A_115 = tpu.memref_slice %arg7[%dma_wait3A_109, %dma_wait3A_114] : memref<80x128xi32, #tpu.memory_space<vmem>> -> memref<1x128xi32, #tpu.memory_space<vmem>>
    %dma_wait3A_116 = tpu.memref_squeeze %dma_wait3A_115 : memref<1x128xi32, #tpu.memory_space<vmem>> -> memref<128xi32, #tpu.memory_space<vmem>>
    %dma_wait3A_117 = arith.constant 0 : i32
    %dma_wait3A_118 = arith.constant 0 : i32
    %dma_wait3A_119 = tpu.memref_slice %arg9[%dma_wait3A_117, %dma_wait3A_118] : memref<10240x64xf32, #tpu.memory_space<vmem_shared>> -> memref<10240x64xf32, #tpu.memory_space<vmem_shared>>
    tpu.wait_indirect_dma semaphore(%arg13 : memref<!tpu.dma_semaphore, #tpu.memory_space<semaphore_mem>>) src(%dma_wait3A_113 : memref<128x64xf32, #tpu.memory_space<vmem>>) dst(%dma_wait3A_119 : memref<10240x64xf32, #tpu.memory_space<vmem_shared>>)
    %dma_wait3A_120 = arith.constant 1 : i32
    %dma_wait3A_121 = arith.constant 79 : i32
    %dma_wait3A_122 = arith.constant 0 : i32
    %dma_wait3A_123 = arith.constant 0 : i32
    %dma_wait3A_124 = tpu.memref_slice %arg8[%dma_wait3A_120, %dma_wait3A_122, %dma_wait3A_123] : memref<2x128x64xf32, #tpu.memory_space<vmem>> -> memref<1x128x64xf32, #tpu.memory_space<vmem>>
    %dma_wait3A_125 = tpu.memref_squeeze %dma_wait3A_124 : memref<1x128x64xf32, #tpu.memory_space<vmem>> -> memref<128x64xf32, #tpu.memory_space<vmem>>
    %dma_wait3A_126 = arith.constant 0 : i32
    %dma_wait3A_127 = tpu.memref_slice %arg7[%dma_wait3A_121, %dma_wait3A_126] : memref<80x128xi32, #tpu.memory_space<vmem>> -> memref<1x128xi32, #tpu.memory_space<vmem>>
    %dma_wait3A_128 = tpu.memref_squeeze %dma_wait3A_127 : memref<1x128xi32, #tpu.memory_space<vmem>> -> memref<128xi32, #tpu.memory_space<vmem>>
    %dma_wait3A_129 = arith.constant 0 : i32
    %dma_wait3A_130 = arith.constant 0 : i32
    %dma_wait3A_131 = tpu.memref_slice %arg9[%dma_wait3A_129, %dma_wait3A_130] : memref<10240x64xf32, #tpu.memory_space<vmem_shared>> -> memref<10240x64xf32, #tpu.memory_space<vmem_shared>>
    tpu.wait_indirect_dma semaphore(%arg14 : memref<!tpu.dma_semaphore, #tpu.memory_space<semaphore_mem>>) src(%dma_wait3A_125 : memref<128x64xf32, #tpu.memory_space<vmem>>) dst(%dma_wait3A_131 : memref<10240x64xf32, #tpu.memory_space<vmem_shared>>)
    %barrier3A_132 = arith.constant 0 : index
    tpu.barrier barrier_id(%barrier3A_132)
    "tpu.region"() ({
      %run_scoped3A_133 = tpu.sem_alloc : memref<!tpu.dma_semaphore, #tpu.memory_space<semaphore_mem>>
      %dma_start3A_134 = arith.constant 0 : i32
      %dma_start3A_135 = tpu.memref_slice %arg5[%arg0, %mul3A_2, %dma_start3A_134] : memref<2x10240x64xf32, #tpu.memory_space<hbm>> -> memref<1x640x64xf32, #tpu.memory_space<hbm>>
      %dma_start3A_136 = tpu.memref_squeeze %dma_start3A_135 : memref<1x640x64xf32, #tpu.memory_space<hbm>> -> memref<640x64xf32, #tpu.memory_space<hbm>>
      %dma_start3A_137 = arith.constant 0 : i32
      %dma_start3A_138 = tpu.memref_slice %arg9[%mul3A_2, %dma_start3A_137] : memref<10240x64xf32, #tpu.memory_space<vmem_shared>> -> memref<640x64xf32, #tpu.memory_space<vmem_shared>>
      tpu.enqueue_dma source(%dma_start3A_138 : memref<640x64xf32, #tpu.memory_space<vmem_shared>>) target(%dma_start3A_136 : memref<640x64xf32, #tpu.memory_space<hbm>>) target_semaphore(%run_scoped3A_133 : memref<!tpu.dma_semaphore, #tpu.memory_space<semaphore_mem>>)
      %dma_wait3A_139 = arith.constant 0 : i32
      %dma_wait3A_140 = tpu.memref_slice %arg5[%arg0, %mul3A_2, %dma_wait3A_139] : memref<2x10240x64xf32, #tpu.memory_space<hbm>> -> memref<1x640x64xf32, #tpu.memory_space<hbm>>
      %dma_wait3A_141 = tpu.memref_squeeze %dma_wait3A_140 : memref<1x640x64xf32, #tpu.memory_space<hbm>> -> memref<640x64xf32, #tpu.memory_space<hbm>>
      %dma_wait3A_142 = arith.constant 0 : i32
      %dma_wait3A_143 = tpu.memref_slice %arg9[%mul3A_2, %dma_wait3A_142] : memref<10240x64xf32, #tpu.memory_space<vmem_shared>> -> memref<640x64xf32, #tpu.memory_space<vmem_shared>>
      tpu.wait_dma2 semaphore(%run_scoped3A_133 : memref<!tpu.dma_semaphore, #tpu.memory_space<semaphore_mem>>) src(%dma_wait3A_143 : memref<640x64xf32, #tpu.memory_space<vmem_shared>>) dst(%dma_wait3A_141 : memref<640x64xf32, #tpu.memory_space<hbm>>)
      tpu.yield
    }) : () -> ()
    return
  }
}

#map = affine_map<(d0, d1) -> (0, 0)>
#map1 = affine_map<(d0, d1) -> (0, 0, 0)>
module attributes {stable_mosaic.version = 14 : i64} {
  func.func @agg_kernel(%arg0: i32, %arg1: i32, %arg2: memref<10240x64xf32, #tpu.memory_space<hbm>>, %arg3: memref<32x80x128xi32, #tpu.memory_space<hbm>>, %arg4: memref<32x80x128xi32, #tpu.memory_space<hbm>>, %arg5: memref<2x10240x64xf32, #tpu.memory_space<hbm>>, %arg6: memref<80x128xi32, #tpu.memory_space<vmem>>, %arg7: memref<80x128xi32, #tpu.memory_space<vmem>>, %arg8: memref<2x128x64xf32, #tpu.memory_space<vmem>>, %arg9: memref<10240x64xf32, #tpu.memory_space<vmem_shared>>, %arg10: memref<10240x64xf32, #tpu.memory_space<vmem_shared>>, %arg11: memref<!tpu.dma_semaphore, #tpu.memory_space<semaphore_mem>>, %arg12: memref<!tpu.dma_semaphore, #tpu.memory_space<semaphore_mem>>, %arg13: memref<!tpu.dma_semaphore, #tpu.memory_space<semaphore_mem>>, %arg14: memref<!tpu.dma_semaphore, #tpu.memory_space<semaphore_mem>>) attributes {dimension_semantics = [#tpu.dimension_semantics<core_parallel>, #tpu.dimension_semantics<subcore_parallel>], iteration_bounds = array<i64: 2, 16>, scalar_prefetch = 0 : i64, scratch_operands = 9 : i64, tpu.core_type = #tpu.core_type<sc_vector_subcore>, window_params = [{transform_indices = #map}, {transform_indices = #map1}, {transform_indices = #map1}, {transform_indices = #map1}]} {
    %mul3A = arith.constant 16 : i32
    %mul3A_0 = arith.muli %arg0, %mul3A : i32
    %add3A = arith.addi %mul3A_0, %arg1 : i32
    "tpu.region"() ({
      %run_scoped3A_133 = tpu.sem_alloc : memref<!tpu.dma_semaphore, #tpu.memory_space<semaphore_mem>>
      %dma_start3A_134 = arith.constant 0 : i32
      %dma_start3A_135 = arith.constant 0 : i32
      %dma_start3A_136 = tpu.memref_slice %arg3[%add3A, %dma_start3A_134, %dma_start3A_135] : memref<32x80x128xi32, #tpu.memory_space<hbm>> -> memref<1x80x128xi32, #tpu.memory_space<hbm>>
      %dma_start3A_137 = tpu.memref_squeeze %dma_start3A_136 : memref<1x80x128xi32, #tpu.memory_space<hbm>> -> memref<80x128xi32, #tpu.memory_space<hbm>>
      %dma_start3A_138 = arith.constant 0 : i32
      %dma_start3A_139 = arith.constant 0 : i32
      %dma_start3A_140 = tpu.memref_slice %arg3[%add3A, %dma_start3A_138, %dma_start3A_139] : memref<32x80x128xi32, #tpu.memory_space<hbm>> -> memref<1x80x128xi32, #tpu.memory_space<hbm>>
      %dma_start3A_141 = tpu.memref_squeeze %dma_start3A_140 : memref<1x80x128xi32, #tpu.memory_space<hbm>> -> memref<80x128xi32, #tpu.memory_space<hbm>>
      tpu.enqueue_dma source(%dma_start3A_141 : memref<80x128xi32, #tpu.memory_space<hbm>>) target(%arg6 : memref<80x128xi32, #tpu.memory_space<vmem>>) target_semaphore(%run_scoped3A_133 : memref<!tpu.dma_semaphore, #tpu.memory_space<semaphore_mem>>)
      %dma_wait3A_142 = arith.constant 0 : i32
      %dma_wait3A_143 = arith.constant 0 : i32
      %dma_wait3A_144 = tpu.memref_slice %arg3[%add3A, %dma_wait3A_142, %dma_wait3A_143] : memref<32x80x128xi32, #tpu.memory_space<hbm>> -> memref<1x80x128xi32, #tpu.memory_space<hbm>>
      %dma_wait3A_145 = tpu.memref_squeeze %dma_wait3A_144 : memref<1x80x128xi32, #tpu.memory_space<hbm>> -> memref<80x128xi32, #tpu.memory_space<hbm>>
      %dma_wait3A_146 = arith.constant 0 : i32
      %dma_wait3A_147 = arith.constant 0 : i32
      %dma_wait3A_148 = tpu.memref_slice %arg3[%add3A, %dma_wait3A_146, %dma_wait3A_147] : memref<32x80x128xi32, #tpu.memory_space<hbm>> -> memref<1x80x128xi32, #tpu.memory_space<hbm>>
      %dma_wait3A_149 = tpu.memref_squeeze %dma_wait3A_148 : memref<1x80x128xi32, #tpu.memory_space<hbm>> -> memref<80x128xi32, #tpu.memory_space<hbm>>
      tpu.wait_dma2 semaphore(%run_scoped3A_133 : memref<!tpu.dma_semaphore, #tpu.memory_space<semaphore_mem>>) src(%dma_wait3A_149 : memref<80x128xi32, #tpu.memory_space<hbm>>) dst(%arg6 : memref<80x128xi32, #tpu.memory_space<vmem>>)
      tpu.yield
    }) : () -> ()
    "tpu.region"() ({
      %run_scoped3A_133 = tpu.sem_alloc : memref<!tpu.dma_semaphore, #tpu.memory_space<semaphore_mem>>
      %dma_start3A_134 = arith.constant 0 : i32
      %dma_start3A_135 = arith.constant 0 : i32
      %dma_start3A_136 = tpu.memref_slice %arg4[%add3A, %dma_start3A_134, %dma_start3A_135] : memref<32x80x128xi32, #tpu.memory_space<hbm>> -> memref<1x80x128xi32, #tpu.memory_space<hbm>>
      %dma_start3A_137 = tpu.memref_squeeze %dma_start3A_136 : memref<1x80x128xi32, #tpu.memory_space<hbm>> -> memref<80x128xi32, #tpu.memory_space<hbm>>
      %dma_start3A_138 = arith.constant 0 : i32
      %dma_start3A_139 = arith.constant 0 : i32
      %dma_start3A_140 = tpu.memref_slice %arg4[%add3A, %dma_start3A_138, %dma_start3A_139] : memref<32x80x128xi32, #tpu.memory_space<hbm>> -> memref<1x80x128xi32, #tpu.memory_space<hbm>>
      %dma_start3A_141 = tpu.memref_squeeze %dma_start3A_140 : memref<1x80x128xi32, #tpu.memory_space<hbm>> -> memref<80x128xi32, #tpu.memory_space<hbm>>
      tpu.enqueue_dma source(%dma_start3A_141 : memref<80x128xi32, #tpu.memory_space<hbm>>) target(%arg7 : memref<80x128xi32, #tpu.memory_space<vmem>>) target_semaphore(%run_scoped3A_133 : memref<!tpu.dma_semaphore, #tpu.memory_space<semaphore_mem>>)
      %dma_wait3A_142 = arith.constant 0 : i32
      %dma_wait3A_143 = arith.constant 0 : i32
      %dma_wait3A_144 = tpu.memref_slice %arg4[%add3A, %dma_wait3A_142, %dma_wait3A_143] : memref<32x80x128xi32, #tpu.memory_space<hbm>> -> memref<1x80x128xi32, #tpu.memory_space<hbm>>
      %dma_wait3A_145 = tpu.memref_squeeze %dma_wait3A_144 : memref<1x80x128xi32, #tpu.memory_space<hbm>> -> memref<80x128xi32, #tpu.memory_space<hbm>>
      %dma_wait3A_146 = arith.constant 0 : i32
      %dma_wait3A_147 = arith.constant 0 : i32
      %dma_wait3A_148 = tpu.memref_slice %arg4[%add3A, %dma_wait3A_146, %dma_wait3A_147] : memref<32x80x128xi32, #tpu.memory_space<hbm>> -> memref<1x80x128xi32, #tpu.memory_space<hbm>>
      %dma_wait3A_149 = tpu.memref_squeeze %dma_wait3A_148 : memref<1x80x128xi32, #tpu.memory_space<hbm>> -> memref<80x128xi32, #tpu.memory_space<hbm>>
      tpu.wait_dma2 semaphore(%run_scoped3A_133 : memref<!tpu.dma_semaphore, #tpu.memory_space<semaphore_mem>>) src(%dma_wait3A_149 : memref<80x128xi32, #tpu.memory_space<hbm>>) dst(%arg7 : memref<80x128xi32, #tpu.memory_space<vmem>>)
      tpu.yield
    }) : () -> ()
    %mul3A_1 = arith.constant 640 : i32
    %mul3A_2 = arith.muli %arg1, %mul3A_1 : i32
    "tpu.region"() ({
      %run_scoped3A_133 = tpu.sem_alloc : memref<!tpu.dma_semaphore, #tpu.memory_space<semaphore_mem>>
      %dma_start3A_134 = arith.constant 0 : i32
      %dma_start3A_135 = tpu.memref_slice %arg10[%mul3A_2, %dma_start3A_134] : memref<10240x64xf32, #tpu.memory_space<vmem_shared>> -> memref<640x64xf32, #tpu.memory_space<vmem_shared>>
      %dma_start3A_136 = arith.constant 0 : i32
      %dma_start3A_137 = tpu.memref_slice %arg2[%mul3A_2, %dma_start3A_136] : memref<10240x64xf32, #tpu.memory_space<hbm>> -> memref<640x64xf32, #tpu.memory_space<hbm>>
      tpu.enqueue_dma source(%dma_start3A_137 : memref<640x64xf32, #tpu.memory_space<hbm>>) target(%dma_start3A_135 : memref<640x64xf32, #tpu.memory_space<vmem_shared>>) target_semaphore(%run_scoped3A_133 : memref<!tpu.dma_semaphore, #tpu.memory_space<semaphore_mem>>)
      %dma_wait3A_138 = arith.constant 0 : i32
      %dma_wait3A_139 = tpu.memref_slice %arg10[%mul3A_2, %dma_wait3A_138] : memref<10240x64xf32, #tpu.memory_space<vmem_shared>> -> memref<640x64xf32, #tpu.memory_space<vmem_shared>>
      %dma_wait3A_140 = arith.constant 0 : i32
      %dma_wait3A_141 = tpu.memref_slice %arg2[%mul3A_2, %dma_wait3A_140] : memref<10240x64xf32, #tpu.memory_space<hbm>> -> memref<640x64xf32, #tpu.memory_space<hbm>>
      tpu.wait_dma2 semaphore(%run_scoped3A_133 : memref<!tpu.dma_semaphore, #tpu.memory_space<semaphore_mem>>) src(%dma_wait3A_141 : memref<640x64xf32, #tpu.memory_space<hbm>>) dst(%dma_wait3A_139 : memref<640x64xf32, #tpu.memory_space<vmem_shared>>)
      tpu.yield
    }) : () -> ()
    %scan3A = arith.constant 0 : i32
    %scan3A_3 = arith.constant 0 : i32
    %scan3A_4 = arith.constant 128 : i32
    %scan3A_5 = arith.addi %scan3A_3, %scan3A_4 : i32
    %scan3A_6 = arith.constant 1 : i32
    scf.for %scan3A_133 = %scan3A_3 to %scan3A_5 step %scan3A_6  : i32 {
      %broadcast_in_dim3A = arith.constant 0.000000e+00 : f32
      %broadcast_in_dim3A_134 = vector.broadcast %broadcast_in_dim3A : f32 to vector<16xf32>
      %swap3A = arith.constant 0 : i32
      %swap3A_135 = arith.index_cast %swap3A : i32 to index
      %swap3A_136 = arith.index_cast %scan3A_133 : i32 to index
      %swap3A_137 = arith.constant 0 : index
      %swap3A_138 = tpu.vector_load %arg8[%swap3A_135, %swap3A_136, %swap3A_137] {strides = array<i32>} : memref<2x128x64xf32, #tpu.memory_space<vmem>>, vector<1x1x16xf32>,
      %swap3A_139 = vector.shape_cast %swap3A_138 : vector<1x1x16xf32> to vector<16xf32>
      %swap3A_140 = vector.shape_cast %broadcast_in_dim3A_134 : vector<16xf32> to vector<1x1x16xf32>
      tpu.vector_store %arg8[%swap3A_135, %swap3A_136, %swap3A_137], %swap3A_140 {strides = array<i32>} : memref<2x128x64xf32, #tpu.memory_space<vmem>>, vector<1x1x16xf32>,
      %broadcast_in_dim3A_141 = arith.constant 0.000000e+00 : f32
      %broadcast_in_dim3A_142 = vector.broadcast %broadcast_in_dim3A_141 : f32 to vector<16xf32>
      %swap3A_143 = arith.constant 0 : i32
      %swap3A_144 = arith.index_cast %swap3A_143 : i32 to index
      %swap3A_145 = arith.index_cast %scan3A_133 : i32 to index
      %swap3A_146 = arith.constant 16 : index
      %swap3A_147 = tpu.vector_load %arg8[%swap3A_144, %swap3A_145, %swap3A_146] {strides = array<i32>} : memref<2x128x64xf32, #tpu.memory_space<vmem>>, vector<1x1x16xf32>,
      %swap3A_148 = vector.shape_cast %swap3A_147 : vector<1x1x16xf32> to vector<16xf32>
      %swap3A_149 = vector.shape_cast %broadcast_in_dim3A_142 : vector<16xf32> to vector<1x1x16xf32>
      tpu.vector_store %arg8[%swap3A_144, %swap3A_145, %swap3A_146], %swap3A_149 {strides = array<i32>} : memref<2x128x64xf32, #tpu.memory_space<vmem>>, vector<1x1x16xf32>,
      %broadcast_in_dim3A_150 = arith.constant 0.000000e+00 : f32
      %broadcast_in_dim3A_151 = vector.broadcast %broadcast_in_dim3A_150 : f32 to vector<16xf32>
      %swap3A_152 = arith.constant 0 : i32
      %swap3A_153 = arith.index_cast %swap3A_152 : i32 to index
      %swap3A_154 = arith.index_cast %scan3A_133 : i32 to index
      %swap3A_155 = arith.constant 32 : index
      %swap3A_156 = tpu.vector_load %arg8[%swap3A_153, %swap3A_154, %swap3A_155] {strides = array<i32>} : memref<2x128x64xf32, #tpu.memory_space<vmem>>, vector<1x1x16xf32>,
      %swap3A_157 = vector.shape_cast %swap3A_156 : vector<1x1x16xf32> to vector<16xf32>
      %swap3A_158 = vector.shape_cast %broadcast_in_dim3A_151 : vector<16xf32> to vector<1x1x16xf32>
      tpu.vector_store %arg8[%swap3A_153, %swap3A_154, %swap3A_155], %swap3A_158 {strides = array<i32>} : memref<2x128x64xf32, #tpu.memory_space<vmem>>, vector<1x1x16xf32>,
      %broadcast_in_dim3A_159 = arith.constant 0.000000e+00 : f32
      %broadcast_in_dim3A_160 = vector.broadcast %broadcast_in_dim3A_159 : f32 to vector<16xf32>
      %swap3A_161 = arith.constant 0 : i32
      %swap3A_162 = arith.index_cast %swap3A_161 : i32 to index
      %swap3A_163 = arith.index_cast %scan3A_133 : i32 to index
      %swap3A_164 = arith.constant 48 : index
      %swap3A_165 = tpu.vector_load %arg8[%swap3A_162, %swap3A_163, %swap3A_164] {strides = array<i32>} : memref<2x128x64xf32, #tpu.memory_space<vmem>>, vector<1x1x16xf32>,
      %swap3A_166 = vector.shape_cast %swap3A_165 : vector<1x1x16xf32> to vector<16xf32>
      %swap3A_167 = vector.shape_cast %broadcast_in_dim3A_160 : vector<16xf32> to vector<1x1x16xf32>
      tpu.vector_store %arg8[%swap3A_162, %swap3A_163, %swap3A_164], %swap3A_167 {strides = array<i32>} : memref<2x128x64xf32, #tpu.memory_space<vmem>>, vector<1x1x16xf32>,
    }
    %scan3A_7 = arith.constant 128 : i32
    %mul3A_8 = arith.constant 640 : i32
    %mul3A_9 = arith.muli %arg1, %mul3A_8 : i32
    %add3A_10 = arith.constant 0 : i32
    %add3A_11 = arith.addi %mul3A_9, %add3A_10 : i32
    %run_scoped3A = arith.constant 0 : i32
    "tpu.region"() ({
      %run_scoped3A_133 = tpu.sem_alloc : memref<!tpu.dma_semaphore, #tpu.memory_space<semaphore_mem>>
      %dma_start3A_134 = arith.constant 0 : i32
      %dma_start3A_135 = arith.constant 0 : i32
      %dma_start3A_136 = tpu.memref_slice %arg8[%run_scoped3A, %dma_start3A_134, %dma_start3A_135] : memref<2x128x64xf32, #tpu.memory_space<vmem>> -> memref<1x128x64xf32, #tpu.memory_space<vmem>>
      %dma_start3A_137 = tpu.memref_squeeze %dma_start3A_136 : memref<1x128x64xf32, #tpu.memory_space<vmem>> -> memref<128x64xf32, #tpu.memory_space<vmem>>
      %dma_start3A_138 = arith.constant 0 : i32
      %dma_start3A_139 = tpu.memref_slice %arg9[%add3A_11, %dma_start3A_138] : memref<10240x64xf32, #tpu.memory_space<vmem_shared>> -> memref<128x64xf32, #tpu.memory_space<vmem_shared>>
      %dma_start3A_140 = arith.constant 0 : i32
      %dma_start3A_141 = tpu.memref_slice %arg9[%add3A_11, %dma_start3A_140] : memref<10240x64xf32, #tpu.memory_space<vmem_shared>> -> memref<128x64xf32, #tpu.memory_space<vmem_shared>>
      %dma_start3A_142 = arith.constant 0 : i32
      %dma_start3A_143 = arith.constant 0 : i32
      %dma_start3A_144 = tpu.memref_slice %arg8[%run_scoped3A, %dma_start3A_142, %dma_start3A_143] : memref<2x128x64xf32, #tpu.memory_space<vmem>> -> memref<1x128x64xf32, #tpu.memory_space<vmem>>
      %dma_start3A_145 = tpu.memref_squeeze %dma_start3A_144 : memref<1x128x64xf32, #tpu.memory_space<vmem>> -> memref<128x64xf32, #tpu.memory_space<vmem>>
      tpu.enqueue_dma source(%dma_start3A_145 : memref<128x64xf32, #tpu.memory_space<vmem>>) target(%dma_start3A_141 : memref<128x64xf32, #tpu.memory_space<vmem_shared>>) target_semaphore(%run_scoped3A_133 : memref<!tpu.dma_semaphore, #tpu.memory_space<semaphore_mem>>)
      %dma_wait3A_146 = arith.constant 0 : i32
      %dma_wait3A_147 = arith.constant 0 : i32
      %dma_wait3A_148 = tpu.memref_slice %arg8[%run_scoped3A, %dma_wait3A_146, %dma_wait3A_147] : memref<2x128x64xf32, #tpu.memory_space<vmem>> -> memref<1x128x64xf32, #tpu.memory_space<vmem>>
      %dma_wait3A_149 = tpu.memref_squeeze %dma_wait3A_148 : memref<1x128x64xf32, #tpu.memory_space<vmem>> -> memref<128x64xf32, #tpu.memory_space<vmem>>
      %dma_wait3A_150 = arith.constant 0 : i32
      %dma_wait3A_151 = tpu.memref_slice %arg9[%add3A_11, %dma_wait3A_150] : memref<10240x64xf32, #tpu.memory_space<vmem_shared>> -> memref<128x64xf32, #tpu.memory_space<vmem_shared>>
      %dma_wait3A_152 = arith.constant 0 : i32
      %dma_wait3A_153 = tpu.memref_slice %arg9[%add3A_11, %dma_wait3A_152] : memref<10240x64xf32, #tpu.memory_space<vmem_shared>> -> memref<128x64xf32, #tpu.memory_space<vmem_shared>>
      %dma_wait3A_154 = arith.constant 0 : i32
      %dma_wait3A_155 = arith.constant 0 : i32
      %dma_wait3A_156 = tpu.memref_slice %arg8[%run_scoped3A, %dma_wait3A_154, %dma_wait3A_155] : memref<2x128x64xf32, #tpu.memory_space<vmem>> -> memref<1x128x64xf32, #tpu.memory_space<vmem>>
      %dma_wait3A_157 = tpu.memref_squeeze %dma_wait3A_156 : memref<1x128x64xf32, #tpu.memory_space<vmem>> -> memref<128x64xf32, #tpu.memory_space<vmem>>
      tpu.wait_dma2 semaphore(%run_scoped3A_133 : memref<!tpu.dma_semaphore, #tpu.memory_space<semaphore_mem>>) src(%dma_wait3A_157 : memref<128x64xf32, #tpu.memory_space<vmem>>) dst(%dma_wait3A_153 : memref<128x64xf32, #tpu.memory_space<vmem_shared>>)
      tpu.yield
    }) : () -> ()
    %mul3A_12 = arith.constant 640 : i32
    %mul3A_13 = arith.muli %arg1, %mul3A_12 : i32
    %add3A_14 = arith.constant 128 : i32
    %add3A_15 = arith.addi %mul3A_13, %add3A_14 : i32
    %run_scoped3A_16 = arith.constant 0 : i32
    "tpu.region"() ({
      %run_scoped3A_133 = tpu.sem_alloc : memref<!tpu.dma_semaphore, #tpu.memory_space<semaphore_mem>>
      %dma_start3A_134 = arith.constant 0 : i32
      %dma_start3A_135 = arith.constant 0 : i32
      %dma_start3A_136 = tpu.memref_slice %arg8[%run_scoped3A_16, %dma_start3A_134, %dma_start3A_135] : memref<2x128x64xf32, #tpu.memory_space<vmem>> -> memref<1x128x64xf32, #tpu.memory_space<vmem>>
      %dma_start3A_137 = tpu.memref_squeeze %dma_start3A_136 : memref<1x128x64xf32, #tpu.memory_space<vmem>> -> memref<128x64xf32, #tpu.memory_space<vmem>>
      %dma_start3A_138 = arith.constant 0 : i32
      %dma_start3A_139 = tpu.memref_slice %arg9[%add3A_15, %dma_start3A_138] : memref<10240x64xf32, #tpu.memory_space<vmem_shared>> -> memref<128x64xf32, #tpu.memory_space<vmem_shared>>
      %dma_start3A_140 = arith.constant 0 : i32
      %dma_start3A_141 = tpu.memref_slice %arg9[%add3A_15, %dma_start3A_140] : memref<10240x64xf32, #tpu.memory_space<vmem_shared>> -> memref<128x64xf32, #tpu.memory_space<vmem_shared>>
      %dma_start3A_142 = arith.constant 0 : i32
      %dma_start3A_143 = arith.constant 0 : i32
      %dma_start3A_144 = tpu.memref_slice %arg8[%run_scoped3A_16, %dma_start3A_142, %dma_start3A_143] : memref<2x128x64xf32, #tpu.memory_space<vmem>> -> memref<1x128x64xf32, #tpu.memory_space<vmem>>
      %dma_start3A_145 = tpu.memref_squeeze %dma_start3A_144 : memref<1x128x64xf32, #tpu.memory_space<vmem>> -> memref<128x64xf32, #tpu.memory_space<vmem>>
      tpu.enqueue_dma source(%dma_start3A_145 : memref<128x64xf32, #tpu.memory_space<vmem>>) target(%dma_start3A_141 : memref<128x64xf32, #tpu.memory_space<vmem_shared>>) target_semaphore(%run_scoped3A_133 : memref<!tpu.dma_semaphore, #tpu.memory_space<semaphore_mem>>)
      %dma_wait3A_146 = arith.constant 0 : i32
      %dma_wait3A_147 = arith.constant 0 : i32
      %dma_wait3A_148 = tpu.memref_slice %arg8[%run_scoped3A_16, %dma_wait3A_146, %dma_wait3A_147] : memref<2x128x64xf32, #tpu.memory_space<vmem>> -> memref<1x128x64xf32, #tpu.memory_space<vmem>>
      %dma_wait3A_149 = tpu.memref_squeeze %dma_wait3A_148 : memref<1x128x64xf32, #tpu.memory_space<vmem>> -> memref<128x64xf32, #tpu.memory_space<vmem>>
      %dma_wait3A_150 = arith.constant 0 : i32
      %dma_wait3A_151 = tpu.memref_slice %arg9[%add3A_15, %dma_wait3A_150] : memref<10240x64xf32, #tpu.memory_space<vmem_shared>> -> memref<128x64xf32, #tpu.memory_space<vmem_shared>>
      %dma_wait3A_152 = arith.constant 0 : i32
      %dma_wait3A_153 = tpu.memref_slice %arg9[%add3A_15, %dma_wait3A_152] : memref<10240x64xf32, #tpu.memory_space<vmem_shared>> -> memref<128x64xf32, #tpu.memory_space<vmem_shared>>
      %dma_wait3A_154 = arith.constant 0 : i32
      %dma_wait3A_155 = arith.constant 0 : i32
      %dma_wait3A_156 = tpu.memref_slice %arg8[%run_scoped3A_16, %dma_wait3A_154, %dma_wait3A_155] : memref<2x128x64xf32, #tpu.memory_space<vmem>> -> memref<1x128x64xf32, #tpu.memory_space<vmem>>
      %dma_wait3A_157 = tpu.memref_squeeze %dma_wait3A_156 : memref<1x128x64xf32, #tpu.memory_space<vmem>> -> memref<128x64xf32, #tpu.memory_space<vmem>>
      tpu.wait_dma2 semaphore(%run_scoped3A_133 : memref<!tpu.dma_semaphore, #tpu.memory_space<semaphore_mem>>) src(%dma_wait3A_157 : memref<128x64xf32, #tpu.memory_space<vmem>>) dst(%dma_wait3A_153 : memref<128x64xf32, #tpu.memory_space<vmem_shared>>)
      tpu.yield
    }) : () -> ()
    %mul3A_17 = arith.constant 640 : i32
    %mul3A_18 = arith.muli %arg1, %mul3A_17 : i32
    %add3A_19 = arith.constant 256 : i32
    %add3A_20 = arith.addi %mul3A_18, %add3A_19 : i32
    %run_scoped3A_21 = arith.constant 0 : i32
    "tpu.region"() ({
      %run_scoped3A_133 = tpu.sem_alloc : memref<!tpu.dma_semaphore, #tpu.memory_space<semaphore_mem>>
      %dma_start3A_134 = arith.constant 0 : i32
      %dma_start3A_135 = arith.constant 0 : i32
      %dma_start3A_136 = tpu.memref_slice %arg8[%run_scoped3A_21, %dma_start3A_134, %dma_start3A_135] : memref<2x128x64xf32, #tpu.memory_space<vmem>> -> memref<1x128x64xf32, #tpu.memory_space<vmem>>
      %dma_start3A_137 = tpu.memref_squeeze %dma_start3A_136 : memref<1x128x64xf32, #tpu.memory_space<vmem>> -> memref<128x64xf32, #tpu.memory_space<vmem>>
      %dma_start3A_138 = arith.constant 0 : i32
      %dma_start3A_139 = tpu.memref_slice %arg9[%add3A_20, %dma_start3A_138] : memref<10240x64xf32, #tpu.memory_space<vmem_shared>> -> memref<128x64xf32, #tpu.memory_space<vmem_shared>>
      %dma_start3A_140 = arith.constant 0 : i32
      %dma_start3A_141 = tpu.memref_slice %arg9[%add3A_20, %dma_start3A_140] : memref<10240x64xf32, #tpu.memory_space<vmem_shared>> -> memref<128x64xf32, #tpu.memory_space<vmem_shared>>
      %dma_start3A_142 = arith.constant 0 : i32
      %dma_start3A_143 = arith.constant 0 : i32
      %dma_start3A_144 = tpu.memref_slice %arg8[%run_scoped3A_21, %dma_start3A_142, %dma_start3A_143] : memref<2x128x64xf32, #tpu.memory_space<vmem>> -> memref<1x128x64xf32, #tpu.memory_space<vmem>>
      %dma_start3A_145 = tpu.memref_squeeze %dma_start3A_144 : memref<1x128x64xf32, #tpu.memory_space<vmem>> -> memref<128x64xf32, #tpu.memory_space<vmem>>
      tpu.enqueue_dma source(%dma_start3A_145 : memref<128x64xf32, #tpu.memory_space<vmem>>) target(%dma_start3A_141 : memref<128x64xf32, #tpu.memory_space<vmem_shared>>) target_semaphore(%run_scoped3A_133 : memref<!tpu.dma_semaphore, #tpu.memory_space<semaphore_mem>>)
      %dma_wait3A_146 = arith.constant 0 : i32
      %dma_wait3A_147 = arith.constant 0 : i32
      %dma_wait3A_148 = tpu.memref_slice %arg8[%run_scoped3A_21, %dma_wait3A_146, %dma_wait3A_147] : memref<2x128x64xf32, #tpu.memory_space<vmem>> -> memref<1x128x64xf32, #tpu.memory_space<vmem>>
      %dma_wait3A_149 = tpu.memref_squeeze %dma_wait3A_148 : memref<1x128x64xf32, #tpu.memory_space<vmem>> -> memref<128x64xf32, #tpu.memory_space<vmem>>
      %dma_wait3A_150 = arith.constant 0 : i32
      %dma_wait3A_151 = tpu.memref_slice %arg9[%add3A_20, %dma_wait3A_150] : memref<10240x64xf32, #tpu.memory_space<vmem_shared>> -> memref<128x64xf32, #tpu.memory_space<vmem_shared>>
      %dma_wait3A_152 = arith.constant 0 : i32
      %dma_wait3A_153 = tpu.memref_slice %arg9[%add3A_20, %dma_wait3A_152] : memref<10240x64xf32, #tpu.memory_space<vmem_shared>> -> memref<128x64xf32, #tpu.memory_space<vmem_shared>>
      %dma_wait3A_154 = arith.constant 0 : i32
      %dma_wait3A_155 = arith.constant 0 : i32
      %dma_wait3A_156 = tpu.memref_slice %arg8[%run_scoped3A_21, %dma_wait3A_154, %dma_wait3A_155] : memref<2x128x64xf32, #tpu.memory_space<vmem>> -> memref<1x128x64xf32, #tpu.memory_space<vmem>>
      %dma_wait3A_157 = tpu.memref_squeeze %dma_wait3A_156 : memref<1x128x64xf32, #tpu.memory_space<vmem>> -> memref<128x64xf32, #tpu.memory_space<vmem>>
      tpu.wait_dma2 semaphore(%run_scoped3A_133 : memref<!tpu.dma_semaphore, #tpu.memory_space<semaphore_mem>>) src(%dma_wait3A_157 : memref<128x64xf32, #tpu.memory_space<vmem>>) dst(%dma_wait3A_153 : memref<128x64xf32, #tpu.memory_space<vmem_shared>>)
      tpu.yield
    }) : () -> ()
    %mul3A_22 = arith.constant 640 : i32
    %mul3A_23 = arith.muli %arg1, %mul3A_22 : i32
    %add3A_24 = arith.constant 384 : i32
    %add3A_25 = arith.addi %mul3A_23, %add3A_24 : i32
    %run_scoped3A_26 = arith.constant 0 : i32
    "tpu.region"() ({
      %run_scoped3A_133 = tpu.sem_alloc : memref<!tpu.dma_semaphore, #tpu.memory_space<semaphore_mem>>
      %dma_start3A_134 = arith.constant 0 : i32
      %dma_start3A_135 = arith.constant 0 : i32
      %dma_start3A_136 = tpu.memref_slice %arg8[%run_scoped3A_26, %dma_start3A_134, %dma_start3A_135] : memref<2x128x64xf32, #tpu.memory_space<vmem>> -> memref<1x128x64xf32, #tpu.memory_space<vmem>>
      %dma_start3A_137 = tpu.memref_squeeze %dma_start3A_136 : memref<1x128x64xf32, #tpu.memory_space<vmem>> -> memref<128x64xf32, #tpu.memory_space<vmem>>
      %dma_start3A_138 = arith.constant 0 : i32
      %dma_start3A_139 = tpu.memref_slice %arg9[%add3A_25, %dma_start3A_138] : memref<10240x64xf32, #tpu.memory_space<vmem_shared>> -> memref<128x64xf32, #tpu.memory_space<vmem_shared>>
      %dma_start3A_140 = arith.constant 0 : i32
      %dma_start3A_141 = tpu.memref_slice %arg9[%add3A_25, %dma_start3A_140] : memref<10240x64xf32, #tpu.memory_space<vmem_shared>> -> memref<128x64xf32, #tpu.memory_space<vmem_shared>>
      %dma_start3A_142 = arith.constant 0 : i32
      %dma_start3A_143 = arith.constant 0 : i32
      %dma_start3A_144 = tpu.memref_slice %arg8[%run_scoped3A_26, %dma_start3A_142, %dma_start3A_143] : memref<2x128x64xf32, #tpu.memory_space<vmem>> -> memref<1x128x64xf32, #tpu.memory_space<vmem>>
      %dma_start3A_145 = tpu.memref_squeeze %dma_start3A_144 : memref<1x128x64xf32, #tpu.memory_space<vmem>> -> memref<128x64xf32, #tpu.memory_space<vmem>>
      tpu.enqueue_dma source(%dma_start3A_145 : memref<128x64xf32, #tpu.memory_space<vmem>>) target(%dma_start3A_141 : memref<128x64xf32, #tpu.memory_space<vmem_shared>>) target_semaphore(%run_scoped3A_133 : memref<!tpu.dma_semaphore, #tpu.memory_space<semaphore_mem>>)
      %dma_wait3A_146 = arith.constant 0 : i32
      %dma_wait3A_147 = arith.constant 0 : i32
      %dma_wait3A_148 = tpu.memref_slice %arg8[%run_scoped3A_26, %dma_wait3A_146, %dma_wait3A_147] : memref<2x128x64xf32, #tpu.memory_space<vmem>> -> memref<1x128x64xf32, #tpu.memory_space<vmem>>
      %dma_wait3A_149 = tpu.memref_squeeze %dma_wait3A_148 : memref<1x128x64xf32, #tpu.memory_space<vmem>> -> memref<128x64xf32, #tpu.memory_space<vmem>>
      %dma_wait3A_150 = arith.constant 0 : i32
      %dma_wait3A_151 = tpu.memref_slice %arg9[%add3A_25, %dma_wait3A_150] : memref<10240x64xf32, #tpu.memory_space<vmem_shared>> -> memref<128x64xf32, #tpu.memory_space<vmem_shared>>
      %dma_wait3A_152 = arith.constant 0 : i32
      %dma_wait3A_153 = tpu.memref_slice %arg9[%add3A_25, %dma_wait3A_152] : memref<10240x64xf32, #tpu.memory_space<vmem_shared>> -> memref<128x64xf32, #tpu.memory_space<vmem_shared>>
      %dma_wait3A_154 = arith.constant 0 : i32
      %dma_wait3A_155 = arith.constant 0 : i32
      %dma_wait3A_156 = tpu.memref_slice %arg8[%run_scoped3A_26, %dma_wait3A_154, %dma_wait3A_155] : memref<2x128x64xf32, #tpu.memory_space<vmem>> -> memref<1x128x64xf32, #tpu.memory_space<vmem>>
      %dma_wait3A_157 = tpu.memref_squeeze %dma_wait3A_156 : memref<1x128x64xf32, #tpu.memory_space<vmem>> -> memref<128x64xf32, #tpu.memory_space<vmem>>
      tpu.wait_dma2 semaphore(%run_scoped3A_133 : memref<!tpu.dma_semaphore, #tpu.memory_space<semaphore_mem>>) src(%dma_wait3A_157 : memref<128x64xf32, #tpu.memory_space<vmem>>) dst(%dma_wait3A_153 : memref<128x64xf32, #tpu.memory_space<vmem_shared>>)
      tpu.yield
    }) : () -> ()
    %mul3A_27 = arith.constant 640 : i32
    %mul3A_28 = arith.muli %arg1, %mul3A_27 : i32
    %add3A_29 = arith.constant 512 : i32
    %add3A_30 = arith.addi %mul3A_28, %add3A_29 : i32
    %run_scoped3A_31 = arith.constant 0 : i32
    "tpu.region"() ({
      %run_scoped3A_133 = tpu.sem_alloc : memref<!tpu.dma_semaphore, #tpu.memory_space<semaphore_mem>>
      %dma_start3A_134 = arith.constant 0 : i32
      %dma_start3A_135 = arith.constant 0 : i32
      %dma_start3A_136 = tpu.memref_slice %arg8[%run_scoped3A_31, %dma_start3A_134, %dma_start3A_135] : memref<2x128x64xf32, #tpu.memory_space<vmem>> -> memref<1x128x64xf32, #tpu.memory_space<vmem>>
      %dma_start3A_137 = tpu.memref_squeeze %dma_start3A_136 : memref<1x128x64xf32, #tpu.memory_space<vmem>> -> memref<128x64xf32, #tpu.memory_space<vmem>>
      %dma_start3A_138 = arith.constant 0 : i32
      %dma_start3A_139 = tpu.memref_slice %arg9[%add3A_30, %dma_start3A_138] : memref<10240x64xf32, #tpu.memory_space<vmem_shared>> -> memref<128x64xf32, #tpu.memory_space<vmem_shared>>
      %dma_start3A_140 = arith.constant 0 : i32
      %dma_start3A_141 = tpu.memref_slice %arg9[%add3A_30, %dma_start3A_140] : memref<10240x64xf32, #tpu.memory_space<vmem_shared>> -> memref<128x64xf32, #tpu.memory_space<vmem_shared>>
      %dma_start3A_142 = arith.constant 0 : i32
      %dma_start3A_143 = arith.constant 0 : i32
      %dma_start3A_144 = tpu.memref_slice %arg8[%run_scoped3A_31, %dma_start3A_142, %dma_start3A_143] : memref<2x128x64xf32, #tpu.memory_space<vmem>> -> memref<1x128x64xf32, #tpu.memory_space<vmem>>
      %dma_start3A_145 = tpu.memref_squeeze %dma_start3A_144 : memref<1x128x64xf32, #tpu.memory_space<vmem>> -> memref<128x64xf32, #tpu.memory_space<vmem>>
      tpu.enqueue_dma source(%dma_start3A_145 : memref<128x64xf32, #tpu.memory_space<vmem>>) target(%dma_start3A_141 : memref<128x64xf32, #tpu.memory_space<vmem_shared>>) target_semaphore(%run_scoped3A_133 : memref<!tpu.dma_semaphore, #tpu.memory_space<semaphore_mem>>)
      %dma_wait3A_146 = arith.constant 0 : i32
      %dma_wait3A_147 = arith.constant 0 : i32
      %dma_wait3A_148 = tpu.memref_slice %arg8[%run_scoped3A_31, %dma_wait3A_146, %dma_wait3A_147] : memref<2x128x64xf32, #tpu.memory_space<vmem>> -> memref<1x128x64xf32, #tpu.memory_space<vmem>>
      %dma_wait3A_149 = tpu.memref_squeeze %dma_wait3A_148 : memref<1x128x64xf32, #tpu.memory_space<vmem>> -> memref<128x64xf32, #tpu.memory_space<vmem>>
      %dma_wait3A_150 = arith.constant 0 : i32
      %dma_wait3A_151 = tpu.memref_slice %arg9[%add3A_30, %dma_wait3A_150] : memref<10240x64xf32, #tpu.memory_space<vmem_shared>> -> memref<128x64xf32, #tpu.memory_space<vmem_shared>>
      %dma_wait3A_152 = arith.constant 0 : i32
      %dma_wait3A_153 = tpu.memref_slice %arg9[%add3A_30, %dma_wait3A_152] : memref<10240x64xf32, #tpu.memory_space<vmem_shared>> -> memref<128x64xf32, #tpu.memory_space<vmem_shared>>
      %dma_wait3A_154 = arith.constant 0 : i32
      %dma_wait3A_155 = arith.constant 0 : i32
      %dma_wait3A_156 = tpu.memref_slice %arg8[%run_scoped3A_31, %dma_wait3A_154, %dma_wait3A_155] : memref<2x128x64xf32, #tpu.memory_space<vmem>> -> memref<1x128x64xf32, #tpu.memory_space<vmem>>
      %dma_wait3A_157 = tpu.memref_squeeze %dma_wait3A_156 : memref<1x128x64xf32, #tpu.memory_space<vmem>> -> memref<128x64xf32, #tpu.memory_space<vmem>>
      tpu.wait_dma2 semaphore(%run_scoped3A_133 : memref<!tpu.dma_semaphore, #tpu.memory_space<semaphore_mem>>) src(%dma_wait3A_157 : memref<128x64xf32, #tpu.memory_space<vmem>>) dst(%dma_wait3A_153 : memref<128x64xf32, #tpu.memory_space<vmem_shared>>)
      tpu.yield
    }) : () -> ()
    %barrier3A = arith.constant 0 : index
    tpu.barrier barrier_id(%barrier3A)
    %dma_start3A = arith.constant 0 : i32
    %dma_start3A_32 = arith.constant 0 : i32
    %dma_start3A_33 = arith.constant 0 : i32
    %dma_start3A_34 = arith.constant 0 : i32
    %dma_start3A_35 = tpu.memref_slice %arg8[%dma_start3A_32, %dma_start3A_33, %dma_start3A_34] : memref<2x128x64xf32, #tpu.memory_space<vmem>> -> memref<1x128x64xf32, #tpu.memory_space<vmem>>
    %dma_start3A_36 = tpu.memref_squeeze %dma_start3A_35 : memref<1x128x64xf32, #tpu.memory_space<vmem>> -> memref<128x64xf32, #tpu.memory_space<vmem>>
    %dma_start3A_37 = arith.constant 0 : i32
    %dma_start3A_38 = tpu.memref_slice %arg6[%dma_start3A, %dma_start3A_37] : memref<80x128xi32, #tpu.memory_space<vmem>> -> memref<1x128xi32, #tpu.memory_space<vmem>>
    %dma_start3A_39 = tpu.memref_squeeze %dma_start3A_38 : memref<1x128xi32, #tpu.memory_space<vmem>> -> memref<128xi32, #tpu.memory_space<vmem>>
    %dma_start3A_40 = arith.constant 0 : i32
    %dma_start3A_41 = arith.constant 0 : i32
    %dma_start3A_42 = tpu.memref_slice %arg10[%dma_start3A_40, %dma_start3A_41] : memref<10240x64xf32, #tpu.memory_space<vmem_shared>> -> memref<10240x64xf32, #tpu.memory_space<vmem_shared>>
    tpu.enqueue_indirect_dma source(%dma_start3A_42 : memref<10240x64xf32, #tpu.memory_space<vmem_shared>>) target(%dma_start3A_36 : memref<128x64xf32, #tpu.memory_space<vmem>>) offsets(%dma_start3A_39 : memref<128xi32, #tpu.memory_space<vmem>>) semaphore(%arg11 : memref<!tpu.dma_semaphore, #tpu.memory_space<semaphore_mem>>)
    %dma_wait3A = arith.constant 0 : i32
    %dma_wait3A_43 = arith.constant 0 : i32
    %dma_wait3A_44 = arith.constant 0 : i32
    %dma_wait3A_45 = arith.constant 0 : i32
    %dma_wait3A_46 = tpu.memref_slice %arg8[%dma_wait3A_43, %dma_wait3A_44, %dma_wait3A_45] : memref<2x128x64xf32, #tpu.memory_space<vmem>> -> memref<1x128x64xf32, #tpu.memory_space<vmem>>
    %dma_wait3A_47 = tpu.memref_squeeze %dma_wait3A_46 : memref<1x128x64xf32, #tpu.memory_space<vmem>> -> memref<128x64xf32, #tpu.memory_space<vmem>>
    %dma_wait3A_48 = arith.constant 0 : i32
    %dma_wait3A_49 = tpu.memref_slice %arg6[%dma_wait3A, %dma_wait3A_48] : memref<80x128xi32, #tpu.memory_space<vmem>> -> memref<1x128xi32, #tpu.memory_space<vmem>>
    %dma_wait3A_50 = tpu.memref_squeeze %dma_wait3A_49 : memref<1x128xi32, #tpu.memory_space<vmem>> -> memref<128xi32, #tpu.memory_space<vmem>>
    %dma_wait3A_51 = arith.constant 0 : i32
    %dma_wait3A_52 = arith.constant 0 : i32
    %dma_wait3A_53 = tpu.memref_slice %arg10[%dma_wait3A_51, %dma_wait3A_52] : memref<10240x64xf32, #tpu.memory_space<vmem_shared>> -> memref<10240x64xf32, #tpu.memory_space<vmem_shared>>
    tpu.wait_indirect_dma semaphore(%arg11 : memref<!tpu.dma_semaphore, #tpu.memory_space<semaphore_mem>>) src(%dma_wait3A_53 : memref<10240x64xf32, #tpu.memory_space<vmem_shared>>) dst(%dma_wait3A_47 : memref<128x64xf32, #tpu.memory_space<vmem>>)
    %dma_start3A_54 = arith.constant 0 : i32
    %dma_start3A_55 = arith.constant 0 : i32
    %dma_start3A_56 = arith.constant 0 : i32
    %dma_start3A_57 = arith.constant 0 : i32
    %dma_start3A_58 = tpu.memref_slice %arg8[%dma_start3A_54, %dma_start3A_56, %dma_start3A_57] : memref<2x128x64xf32, #tpu.memory_space<vmem>> -> memref<1x128x64xf32, #tpu.memory_space<vmem>>
    %dma_start3A_59 = tpu.memref_squeeze %dma_start3A_58 : memref<1x128x64xf32, #tpu.memory_space<vmem>> -> memref<128x64xf32, #tpu.memory_space<vmem>>
    %dma_start3A_60 = arith.constant 0 : i32
    %dma_start3A_61 = tpu.memref_slice %arg7[%dma_start3A_55, %dma_start3A_60] : memref<80x128xi32, #tpu.memory_space<vmem>> -> memref<1x128xi32, #tpu.memory_space<vmem>>
    %dma_start3A_62 = tpu.memref_squeeze %dma_start3A_61 : memref<1x128xi32, #tpu.memory_space<vmem>> -> memref<128xi32, #tpu.memory_space<vmem>>
    %dma_start3A_63 = arith.constant 0 : i32
    %dma_start3A_64 = arith.constant 0 : i32
    %dma_start3A_65 = tpu.memref_slice %arg9[%dma_start3A_63, %dma_start3A_64] : memref<10240x64xf32, #tpu.memory_space<vmem_shared>> -> memref<10240x64xf32, #tpu.memory_space<vmem_shared>>
    tpu.enqueue_indirect_dma source(%dma_start3A_59 : memref<128x64xf32, #tpu.memory_space<vmem>>) target(%dma_start3A_65 : memref<10240x64xf32, #tpu.memory_space<vmem_shared>>) offsets(%dma_start3A_62 : memref<128xi32, #tpu.memory_space<vmem>>) semaphore(%arg13 : memref<!tpu.dma_semaphore, #tpu.memory_space<semaphore_mem>>) {add = true}
    %dma_start3A_66 = arith.constant 1 : i32
    %dma_start3A_67 = arith.constant 1 : i32
    %dma_start3A_68 = arith.constant 0 : i32
    %dma_start3A_69 = arith.constant 0 : i32
    %dma_start3A_70 = tpu.memref_slice %arg8[%dma_start3A_67, %dma_start3A_68, %dma_start3A_69] : memref<2x128x64xf32, #tpu.memory_space<vmem>> -> memref<1x128x64xf32, #tpu.memory_space<vmem>>
    %dma_start3A_71 = tpu.memref_squeeze %dma_start3A_70 : memref<1x128x64xf32, #tpu.memory_space<vmem>> -> memref<128x64xf32, #tpu.memory_space<vmem>>
    %dma_start3A_72 = arith.constant 0 : i32
    %dma_start3A_73 = tpu.memref_slice %arg6[%dma_start3A_66, %dma_start3A_72] : memref<80x128xi32, #tpu.memory_space<vmem>> -> memref<1x128xi32, #tpu.memory_space<vmem>>
    %dma_start3A_74 = tpu.memref_squeeze %dma_start3A_73 : memref<1x128xi32, #tpu.memory_space<vmem>> -> memref<128xi32, #tpu.memory_space<vmem>>
    %dma_start3A_75 = arith.constant 0 : i32
    %dma_start3A_76 = arith.constant 0 : i32
    %dma_start3A_77 = tpu.memref_slice %arg10[%dma_start3A_75, %dma_start3A_76] : memref<10240x64xf32, #tpu.memory_space<vmem_shared>> -> memref<10240x64xf32, #tpu.memory_space<vmem_shared>>
    tpu.enqueue_indirect_dma source(%dma_start3A_77 : memref<10240x64xf32, #tpu.memory_space<vmem_shared>>) target(%dma_start3A_71 : memref<128x64xf32, #tpu.memory_space<vmem>>) offsets(%dma_start3A_74 : memref<128xi32, #tpu.memory_space<vmem>>) semaphore(%arg12 : memref<!tpu.dma_semaphore, #tpu.memory_space<semaphore_mem>>)
    %scan3A_78 = arith.constant 0 : i32
    %scan3A_79 = arith.constant 0 : i32
    %scan3A_80 = arith.constant 39 : i32
    %scan3A_81 = arith.addi %scan3A_79, %scan3A_80 : i32
    %scan3A_82 = arith.constant 1 : i32
    scf.for %scan3A_133 = %scan3A_79 to %scan3A_81 step %scan3A_82  : i32 {
      %mul3A_134 = arith.constant 2 : i32
      %mul3A_135 = arith.muli %scan3A_133, %mul3A_134 : i32
      %add3A_136 = arith.constant 1 : i32
      %add3A_137 = arith.addi %mul3A_135, %add3A_136 : i32
      %add3A_138 = arith.constant 0 : i32
      %add3A_139 = arith.addi %add3A_137, %add3A_138 : i32
      %dma_wait3A_140 = arith.constant 1 : i32
      %dma_wait3A_141 = arith.constant 0 : i32
      %dma_wait3A_142 = arith.constant 0 : i32
      %dma_wait3A_143 = tpu.memref_slice %arg8[%dma_wait3A_140, %dma_wait3A_141, %dma_wait3A_142] : memref<2x128x64xf32, #tpu.memory_space<vmem>> -> memref<1x128x64xf32, #tpu.memory_space<vmem>>
      %dma_wait3A_144 = tpu.memref_squeeze %dma_wait3A_143 : memref<1x128x64xf32, #tpu.memory_space<vmem>> -> memref<128x64xf32, #tpu.memory_space<vmem>>
      %dma_wait3A_145 = arith.constant 0 : i32
      %dma_wait3A_146 = tpu.memref_slice %arg6[%add3A_139, %dma_wait3A_145] : memref<80x128xi32, #tpu.memory_space<vmem>> -> memref<1x128xi32, #tpu.memory_space<vmem>>
      %dma_wait3A_147 = tpu.memref_squeeze %dma_wait3A_146 : memref<1x128xi32, #tpu.memory_space<vmem>> -> memref<128xi32, #tpu.memory_space<vmem>>
      %dma_wait3A_148 = arith.constant 0 : i32
      %dma_wait3A_149 = arith.constant 0 : i32
      %dma_wait3A_150 = tpu.memref_slice %arg10[%dma_wait3A_148, %dma_wait3A_149] : memref<10240x64xf32, #tpu.memory_space<vmem_shared>> -> memref<10240x64xf32, #tpu.memory_space<vmem_shared>>
      tpu.wait_indirect_dma semaphore(%arg12 : memref<!tpu.dma_semaphore, #tpu.memory_space<semaphore_mem>>) src(%dma_wait3A_150 : memref<10240x64xf32, #tpu.memory_space<vmem_shared>>) dst(%dma_wait3A_144 : memref<128x64xf32, #tpu.memory_space<vmem>>)
      %dma_start3A_151 = arith.constant 1 : i32
      %dma_start3A_152 = arith.constant 0 : i32
      %dma_start3A_153 = arith.constant 0 : i32
      %dma_start3A_154 = tpu.memref_slice %arg8[%dma_start3A_151, %dma_start3A_152, %dma_start3A_153] : memref<2x128x64xf32, #tpu.memory_space<vmem>> -> memref<1x128x64xf32, #tpu.memory_space<vmem>>
      %dma_start3A_155 = tpu.memref_squeeze %dma_start3A_154 : memref<1x128x64xf32, #tpu.memory_space<vmem>> -> memref<128x64xf32, #tpu.memory_space<vmem>>
      %dma_start3A_156 = arith.constant 0 : i32
      %dma_start3A_157 = tpu.memref_slice %arg7[%add3A_139, %dma_start3A_156] : memref<80x128xi32, #tpu.memory_space<vmem>> -> memref<1x128xi32, #tpu.memory_space<vmem>>
      %dma_start3A_158 = tpu.memref_squeeze %dma_start3A_157 : memref<1x128xi32, #tpu.memory_space<vmem>> -> memref<128xi32, #tpu.memory_space<vmem>>
      %dma_start3A_159 = arith.constant 0 : i32
      %dma_start3A_160 = arith.constant 0 : i32
      %dma_start3A_161 = tpu.memref_slice %arg9[%dma_start3A_159, %dma_start3A_160] : memref<10240x64xf32, #tpu.memory_space<vmem_shared>> -> memref<10240x64xf32, #tpu.memory_space<vmem_shared>>
      tpu.enqueue_indirect_dma source(%dma_start3A_155 : memref<128x64xf32, #tpu.memory_space<vmem>>) target(%dma_start3A_161 : memref<10240x64xf32, #tpu.memory_space<vmem_shared>>) offsets(%dma_start3A_158 : memref<128xi32, #tpu.memory_space<vmem>>) semaphore(%arg14 : memref<!tpu.dma_semaphore, #tpu.memory_space<semaphore_mem>>) {add = true}
      %sub3A = arith.constant 1 : i32
      %sub3A_162 = arith.subi %add3A_139, %sub3A : i32
      %dma_wait3A_163 = arith.constant 0 : i32
      %dma_wait3A_164 = arith.constant 0 : i32
      %dma_wait3A_165 = arith.constant 0 : i32
      %dma_wait3A_166 = tpu.memref_slice %arg8[%dma_wait3A_163, %dma_wait3A_164, %dma_wait3A_165] : memref<2x128x64xf32, #tpu.memory_space<vmem>> -> memref<1x128x64xf32, #tpu.memory_space<vmem>>
      %dma_wait3A_167 = tpu.memref_squeeze %dma_wait3A_166 : memref<1x128x64xf32, #tpu.memory_space<vmem>> -> memref<128x64xf32, #tpu.memory_space<vmem>>
      %dma_wait3A_168 = arith.constant 0 : i32
      %dma_wait3A_169 = tpu.memref_slice %arg7[%sub3A_162, %dma_wait3A_168] : memref<80x128xi32, #tpu.memory_space<vmem>> -> memref<1x128xi32, #tpu.memory_space<vmem>>
      %dma_wait3A_170 = tpu.memref_squeeze %dma_wait3A_169 : memref<1x128xi32, #tpu.memory_space<vmem>> -> memref<128xi32, #tpu.memory_space<vmem>>
      %dma_wait3A_171 = arith.constant 0 : i32
      %dma_wait3A_172 = arith.constant 0 : i32
      %dma_wait3A_173 = tpu.memref_slice %arg9[%dma_wait3A_171, %dma_wait3A_172] : memref<10240x64xf32, #tpu.memory_space<vmem_shared>> -> memref<10240x64xf32, #tpu.memory_space<vmem_shared>>
      tpu.wait_indirect_dma semaphore(%arg13 : memref<!tpu.dma_semaphore, #tpu.memory_space<semaphore_mem>>) src(%dma_wait3A_167 : memref<128x64xf32, #tpu.memory_space<vmem>>) dst(%dma_wait3A_173 : memref<10240x64xf32, #tpu.memory_space<vmem_shared>>)
      %add3A_174 = arith.constant 1 : i32
      %add3A_175 = arith.addi %add3A_139, %add3A_174 : i32
      %dma_start3A_176 = arith.constant 0 : i32
      %dma_start3A_177 = arith.constant 0 : i32
      %dma_start3A_178 = arith.constant 0 : i32
      %dma_start3A_179 = tpu.memref_slice %arg8[%dma_start3A_176, %dma_start3A_177, %dma_start3A_178] : memref<2x128x64xf32, #tpu.memory_space<vmem>> -> memref<1x128x64xf32, #tpu.memory_space<vmem>>
      %dma_start3A_180 = tpu.memref_squeeze %dma_start3A_179 : memref<1x128x64xf32, #tpu.memory_space<vmem>> -> memref<128x64xf32, #tpu.memory_space<vmem>>
      %dma_start3A_181 = arith.constant 0 : i32
      %dma_start3A_182 = tpu.memref_slice %arg6[%add3A_175, %dma_start3A_181] : memref<80x128xi32, #tpu.memory_space<vmem>> -> memref<1x128xi32, #tpu.memory_space<vmem>>
      %dma_start3A_183 = tpu.memref_squeeze %dma_start3A_182 : memref<1x128xi32, #tpu.memory_space<vmem>> -> memref<128xi32, #tpu.memory_space<vmem>>
      %dma_start3A_184 = arith.constant 0 : i32
      %dma_start3A_185 = arith.constant 0 : i32
      %dma_start3A_186 = tpu.memref_slice %arg10[%dma_start3A_184, %dma_start3A_185] : memref<10240x64xf32, #tpu.memory_space<vmem_shared>> -> memref<10240x64xf32, #tpu.memory_space<vmem_shared>>
      tpu.enqueue_indirect_dma source(%dma_start3A_186 : memref<10240x64xf32, #tpu.memory_space<vmem_shared>>) target(%dma_start3A_180 : memref<128x64xf32, #tpu.memory_space<vmem>>) offsets(%dma_start3A_183 : memref<128xi32, #tpu.memory_space<vmem>>) semaphore(%arg11 : memref<!tpu.dma_semaphore, #tpu.memory_space<semaphore_mem>>)
      %add3A_187 = arith.constant 1 : i32
      %add3A_188 = arith.addi %add3A_137, %add3A_187 : i32
      %dma_wait3A_189 = arith.constant 0 : i32
      %dma_wait3A_190 = arith.constant 0 : i32
      %dma_wait3A_191 = arith.constant 0 : i32
      %dma_wait3A_192 = tpu.memref_slice %arg8[%dma_wait3A_189, %dma_wait3A_190, %dma_wait3A_191] : memref<2x128x64xf32, #tpu.memory_space<vmem>> -> memref<1x128x64xf32, #tpu.memory_space<vmem>>
      %dma_wait3A_193 = tpu.memref_squeeze %dma_wait3A_192 : memref<1x128x64xf32, #tpu.memory_space<vmem>> -> memref<128x64xf32, #tpu.memory_space<vmem>>
      %dma_wait3A_194 = arith.constant 0 : i32
      %dma_wait3A_195 = tpu.memref_slice %arg6[%add3A_188, %dma_wait3A_194] : memref<80x128xi32, #tpu.memory_space<vmem>> -> memref<1x128xi32, #tpu.memory_space<vmem>>
      %dma_wait3A_196 = tpu.memref_squeeze %dma_wait3A_195 : memref<1x128xi32, #tpu.memory_space<vmem>> -> memref<128xi32, #tpu.memory_space<vmem>>
      %dma_wait3A_197 = arith.constant 0 : i32
      %dma_wait3A_198 = arith.constant 0 : i32
      %dma_wait3A_199 = tpu.memref_slice %arg10[%dma_wait3A_197, %dma_wait3A_198] : memref<10240x64xf32, #tpu.memory_space<vmem_shared>> -> memref<10240x64xf32, #tpu.memory_space<vmem_shared>>
      tpu.wait_indirect_dma semaphore(%arg11 : memref<!tpu.dma_semaphore, #tpu.memory_space<semaphore_mem>>) src(%dma_wait3A_199 : memref<10240x64xf32, #tpu.memory_space<vmem_shared>>) dst(%dma_wait3A_193 : memref<128x64xf32, #tpu.memory_space<vmem>>)
      %dma_start3A_200 = arith.constant 0 : i32
      %dma_start3A_201 = arith.constant 0 : i32
      %dma_start3A_202 = arith.constant 0 : i32
      %dma_start3A_203 = tpu.memref_slice %arg8[%dma_start3A_200, %dma_start3A_201, %dma_start3A_202] : memref<2x128x64xf32, #tpu.memory_space<vmem>> -> memref<1x128x64xf32, #tpu.memory_space<vmem>>
      %dma_start3A_204 = tpu.memref_squeeze %dma_start3A_203 : memref<1x128x64xf32, #tpu.memory_space<vmem>> -> memref<128x64xf32, #tpu.memory_space<vmem>>
      %dma_start3A_205 = arith.constant 0 : i32
      %dma_start3A_206 = tpu.memref_slice %arg7[%add3A_188, %dma_start3A_205] : memref<80x128xi32, #tpu.memory_space<vmem>> -> memref<1x128xi32, #tpu.memory_space<vmem>>
      %dma_start3A_207 = tpu.memref_squeeze %dma_start3A_206 : memref<1x128xi32, #tpu.memory_space<vmem>> -> memref<128xi32, #tpu.memory_space<vmem>>
      %dma_start3A_208 = arith.constant 0 : i32
      %dma_start3A_209 = arith.constant 0 : i32
      %dma_start3A_210 = tpu.memref_slice %arg9[%dma_start3A_208, %dma_start3A_209] : memref<10240x64xf32, #tpu.memory_space<vmem_shared>> -> memref<10240x64xf32, #tpu.memory_space<vmem_shared>>
      tpu.enqueue_indirect_dma source(%dma_start3A_204 : memref<128x64xf32, #tpu.memory_space<vmem>>) target(%dma_start3A_210 : memref<10240x64xf32, #tpu.memory_space<vmem_shared>>) offsets(%dma_start3A_207 : memref<128xi32, #tpu.memory_space<vmem>>) semaphore(%arg13 : memref<!tpu.dma_semaphore, #tpu.memory_space<semaphore_mem>>) {add = true}
      %sub3A_211 = arith.constant 1 : i32
      %sub3A_212 = arith.subi %add3A_188, %sub3A_211 : i32
      %dma_wait3A_213 = arith.constant 1 : i32
      %dma_wait3A_214 = arith.constant 0 : i32
      %dma_wait3A_215 = arith.constant 0 : i32
      %dma_wait3A_216 = tpu.memref_slice %arg8[%dma_wait3A_213, %dma_wait3A_214, %dma_wait3A_215] : memref<2x128x64xf32, #tpu.memory_space<vmem>> -> memref<1x128x64xf32, #tpu.memory_space<vmem>>
      %dma_wait3A_217 = tpu.memref_squeeze %dma_wait3A_216 : memref<1x128x64xf32, #tpu.memory_space<vmem>> -> memref<128x64xf32, #tpu.memory_space<vmem>>
      %dma_wait3A_218 = arith.constant 0 : i32
      %dma_wait3A_219 = tpu.memref_slice %arg7[%sub3A_212, %dma_wait3A_218] : memref<80x128xi32, #tpu.memory_space<vmem>> -> memref<1x128xi32, #tpu.memory_space<vmem>>
      %dma_wait3A_220 = tpu.memref_squeeze %dma_wait3A_219 : memref<1x128xi32, #tpu.memory_space<vmem>> -> memref<128xi32, #tpu.memory_space<vmem>>
      %dma_wait3A_221 = arith.constant 0 : i32
      %dma_wait3A_222 = arith.constant 0 : i32
      %dma_wait3A_223 = tpu.memref_slice %arg9[%dma_wait3A_221, %dma_wait3A_222] : memref<10240x64xf32, #tpu.memory_space<vmem_shared>> -> memref<10240x64xf32, #tpu.memory_space<vmem_shared>>
      tpu.wait_indirect_dma semaphore(%arg14 : memref<!tpu.dma_semaphore, #tpu.memory_space<semaphore_mem>>) src(%dma_wait3A_217 : memref<128x64xf32, #tpu.memory_space<vmem>>) dst(%dma_wait3A_223 : memref<10240x64xf32, #tpu.memory_space<vmem_shared>>)
      %add3A_224 = arith.constant 1 : i32
      %add3A_225 = arith.addi %add3A_188, %add3A_224 : i32
      %dma_start3A_226 = arith.constant 1 : i32
      %dma_start3A_227 = arith.constant 0 : i32
      %dma_start3A_228 = arith.constant 0 : i32
      %dma_start3A_229 = tpu.memref_slice %arg8[%dma_start3A_226, %dma_start3A_227, %dma_start3A_228] : memref<2x128x64xf32, #tpu.memory_space<vmem>> -> memref<1x128x64xf32, #tpu.memory_space<vmem>>
      %dma_start3A_230 = tpu.memref_squeeze %dma_start3A_229 : memref<1x128x64xf32, #tpu.memory_space<vmem>> -> memref<128x64xf32, #tpu.memory_space<vmem>>
      %dma_start3A_231 = arith.constant 0 : i32
      %dma_start3A_232 = tpu.memref_slice %arg6[%add3A_225, %dma_start3A_231] : memref<80x128xi32, #tpu.memory_space<vmem>> -> memref<1x128xi32, #tpu.memory_space<vmem>>
      %dma_start3A_233 = tpu.memref_squeeze %dma_start3A_232 : memref<1x128xi32, #tpu.memory_space<vmem>> -> memref<128xi32, #tpu.memory_space<vmem>>
      %dma_start3A_234 = arith.constant 0 : i32
      %dma_start3A_235 = arith.constant 0 : i32
      %dma_start3A_236 = tpu.memref_slice %arg10[%dma_start3A_234, %dma_start3A_235] : memref<10240x64xf32, #tpu.memory_space<vmem_shared>> -> memref<10240x64xf32, #tpu.memory_space<vmem_shared>>
      tpu.enqueue_indirect_dma source(%dma_start3A_236 : memref<10240x64xf32, #tpu.memory_space<vmem_shared>>) target(%dma_start3A_230 : memref<128x64xf32, #tpu.memory_space<vmem>>) offsets(%dma_start3A_233 : memref<128xi32, #tpu.memory_space<vmem>>) semaphore(%arg12 : memref<!tpu.dma_semaphore, #tpu.memory_space<semaphore_mem>>)
    }
    %scan3A_83 = arith.constant 39 : i32
    %dma_wait3A_84 = arith.constant 79 : i32
    %dma_wait3A_85 = arith.constant 1 : i32
    %dma_wait3A_86 = arith.constant 0 : i32
    %dma_wait3A_87 = arith.constant 0 : i32
    %dma_wait3A_88 = tpu.memref_slice %arg8[%dma_wait3A_85, %dma_wait3A_86, %dma_wait3A_87] : memref<2x128x64xf32, #tpu.memory_space<vmem>> -> memref<1x128x64xf32, #tpu.memory_space<vmem>>
    %dma_wait3A_89 = tpu.memref_squeeze %dma_wait3A_88 : memref<1x128x64xf32, #tpu.memory_space<vmem>> -> memref<128x64xf32, #tpu.memory_space<vmem>>
    %dma_wait3A_90 = arith.constant 0 : i32
    %dma_wait3A_91 = tpu.memref_slice %arg6[%dma_wait3A_84, %dma_wait3A_90] : memref<80x128xi32, #tpu.memory_space<vmem>> -> memref<1x128xi32, #tpu.memory_space<vmem>>
    %dma_wait3A_92 = tpu.memref_squeeze %dma_wait3A_91 : memref<1x128xi32, #tpu.memory_space<vmem>> -> memref<128xi32, #tpu.memory_space<vmem>>
    %dma_wait3A_93 = arith.constant 0 : i32
    %dma_wait3A_94 = arith.constant 0 : i32
    %dma_wait3A_95 = tpu.memref_slice %arg10[%dma_wait3A_93, %dma_wait3A_94] : memref<10240x64xf32, #tpu.memory_space<vmem_shared>> -> memref<10240x64xf32, #tpu.memory_space<vmem_shared>>
    tpu.wait_indirect_dma semaphore(%arg12 : memref<!tpu.dma_semaphore, #tpu.memory_space<semaphore_mem>>) src(%dma_wait3A_95 : memref<10240x64xf32, #tpu.memory_space<vmem_shared>>) dst(%dma_wait3A_89 : memref<128x64xf32, #tpu.memory_space<vmem>>)
    %dma_start3A_96 = arith.constant 1 : i32
    %dma_start3A_97 = arith.constant 79 : i32
    %dma_start3A_98 = arith.constant 0 : i32
    %dma_start3A_99 = arith.constant 0 : i32
    %dma_start3A_100 = tpu.memref_slice %arg8[%dma_start3A_96, %dma_start3A_98, %dma_start3A_99] : memref<2x128x64xf32, #tpu.memory_space<vmem>> -> memref<1x128x64xf32, #tpu.memory_space<vmem>>
    %dma_start3A_101 = tpu.memref_squeeze %dma_start3A_100 : memref<1x128x64xf32, #tpu.memory_space<vmem>> -> memref<128x64xf32, #tpu.memory_space<vmem>>
    %dma_start3A_102 = arith.constant 0 : i32
    %dma_start3A_103 = tpu.memref_slice %arg7[%dma_start3A_97, %dma_start3A_102] : memref<80x128xi32, #tpu.memory_space<vmem>> -> memref<1x128xi32, #tpu.memory_space<vmem>>
    %dma_start3A_104 = tpu.memref_squeeze %dma_start3A_103 : memref<1x128xi32, #tpu.memory_space<vmem>> -> memref<128xi32, #tpu.memory_space<vmem>>
    %dma_start3A_105 = arith.constant 0 : i32
    %dma_start3A_106 = arith.constant 0 : i32
    %dma_start3A_107 = tpu.memref_slice %arg9[%dma_start3A_105, %dma_start3A_106] : memref<10240x64xf32, #tpu.memory_space<vmem_shared>> -> memref<10240x64xf32, #tpu.memory_space<vmem_shared>>
    tpu.enqueue_indirect_dma source(%dma_start3A_101 : memref<128x64xf32, #tpu.memory_space<vmem>>) target(%dma_start3A_107 : memref<10240x64xf32, #tpu.memory_space<vmem_shared>>) offsets(%dma_start3A_104 : memref<128xi32, #tpu.memory_space<vmem>>) semaphore(%arg14 : memref<!tpu.dma_semaphore, #tpu.memory_space<semaphore_mem>>) {add = true}
    %dma_wait3A_108 = arith.constant 0 : i32
    %dma_wait3A_109 = arith.constant 78 : i32
    %dma_wait3A_110 = arith.constant 0 : i32
    %dma_wait3A_111 = arith.constant 0 : i32
    %dma_wait3A_112 = tpu.memref_slice %arg8[%dma_wait3A_108, %dma_wait3A_110, %dma_wait3A_111] : memref<2x128x64xf32, #tpu.memory_space<vmem>> -> memref<1x128x64xf32, #tpu.memory_space<vmem>>
    %dma_wait3A_113 = tpu.memref_squeeze %dma_wait3A_112 : memref<1x128x64xf32, #tpu.memory_space<vmem>> -> memref<128x64xf32, #tpu.memory_space<vmem>>
    %dma_wait3A_114 = arith.constant 0 : i32
    %dma_wait3A_115 = tpu.memref_slice %arg7[%dma_wait3A_109, %dma_wait3A_114] : memref<80x128xi32, #tpu.memory_space<vmem>> -> memref<1x128xi32, #tpu.memory_space<vmem>>
    %dma_wait3A_116 = tpu.memref_squeeze %dma_wait3A_115 : memref<1x128xi32, #tpu.memory_space<vmem>> -> memref<128xi32, #tpu.memory_space<vmem>>
    %dma_wait3A_117 = arith.constant 0 : i32
    %dma_wait3A_118 = arith.constant 0 : i32
    %dma_wait3A_119 = tpu.memref_slice %arg9[%dma_wait3A_117, %dma_wait3A_118] : memref<10240x64xf32, #tpu.memory_space<vmem_shared>> -> memref<10240x64xf32, #tpu.memory_space<vmem_shared>>
    tpu.wait_indirect_dma semaphore(%arg13 : memref<!tpu.dma_semaphore, #tpu.memory_space<semaphore_mem>>) src(%dma_wait3A_113 : memref<128x64xf32, #tpu.memory_space<vmem>>) dst(%dma_wait3A_119 : memref<10240x64xf32, #tpu.memory_space<vmem_shared>>)
    %dma_wait3A_120 = arith.constant 1 : i32
    %dma_wait3A_121 = arith.constant 79 : i32
    %dma_wait3A_122 = arith.constant 0 : i32
    %dma_wait3A_123 = arith.constant 0 : i32
    %dma_wait3A_124 = tpu.memref_slice %arg8[%dma_wait3A_120, %dma_wait3A_122, %dma_wait3A_123] : memref<2x128x64xf32, #tpu.memory_space<vmem>> -> memref<1x128x64xf32, #tpu.memory_space<vmem>>
    %dma_wait3A_125 = tpu.memref_squeeze %dma_wait3A_124 : memref<1x128x64xf32, #tpu.memory_space<vmem>> -> memref<128x64xf32, #tpu.memory_space<vmem>>
    %dma_wait3A_126 = arith.constant 0 : i32
    %dma_wait3A_127 = tpu.memref_slice %arg7[%dma_wait3A_121, %dma_wait3A_126] : memref<80x128xi32, #tpu.memory_space<vmem>> -> memref<1x128xi32, #tpu.memory_space<vmem>>
    %dma_wait3A_128 = tpu.memref_squeeze %dma_wait3A_127 : memref<1x128xi32, #tpu.memory_space<vmem>> -> memref<128xi32, #tpu.memory_space<vmem>>
    %dma_wait3A_129 = arith.constant 0 : i32
    %dma_wait3A_130 = arith.constant 0 : i32
    %dma_wait3A_131 = tpu.memref_slice %arg9[%dma_wait3A_129, %dma_wait3A_130] : memref<10240x64xf32, #tpu.memory_space<vmem_shared>> -> memref<10240x64xf32, #tpu.memory_space<vmem_shared>>
    tpu.wait_indirect_dma semaphore(%arg14 : memref<!tpu.dma_semaphore, #tpu.memory_space<semaphore_mem>>) src(%dma_wait3A_125 : memref<128x64xf32, #tpu.memory_space<vmem>>) dst(%dma_wait3A_131 : memref<10240x64xf32, #tpu.memory_space<vmem_shared>>)
    %barrier3A_132 = arith.constant 0 : index
    tpu.barrier barrier_id(%barrier3A_132)
    "tpu.region"() ({
      %run_scoped3A_133 = tpu.sem_alloc : memref<!tpu.dma_semaphore, #tpu.memory_space<semaphore_mem>>
      %dma_start3A_134 = arith.constant 0 : i32
      %dma_start3A_135 = tpu.memref_slice %arg5[%arg0, %mul3A_2, %dma_start3A_134] : memref<2x10240x64xf32, #tpu.memory_space<hbm>> -> memref<1x640x64xf32, #tpu.memory_space<hbm>>
      %dma_start3A_136 = tpu.memref_squeeze %dma_start3A_135 : memref<1x640x64xf32, #tpu.memory_space<hbm>> -> memref<640x64xf32, #tpu.memory_space<hbm>>
      %dma_start3A_137 = arith.constant 0 : i32
      %dma_start3A_138 = tpu.memref_slice %arg9[%mul3A_2, %dma_start3A_137] : memref<10240x64xf32, #tpu.memory_space<vmem_shared>> -> memref<640x64xf32, #tpu.memory_space<vmem_shared>>
      tpu.enqueue_dma source(%dma_start3A_138 : memref<640x64xf32, #tpu.memory_space<vmem_shared>>) target(%dma_start3A_136 : memref<640x64xf32, #tpu.memory_space<hbm>>) target_semaphore(%run_scoped3A_133 : memref<!tpu.dma_semaphore, #tpu.memory_space<semaphore_mem>>)
      %dma_wait3A_139 = arith.constant 0 : i32
      %dma_wait3A_140 = tpu.memref_slice %arg5[%arg0, %mul3A_2, %dma_wait3A_139] : memref<2x10240x64xf32, #tpu.memory_space<hbm>> -> memref<1x640x64xf32, #tpu.memory_space<hbm>>
      %dma_wait3A_141 = tpu.memref_squeeze %dma_wait3A_140 : memref<1x640x64xf32, #tpu.memory_space<hbm>> -> memref<640x64xf32, #tpu.memory_space<hbm>>
      %dma_wait3A_142 = arith.constant 0 : i32
      %dma_wait3A_143 = tpu.memref_slice %arg9[%mul3A_2, %dma_wait3A_142] : memref<10240x64xf32, #tpu.memory_space<vmem_shared>> -> memref<640x64xf32, #tpu.memory_space<vmem_shared>>
      tpu.wait_dma2 semaphore(%run_scoped3A_133 : memref<!tpu.dma_semaphore, #tpu.memory_space<semaphore_mem>>) src(%dma_wait3A_143 : memref<640x64xf32, #tpu.memory_space<vmem_shared>>) dst(%dma_wait3A_141 : memref<640x64xf32, #tpu.memory_space<hbm>>)
      tpu.yield
    }) : () -> ()
    return
  }
}

module attributes {stable_mosaic.version = 14 : i64} {
  func.func @_tc1_body(%arg0: i32, %arg1: memref<2x512x16xf32, #tpu.memory_space<vmem>>, %arg2: memref<512x128xf32, #tpu.memory_space<vmem>>, %arg3: memref<128x64xf32, #tpu.memory_space<vmem>>, %arg4: memref<512x64xf32, #tpu.memory_space<vmem>>, %arg5: memref<512x64xf32, #tpu.memory_space<vmem>>) attributes {dimension_semantics = [#tpu.dimension_semantics<arbitrary>], iteration_bounds = array<i64: 20>, scalar_prefetch = 0 : i64, scratch_operands = 0 : i64, tpu.core_type = #tpu.core_type<tc>, window_params = [{transform_indices = @transform_0, window_bounds = array<i64: 2, 512, 16>}, {transform_indices = @transform_1, window_bounds = array<i64: 512, 128>}, {pipeline_mode = #tpu.pipeline_mode<synchronous>, transform_indices = @transform_2, window_bounds = array<i64: 128, 64>}, {transform_indices = @transform_3, window_bounds = array<i64: 512, 64>}, {transform_indices = @transform_4, window_bounds = array<i64: 512, 64>}]} {
    %get3A = arith.constant 0 : index
    %get3A_0 = arith.constant 0 : index
    %get3A_1 = arith.constant 0 : index
    %get3A_2 = vector.load %arg1[%get3A, %get3A_0, %get3A_1] : memref<2x512x16xf32, #tpu.memory_space<vmem>>, vector<1x512x1xf32>
    %get3A_3 = vector.shape_cast %get3A_2 : vector<1x512x1xf32> to vector<512x1xf32>
    %get3A_4 = arith.constant 1 : index
    %get3A_5 = arith.constant 0 : index
    %get3A_6 = arith.constant 0 : index
    %get3A_7 = vector.load %arg1[%get3A_4, %get3A_5, %get3A_6] : memref<2x512x16xf32, #tpu.memory_space<vmem>>, vector<1x512x1xf32>
    %get3A_8 = vector.shape_cast %get3A_7 : vector<1x512x1xf32> to vector<512x1xf32>
    %add3A = arith.addf %get3A_3, %get3A_8 : vector<512x1xf32>
    %add3A_9 = arith.constant 1.000000e+00 : f32
    %add3A_10 = vector.broadcast %add3A_9 : f32 to vector<512x1xf32>
    %add3A_11 = arith.addf %add3A, %add3A_10 : vector<512x1xf32>
    %rsqrt3A = math.rsqrt %add3A_11 : vector<512x1xf32>
    %get3A_12 = arith.constant 0 : index
    %get3A_13 = arith.constant 0 : index
    %get3A_14 = vector.load %arg2[%get3A_12, %get3A_13] : memref<512x128xf32, #tpu.memory_space<vmem>>, vector<512x128xf32>
    %get3A_15 = arith.constant 0 : index
    %get3A_16 = arith.constant 0 : index
    %get3A_17 = vector.load %arg3[%get3A_15, %get3A_16] : memref<128x64xf32, #tpu.memory_space<vmem>>, vector<128x64xf32>
    %dot_general3A = arith.constant dense<0.000000e+00> : vector<512x64xf32>
    %dot_general3A_18 = tpu.matmul %get3A_14, %get3A_17, %dot_general3A {dimension_numbers = #tpu.dot_dimension_numbers<[1], [0], [0], [1], [0, 0, 1, 1], [], []>, transpose_lhs_hint = false} : vector<512x128xf32>, vector<128x64xf32>, vector<512x64xf32> -> vector<512x64xf32>
    %mul3A = vector.broadcast %rsqrt3A : vector<512x1xf32> to vector<512x64xf32>
    %mul3A_19 = arith.mulf %mul3A, %dot_general3A_18 : vector<512x64xf32>
    %swap3A = arith.constant 0 : index
    %swap3A_20 = arith.constant 0 : index
    %swap3A_21 = vector.load %arg4[%swap3A, %swap3A_20] : memref<512x64xf32, #tpu.memory_space<vmem>>, vector<512x64xf32>
    tpu.vector_store %arg4[%swap3A, %swap3A_20], %mul3A_19 {strides = array<i32>} : memref<512x64xf32, #tpu.memory_space<vmem>>, vector<512x64xf32>,
    %broadcast_in_dim3A = vector.shape_cast %rsqrt3A : vector<512x1xf32> to vector<512x1xf32>
    %broadcast_in_dim3A_22 = vector.broadcast %broadcast_in_dim3A : vector<512x1xf32> to vector<512x64xf32>
    %swap3A_23 = arith.constant 0 : index
    %swap3A_24 = arith.constant 0 : index
    %swap3A_25 = vector.load %arg5[%swap3A_23, %swap3A_24] : memref<512x64xf32, #tpu.memory_space<vmem>>, vector<512x64xf32>
    tpu.vector_store %arg5[%swap3A_23, %swap3A_24], %broadcast_in_dim3A_22 {strides = array<i32>} : memref<512x64xf32, #tpu.memory_space<vmem>>, vector<512x64xf32>,
    return
  }
  func.func @transform_0(%arg0: i32) -> (i32, i32, i32) {
    %c0_i32 = arith.constant 0 : i32
    %c0_i32_0 = arith.constant 0 : i32
    %c0_i32_1 = arith.constant 0 : i32
    return %c0_i32, %arg0, %c0_i32_0 : i32, i32, i32
  }
  func.func @transform_1(%arg0: i32) -> (i32, i32) {
    %c0_i32 = arith.constant 0 : i32
    %c0_i32_0 = arith.constant 0 : i32
    return %arg0, %c0_i32 : i32, i32
  }
  func.func @transform_2(%arg0: i32) -> (i32, i32) {
    %c0_i32 = arith.constant 0 : i32
    %c0_i32_0 = arith.constant 0 : i32
    %c0_i32_1 = arith.constant 0 : i32
    return %c0_i32, %c0_i32_0 : i32, i32
  }
  func.func @transform_3(%arg0: i32) -> (i32, i32) {
    %c0_i32 = arith.constant 0 : i32
    %c0_i32_0 = arith.constant 0 : i32
    return %arg0, %c0_i32 : i32, i32
  }
  func.func @transform_4(%arg0: i32) -> (i32, i32) {
    %c0_i32 = arith.constant 0 : i32
    %c0_i32_0 = arith.constant 0 : i32
    return %arg0, %c0_i32 : i32, i32
  }
}

module attributes {stable_mosaic.version = 14 : i64} {
  func.func @_tc2_body(%arg0: i32, %arg1: memref<2x512x64xf32, #tpu.memory_space<vmem>>, %arg2: memref<512x64xf32, #tpu.memory_space<vmem>>, %arg3: memref<512x64xf32, #tpu.memory_space<vmem>>, %arg4: memref<1x64xf32, #tpu.memory_space<vmem>>, %arg5: memref<64x64xf32, #tpu.memory_space<vmem>>, %arg6: memref<512x64xf32, #tpu.memory_space<vmem>>) attributes {dimension_semantics = [#tpu.dimension_semantics<arbitrary>], iteration_bounds = array<i64: 20>, scalar_prefetch = 0 : i64, scratch_operands = 0 : i64, tpu.core_type = #tpu.core_type<tc>, window_params = [{transform_indices = @transform_0, window_bounds = array<i64: 2, 512, 64>}, {transform_indices = @transform_1, window_bounds = array<i64: 512, 64>}, {transform_indices = @transform_2, window_bounds = array<i64: 512, 64>}, {pipeline_mode = #tpu.pipeline_mode<synchronous>, transform_indices = @transform_3, window_bounds = array<i64: 1, 64>}, {pipeline_mode = #tpu.pipeline_mode<synchronous>, transform_indices = @transform_4, window_bounds = array<i64: 64, 64>}, {transform_indices = @transform_5, window_bounds = array<i64: 512, 64>}]} {
    %get3A = arith.constant 0 : index
    %get3A_0 = arith.constant 0 : index
    %get3A_1 = vector.load %arg3[%get3A, %get3A_0] : memref<512x64xf32, #tpu.memory_space<vmem>>, vector<512x64xf32>
    %get3A_2 = arith.constant 0 : index
    %get3A_3 = arith.constant 0 : index
    %get3A_4 = arith.constant 0 : index
    %get3A_5 = vector.load %arg1[%get3A_2, %get3A_3, %get3A_4] : memref<2x512x64xf32, #tpu.memory_space<vmem>>, vector<1x512x64xf32>
    %get3A_6 = vector.shape_cast %get3A_5 : vector<1x512x64xf32> to vector<512x64xf32>
    %get3A_7 = arith.constant 1 : index
    %get3A_8 = arith.constant 0 : index
    %get3A_9 = arith.constant 0 : index
    %get3A_10 = vector.load %arg1[%get3A_7, %get3A_8, %get3A_9] : memref<2x512x64xf32, #tpu.memory_space<vmem>>, vector<1x512x64xf32>
    %get3A_11 = vector.shape_cast %get3A_10 : vector<1x512x64xf32> to vector<512x64xf32>
    %add3A = arith.addf %get3A_6, %get3A_11 : vector<512x64xf32>
    %get3A_12 = arith.constant 0 : index
    %get3A_13 = arith.constant 0 : index
    %get3A_14 = vector.load %arg2[%get3A_12, %get3A_13] : memref<512x64xf32, #tpu.memory_space<vmem>>, vector<512x64xf32>
    %add3A_15 = arith.addf %add3A, %get3A_14 : vector<512x64xf32>
    %mul3A = arith.mulf %add3A_15, %get3A_1 : vector<512x64xf32>
    %get3A_16 = arith.constant 0 : index
    %get3A_17 = arith.constant 0 : index
    %get3A_18 = vector.load %arg4[%get3A_16, %get3A_17] : memref<1x64xf32, #tpu.memory_space<vmem>>, vector<1x64xf32>
    %add3A_19 = vector.broadcast %get3A_18 : vector<1x64xf32> to vector<512x64xf32>
    %add3A_20 = arith.addf %mul3A, %add3A_19 : vector<512x64xf32>
    %max3A = arith.constant 0.000000e+00 : f32
    %max3A_21 = vector.broadcast %max3A : f32 to vector<512x64xf32>
    %max3A_22 = arith.maximumf %add3A_20, %max3A_21 : vector<512x64xf32>
    %get3A_23 = arith.constant 0 : index
    %get3A_24 = arith.constant 0 : index
    %get3A_25 = vector.load %arg5[%get3A_23, %get3A_24] : memref<64x64xf32, #tpu.memory_space<vmem>>, vector<64x64xf32>
    %dot_general3A = arith.constant dense<0.000000e+00> : vector<512x64xf32>
    %dot_general3A_26 = tpu.matmul %max3A_22, %get3A_25, %dot_general3A {dimension_numbers = #tpu.dot_dimension_numbers<[1], [0], [0], [1], [0, 0, 1, 1], [], []>, transpose_lhs_hint = false} : vector<512x64xf32>, vector<64x64xf32>, vector<512x64xf32> -> vector<512x64xf32>
    %mul3A_27 = arith.mulf %get3A_1, %dot_general3A_26 : vector<512x64xf32>
    %swap3A = arith.constant 0 : index
    %swap3A_28 = arith.constant 0 : index
    %swap3A_29 = vector.load %arg6[%swap3A, %swap3A_28] : memref<512x64xf32, #tpu.memory_space<vmem>>, vector<512x64xf32>
    tpu.vector_store %arg6[%swap3A, %swap3A_28], %mul3A_27 {strides = array<i32>} : memref<512x64xf32, #tpu.memory_space<vmem>>, vector<512x64xf32>,
    return
  }
  func.func @transform_0(%arg0: i32) -> (i32, i32, i32) {
    %c0_i32 = arith.constant 0 : i32
    %c0_i32_0 = arith.constant 0 : i32
    %c0_i32_1 = arith.constant 0 : i32
    return %c0_i32, %arg0, %c0_i32_0 : i32, i32, i32
  }
  func.func @transform_1(%arg0: i32) -> (i32, i32) {
    %c0_i32 = arith.constant 0 : i32
    %c0_i32_0 = arith.constant 0 : i32
    return %arg0, %c0_i32 : i32, i32
  }
  func.func @transform_2(%arg0: i32) -> (i32, i32) {
    %c0_i32 = arith.constant 0 : i32
    %c0_i32_0 = arith.constant 0 : i32
    return %arg0, %c0_i32 : i32, i32
  }
  func.func @transform_3(%arg0: i32) -> (i32, i32) {
    %c0_i32 = arith.constant 0 : i32
    %c0_i32_0 = arith.constant 0 : i32
    %c0_i32_1 = arith.constant 0 : i32
    return %c0_i32, %c0_i32_0 : i32, i32
  }
  func.func @transform_4(%arg0: i32) -> (i32, i32) {
    %c0_i32 = arith.constant 0 : i32
    %c0_i32_0 = arith.constant 0 : i32
    %c0_i32_1 = arith.constant 0 : i32
    return %c0_i32, %c0_i32_0 : i32, i32
  }
  func.func @transform_5(%arg0: i32) -> (i32, i32) {
    %c0_i32 = arith.constant 0 : i32
    %c0_i32_0 = arith.constant 0 : i32
    return %arg0, %c0_i32 : i32, i32
  }
}

module attributes {stable_mosaic.version = 14 : i64} {
  func.func @_tc3_body(%arg0: i32, %arg1: memref<2x512x64xf32, #tpu.memory_space<vmem>>, %arg2: memref<512x64xf32, #tpu.memory_space<vmem>>, %arg3: memref<512x64xf32, #tpu.memory_space<vmem>>, %arg4: memref<1x64xf32, #tpu.memory_space<vmem>>, %arg5: memref<64x512xf32, #tpu.memory_space<vmem>>, %arg6: memref<1x512xf32, #tpu.memory_space<vmem>>, %arg7: memref<1x512xf32, #tpu.memory_space<vmem>>, %arg8: memref<128x512xf32, #tpu.memory_space<vmem>>, %arg9: memref<1x512xf32, #tpu.memory_space<vmem>>, %arg10: memref<1x512xf32, #tpu.memory_space<vmem>>, %arg11: memref<128x8xf32, #tpu.memory_space<vmem>>, %arg12: memref<1x8xf32, #tpu.memory_space<vmem>>, %arg13: memref<512x8xf32, #tpu.memory_space<vmem>>) attributes {dimension_semantics = [#tpu.dimension_semantics<arbitrary>], iteration_bounds = array<i64: 20>, scalar_prefetch = 0 : i64, scratch_operands = 0 : i64, tpu.core_type = #tpu.core_type<tc>, window_params = [{transform_indices = @transform_0, window_bounds = array<i64: 2, 512, 64>}, {transform_indices = @transform_1, window_bounds = array<i64: 512, 64>}, {transform_indices = @transform_2, window_bounds = array<i64: 512, 64>}, {pipeline_mode = #tpu.pipeline_mode<synchronous>, transform_indices = @transform_3, window_bounds = array<i64: 1, 64>}, {pipeline_mode = #tpu.pipeline_mode<synchronous>, transform_indices = @transform_4, window_bounds = array<i64: 64, 512>}, {pipeline_mode = #tpu.pipeline_mode<synchronous>, transform_indices = @transform_5, window_bounds = array<i64: 1, 512>}, {pipeline_mode = #tpu.pipeline_mode<synchronous>, transform_indices = @transform_6, window_bounds = array<i64: 1, 512>}, {pipeline_mode = #tpu.pipeline_mode<synchronous>, transform_indices = @transform_7, window_bounds = array<i64: 128, 512>}, {pipeline_mode = #tpu.pipeline_mode<synchronous>, transform_indices = @transform_8, window_bounds = array<i64: 1, 512>}, {pipeline_mode = #tpu.pipeline_mode<synchronous>, transform_indices = @transform_9, window_bounds = array<i64: 1, 512>}, {pipeline_mode = #tpu.pipeline_mode<synchronous>, transform_indices = @transform_10, window_bounds = array<i64: 128, 8>}, {pipeline_mode = #tpu.pipeline_mode<synchronous>, transform_indices = @transform_11, window_bounds = array<i64: 1, 8>}, {transform_indices = @transform_12, window_bounds = array<i64: 512, 8>}]} {
    %get3A = arith.constant 0 : index
    %get3A_0 = arith.constant 0 : index
    %get3A_1 = vector.load %arg3[%get3A, %get3A_0] : memref<512x64xf32, #tpu.memory_space<vmem>>, vector<512x64xf32>
    %get3A_2 = arith.constant 0 : index
    %get3A_3 = arith.constant 0 : index
    %get3A_4 = arith.constant 0 : index
    %get3A_5 = vector.load %arg1[%get3A_2, %get3A_3, %get3A_4] : memref<2x512x64xf32, #tpu.memory_space<vmem>>, vector<1x512x64xf32>
    %get3A_6 = vector.shape_cast %get3A_5 : vector<1x512x64xf32> to vector<512x64xf32>
    %get3A_7 = arith.constant 1 : index
    %get3A_8 = arith.constant 0 : index
    %get3A_9 = arith.constant 0 : index
    %get3A_10 = vector.load %arg1[%get3A_7, %get3A_8, %get3A_9] : memref<2x512x64xf32, #tpu.memory_space<vmem>>, vector<1x512x64xf32>
    %get3A_11 = vector.shape_cast %get3A_10 : vector<1x512x64xf32> to vector<512x64xf32>
    %add3A = arith.addf %get3A_6, %get3A_11 : vector<512x64xf32>
    %get3A_12 = arith.constant 0 : index
    %get3A_13 = arith.constant 0 : index
    %get3A_14 = vector.load %arg2[%get3A_12, %get3A_13] : memref<512x64xf32, #tpu.memory_space<vmem>>, vector<512x64xf32>
    %add3A_15 = arith.addf %add3A, %get3A_14 : vector<512x64xf32>
    %mul3A = arith.mulf %add3A_15, %get3A_1 : vector<512x64xf32>
    %get3A_16 = arith.constant 0 : index
    %get3A_17 = arith.constant 0 : index
    %get3A_18 = vector.load %arg4[%get3A_16, %get3A_17] : memref<1x64xf32, #tpu.memory_space<vmem>>, vector<1x64xf32>
    %add3A_19 = vector.broadcast %get3A_18 : vector<1x64xf32> to vector<512x64xf32>
    %add3A_20 = arith.addf %mul3A, %add3A_19 : vector<512x64xf32>
    %max3A = arith.constant 0.000000e+00 : f32
    %max3A_21 = vector.broadcast %max3A : f32 to vector<512x64xf32>
    %max3A_22 = arith.maximumf %add3A_20, %max3A_21 : vector<512x64xf32>
    %get3A_23 = arith.constant 0 : index
    %get3A_24 = arith.constant 0 : index
    %get3A_25 = vector.load %arg5[%get3A_23, %get3A_24] : memref<64x512xf32, #tpu.memory_space<vmem>>, vector<64x512xf32>
    %dot_general3A = arith.constant dense<0.000000e+00> : vector<512x512xf32>
    %dot_general3A_26 = tpu.matmul %max3A_22, %get3A_25, %dot_general3A {dimension_numbers = #tpu.dot_dimension_numbers<[1], [0], [0], [1], [0, 0, 1, 1], [], []>, transpose_lhs_hint = false} : vector<512x64xf32>, vector<64x512xf32>, vector<512x512xf32> -> vector<512x512xf32>
    %get3A_27 = arith.constant 0 : index
    %get3A_28 = arith.constant 0 : index
    %get3A_29 = vector.load %arg6[%get3A_27, %get3A_28] : memref<1x512xf32, #tpu.memory_space<vmem>>, vector<1x512xf32>
    %add3A_30 = vector.broadcast %get3A_29 : vector<1x512xf32> to vector<512x512xf32>
    %add3A_31 = arith.addf %dot_general3A_26, %add3A_30 : vector<512x512xf32>
    %get3A_32 = arith.constant 0 : index
    %get3A_33 = arith.constant 0 : index
    %get3A_34 = vector.load %arg7[%get3A_32, %get3A_33] : memref<1x512xf32, #tpu.memory_space<vmem>>, vector<1x512xf32>
    %add3A_35 = vector.broadcast %get3A_34 : vector<1x512xf32> to vector<512x512xf32>
    %add3A_36 = arith.addf %add3A_31, %add3A_35 : vector<512x512xf32>
    %slice3A = vector.extract_strided_slice %add3A_36 {offsets = [0, 0], sizes = [512, 128], strides = [1, 1]} : vector<512x512xf32> to vector<512x128xf32>
    %logistic3A = arith.negf %slice3A : vector<512x128xf32>
    %logistic3A_37 = math.exp %logistic3A : vector<512x128xf32>
    %logistic3A_38 = arith.constant 1.000000e+00 : f32
    %logistic3A_39 = vector.broadcast %logistic3A_38 : f32 to vector<512x128xf32>
    %logistic3A_40 = arith.addf %logistic3A_39, %logistic3A_37 : vector<512x128xf32>
    %logistic3A_41 = arith.divf %logistic3A_39, %logistic3A_40 : vector<512x128xf32>
    %slice3A_42 = vector.extract_strided_slice %add3A_36 {offsets = [0, 256], sizes = [512, 128], strides = [1, 1]} : vector<512x512xf32> to vector<512x128xf32>
    %tanh3A = math.tanh %slice3A_42 : vector<512x128xf32>
    %slice3A_43 = vector.extract_strided_slice %add3A_36 {offsets = [0, 384], sizes = [512, 128], strides = [1, 1]} : vector<512x512xf32> to vector<512x128xf32>
    %logistic3A_44 = arith.negf %slice3A_43 : vector<512x128xf32>
    %logistic3A_45 = math.exp %logistic3A_44 : vector<512x128xf32>
    %logistic3A_46 = arith.constant 1.000000e+00 : f32
    %logistic3A_47 = vector.broadcast %logistic3A_46 : f32 to vector<512x128xf32>
    %logistic3A_48 = arith.addf %logistic3A_47, %logistic3A_45 : vector<512x128xf32>
    %logistic3A_49 = arith.divf %logistic3A_47, %logistic3A_48 : vector<512x128xf32>
    %mul3A_50 = arith.mulf %logistic3A_41, %tanh3A : vector<512x128xf32>
    %tanh3A_51 = math.tanh %mul3A_50 : vector<512x128xf32>
    %mul3A_52 = arith.mulf %logistic3A_49, %tanh3A_51 : vector<512x128xf32>
    %get3A_53 = arith.constant 0 : index
    %get3A_54 = arith.constant 0 : index
    %get3A_55 = vector.load %arg8[%get3A_53, %get3A_54] : memref<128x512xf32, #tpu.memory_space<vmem>>, vector<128x512xf32>
    %dot_general3A_56 = arith.constant dense<0.000000e+00> : vector<512x512xf32>
    %dot_general3A_57 = tpu.matmul %mul3A_52, %get3A_55, %dot_general3A_56 {dimension_numbers = #tpu.dot_dimension_numbers<[1], [0], [0], [1], [0, 0, 1, 1], [], []>, transpose_lhs_hint = false} : vector<512x128xf32>, vector<128x512xf32>, vector<512x512xf32> -> vector<512x512xf32>
    %get3A_58 = arith.constant 0 : index
    %get3A_59 = arith.constant 0 : index
    %get3A_60 = vector.load %arg9[%get3A_58, %get3A_59] : memref<1x512xf32, #tpu.memory_space<vmem>>, vector<1x512xf32>
    %add3A_61 = vector.broadcast %get3A_60 : vector<1x512xf32> to vector<512x512xf32>
    %add3A_62 = arith.addf %dot_general3A_57, %add3A_61 : vector<512x512xf32>
    %get3A_63 = arith.constant 0 : index
    %get3A_64 = arith.constant 0 : index
    %get3A_65 = vector.load %arg10[%get3A_63, %get3A_64] : memref<1x512xf32, #tpu.memory_space<vmem>>, vector<1x512xf32>
    %add3A_66 = vector.broadcast %get3A_65 : vector<1x512xf32> to vector<512x512xf32>
    %add3A_67 = arith.addf %add3A_62, %add3A_66 : vector<512x512xf32>
    %slice3A_68 = vector.extract_strided_slice %add3A_67 {offsets = [0, 0], sizes = [512, 128], strides = [1, 1]} : vector<512x512xf32> to vector<512x128xf32>
    %logistic3A_69 = arith.negf %slice3A_68 : vector<512x128xf32>
    %logistic3A_70 = math.exp %logistic3A_69 : vector<512x128xf32>
    %logistic3A_71 = arith.constant 1.000000e+00 : f32
    %logistic3A_72 = vector.broadcast %logistic3A_71 : f32 to vector<512x128xf32>
    %logistic3A_73 = arith.addf %logistic3A_72, %logistic3A_70 : vector<512x128xf32>
    %logistic3A_74 = arith.divf %logistic3A_72, %logistic3A_73 : vector<512x128xf32>
    %slice3A_75 = vector.extract_strided_slice %add3A_67 {offsets = [0, 256], sizes = [512, 128], strides = [1, 1]} : vector<512x512xf32> to vector<512x128xf32>
    %tanh3A_76 = math.tanh %slice3A_75 : vector<512x128xf32>
    %slice3A_77 = vector.extract_strided_slice %add3A_67 {offsets = [0, 384], sizes = [512, 128], strides = [1, 1]} : vector<512x512xf32> to vector<512x128xf32>
    %logistic3A_78 = arith.negf %slice3A_77 : vector<512x128xf32>
    %logistic3A_79 = math.exp %logistic3A_78 : vector<512x128xf32>
    %logistic3A_80 = arith.constant 1.000000e+00 : f32
    %logistic3A_81 = vector.broadcast %logistic3A_80 : f32 to vector<512x128xf32>
    %logistic3A_82 = arith.addf %logistic3A_81, %logistic3A_79 : vector<512x128xf32>
    %logistic3A_83 = arith.divf %logistic3A_81, %logistic3A_82 : vector<512x128xf32>
    %mul3A_84 = arith.mulf %logistic3A_74, %tanh3A_76 : vector<512x128xf32>
    %tanh3A_85 = math.tanh %mul3A_84 : vector<512x128xf32>
    %mul3A_86 = arith.mulf %logistic3A_83, %tanh3A_85 : vector<512x128xf32>
    %get3A_87 = arith.constant 0 : index
    %get3A_88 = arith.constant 0 : index
    %get3A_89 = vector.load %arg11[%get3A_87, %get3A_88] : memref<128x8xf32, #tpu.memory_space<vmem>>, vector<128x8xf32>
    %dot_general3A_90 = arith.constant dense<0.000000e+00> : vector<512x8xf32>
    %dot_general3A_91 = tpu.matmul %mul3A_86, %get3A_89, %dot_general3A_90 {dimension_numbers = #tpu.dot_dimension_numbers<[1], [0], [0], [1], [0, 0, 1, 1], [], []>, transpose_lhs_hint = false} : vector<512x128xf32>, vector<128x8xf32>, vector<512x8xf32> -> vector<512x8xf32>
    %get3A_92 = arith.constant 0 : index
    %get3A_93 = arith.constant 0 : index
    %get3A_94 = vector.load %arg12[%get3A_92, %get3A_93] : memref<1x8xf32, #tpu.memory_space<vmem>>, vector<1x8xf32>
    %add3A_95 = vector.broadcast %get3A_94 : vector<1x8xf32> to vector<512x8xf32>
    %add3A_96 = arith.addf %dot_general3A_91, %add3A_95 : vector<512x8xf32>
    %swap3A = arith.constant 0 : index
    %swap3A_97 = arith.constant 0 : index
    %swap3A_98 = vector.load %arg13[%swap3A, %swap3A_97] : memref<512x8xf32, #tpu.memory_space<vmem>>, vector<512x8xf32>
    tpu.vector_store %arg13[%swap3A, %swap3A_97], %add3A_96 {strides = array<i32>} : memref<512x8xf32, #tpu.memory_space<vmem>>, vector<512x8xf32>,
    return
  }
  func.func @transform_0(%arg0: i32) -> (i32, i32, i32) {
    %c0_i32 = arith.constant 0 : i32
    %c0_i32_0 = arith.constant 0 : i32
    %c0_i32_1 = arith.constant 0 : i32
    return %c0_i32, %arg0, %c0_i32_0 : i32, i32, i32
  }
  func.func @transform_1(%arg0: i32) -> (i32, i32) {
    %c0_i32 = arith.constant 0 : i32
    %c0_i32_0 = arith.constant 0 : i32
    return %arg0, %c0_i32 : i32, i32
  }
  func.func @transform_2(%arg0: i32) -> (i32, i32) {
    %c0_i32 = arith.constant 0 : i32
    %c0_i32_0 = arith.constant 0 : i32
    return %arg0, %c0_i32 : i32, i32
  }
  func.func @transform_3(%arg0: i32) -> (i32, i32) {
    %c0_i32 = arith.constant 0 : i32
    %c0_i32_0 = arith.constant 0 : i32
    %c0_i32_1 = arith.constant 0 : i32
    return %c0_i32, %c0_i32_0 : i32, i32
  }
  func.func @transform_4(%arg0: i32) -> (i32, i32) {
    %c0_i32 = arith.constant 0 : i32
    %c0_i32_0 = arith.constant 0 : i32
    %c0_i32_1 = arith.constant 0 : i32
    return %c0_i32, %c0_i32_0 : i32, i32
  }
  func.func @transform_5(%arg0: i32) -> (i32, i32) {
    %c0_i32 = arith.constant 0 : i32
    %c0_i32_0 = arith.constant 0 : i32
    %c0_i32_1 = arith.constant 0 : i32
    return %c0_i32, %c0_i32_0 : i32, i32
  }
  func.func @transform_6(%arg0: i32) -> (i32, i32) {
    %c0_i32 = arith.constant 0 : i32
    %c0_i32_0 = arith.constant 0 : i32
    %c0_i32_1 = arith.constant 0 : i32
    return %c0_i32, %c0_i32_0 : i32, i32
  }
  func.func @transform_7(%arg0: i32) -> (i32, i32) {
    %c0_i32 = arith.constant 0 : i32
    %c0_i32_0 = arith.constant 0 : i32
    %c0_i32_1 = arith.constant 0 : i32
    return %c0_i32, %c0_i32_0 : i32, i32
  }
  func.func @transform_8(%arg0: i32) -> (i32, i32) {
    %c0_i32 = arith.constant 0 : i32
    %c0_i32_0 = arith.constant 0 : i32
    %c0_i32_1 = arith.constant 0 : i32
    return %c0_i32, %c0_i32_0 : i32, i32
  }
  func.func @transform_9(%arg0: i32) -> (i32, i32) {
    %c0_i32 = arith.constant 0 : i32
    %c0_i32_0 = arith.constant 0 : i32
    %c0_i32_1 = arith.constant 0 : i32
    return %c0_i32, %c0_i32_0 : i32, i32
  }
  func.func @transform_10(%arg0: i32) -> (i32, i32) {
    %c0_i32 = arith.constant 0 : i32
    %c0_i32_0 = arith.constant 0 : i32
    %c0_i32_1 = arith.constant 0 : i32
    return %c0_i32, %c0_i32_0 : i32, i32
  }
  func.func @transform_11(%arg0: i32) -> (i32, i32) {
    %c0_i32 = arith.constant 0 : i32
    %c0_i32_0 = arith.constant 0 : i32
    %c0_i32_1 = arith.constant 0 : i32
    return %c0_i32, %c0_i32_0 : i32, i32
  }
  func.func @transform_12(%arg0: i32) -> (i32, i32) {
    %c0_i32 = arith.constant 0 : i32
    %c0_i32_0 = arith.constant 0 : i32
    return %arg0, %c0_i32 : i32, i32
  }
}

</mosaic_0001>

<sc_bundles>
// kernel: kernel.11.cloned.1.call-start
scs
__scs_entry_jumppad:
0x0: {  	(pc) =	sbr.rel $0x88, $3  }
0x1: {  	(tag) =	ssettag $0x0;
	lr =	simm.s32 $0x1  }
0x2: {  	[smem:$0x3F93] =	sst lr;
	_ =	strace $0xD0000000  }
0x3: {  	_ = 	snop  }
0x4: {  	_ = 	snop  }
0x5: {  	_ = 	snop  }
0x6: {  	_ = 	snop  }
0x7: {  	_ = 	snop  }
__scs_overlays_trampoline_lowered:
0x8: {  	[smem:$0x3FA2] =	sst s0  }
0x9: {  	[smem:$0x3FA3] =	sst s1  }
0xa: {  	[smem:$0x3FA4] =	sst s2  }
0xb: {  	[smem:$0x3FA5] =	sst s3  }
0xc: {  	[smem:$0x3FA6] =	sst s4  }
0xd: {  	[smem:$0x3FA7] =	sst s5  }
0xe: {  	[smem:$0x3FA8] =	sst s6  }
0xf: {  	[smem:$0x3FA9] =	sst s7  }
0x10: {  	[smem:$0x3FAA] =	sst s8  }
0x11: {  	[smem:$0x3FAB] =	sst s9;
	s0 =	simm.s32 @!p0 $0x0  }
0x12: {  	s1 =	sld [smem:$0x3F91];
	s0 =	simm.s32 @p0 $0x1  }
0x13: {  	[smem:$0x3FAC] =	sst s0;
	s0 =	simm.s32 @!p1 $0x0  }
0x14: {  	s2 =	sld [smem:$0x3F90];
	s0 =	simm.s32 @p1 $0x1  }
0x15: {  	[smem:$0x3FAD] =	sst s0;
	s0 =	simm.s32 @!p2 $0x0  }
0x16: {  	s3 =	sld [smem:$0x3FDB];
	s0 =	simm.s32 @p2 $0x1  }
0x17: {  	s4 =	simm.s32 $0x1BF5;
	[smem:$0x3FAF] =	sst s0  }
0x18: {  	s0 =	sld [smem:$0x3F92];
	_ =	swait.ge [sflag:s4], $0x0  }
0x19: {  	s7 =	sld [smem:$0x3F93]  }
0x1a: {  	s8 =	sadd.s32 $0xFFFFE003, lr  }
0x1b: {  	s9 =	sadd.s32 $0xFFFFFEF7, lr;
	s5 =	simm.s32 $0xFFFFFFFF;
	p2 =	slt.u32 s8, $0xFFFFF086  }
0x1c: {  	p1 =	slt.u32 s9, $0xF7A;
	s5 =	simm.s32 @!p2 $0x0  }
0x1d: {  	s5 =	simm.s32 @p1 $0x1;
	p0 =	seq.s32 s7, s2  }
0x1e: {  	s7 =	smul.u32 @!p0 $0xF7A, s2;
	p2 =	seq.s32 @!p0 s5, $0x0  }
0x1f: {  	s9 =	smul.u32 $0xF7A, s1;
	s8 =	simm.s32 @!p0 $0x1BF5;
	p2 =	por !p2, p0  }
0x20: {  	[sflag:s8] =	ssyncset.s32 @!p0 $0xFFFFF086;
	s6 =	sadd.s32 @!p0 s3, s7;
	s7 =	simm.s32 @!p0 $0x108  }
0x21: {  	s3 =	sadd.s32 s3, s9;
	s6 =	sadd.s32 @!p0 $0x88, s6;
	s7 =	simm.s32 @p2 $0x1082  }
0x22: {  	[simem:s7], [sflag:s8] =	dma.local @!p0 [hbm:s6], $0xF7A  }
0x23: {  	s9 =	sor.u32 $0xD0000000, s2;
	s6 =	simm.s32 $0x108;
	_ =	swait.ge @!p0 [sflag:s8], $0x0  }
0x24: {  	s3 =	sadd.s32 $0x88, s3;
	s6 =	simm.s32 @!p1 $0x1082;
	[sflag:s4] =	ssyncset.s32 $0xFFFFF086  }
0x25: {  	[simem:s6], [sflag:s4] =	dma.local [hbm:s3], $0xF7A  }
0x26: {  	[smem:$0x3F93] =	sst s1;
	(tag) =	ssettag s2;
	_ =	strace s9  }
0x27: {  	s1 =	sld [smem:$0x3FA3]  }
0x28: {  	s2 =	sld [smem:$0x3FA4]  }
0x29: {  	s4 =	sld [smem:$0x3FA6]  }
0x2a: {  	p0 =	seq.s32 s5, $0x0;
	s5 =	sld [smem:$0x3FA7]  }
0x2b: {  	s6 =	sld [smem:$0x3FA8]  }
0x2c: {  	s7 =	sld [smem:$0x3FA9]  }
0x2d: {  	s3 =	simm.s32 $0x108;
	s8 =	sld [smem:$0x3FAA]  }
0x2e: {  	s3 =	simm.s32 @!p0 $0x1082;
	s9 =	sld [smem:$0x3FAB]  }
0x2f: {  	lr =	sadd.s32 s0, s3;
	s0 =	sld [smem:$0x3FA2]  }
0x30: {  	s3 =	sld [smem:$0x3FA5]  }
0x31: {  	[smem:$0x3FAE] =	sst s10  }
0x32: {  	s10 =	sld [smem:$0x3FAC];
	_ =	sdelay $0x3  }
0x33: {  	p0 =	seq.s32 s10, $0x1;
	s10 =	sld [smem:$0x3FAE];
	_ =	sdelay $0x3  }
0x34: {  	[smem:$0x3FAE] =	sst s10  }
0x35: {  	s10 =	sld [smem:$0x3FAD];
	_ =	sdelay $0x3  }
0x36: {  	p1 =	seq.s32 s10, $0x1;
	s10 =	sld [smem:$0x3FAE];
	_ =	sdelay $0x3  }
0x37: {  	[smem:$0x3FAE] =	sst s10  }
0x38: {  	s10 =	sld [smem:$0x3FAF]  }
0x39: {  	_ = 	snop;
	(pc) =	sbr.ind lr, $3  }
0x3a: {  	_ = 	snop  }
0x3b: {  	_ = 	snop  }
0x3c: {  	p2 =	seq.s32 s10, $0x1;
	s10 =	sld [smem:$0x3FAE]  }
0x3d: {  	_ =	shalt  }
0x3e: {  	_ =	shalt  }
0x3f: {  	_ =	shalt  }
0x40: {  	_ =	shalt  }
0x41: {  	_ =	shalt  }
0x42: {  	_ =	shalt  }
0x43: {  	_ =	shalt  }
0x44: {  	_ =	shalt  }
0x45: {  	_ =	shalt  }
0x46: {  	_ =	shalt  }
0x47: {  	_ =	shalt  }
0x48: {  	_ =	shalt  }
0x49: {  	_ =	shalt  }
0x4a: {  	_ =	shalt  }
0x4b: {  	_ =	shalt  }
0x4c: {  	_ =	shalt  }
0x4d: {  	_ =	shalt  }
0x4e: {  	_ =	shalt  }
0x4f: {  	_ =	shalt  }
0x50: {  	_ =	shalt  }
0x51: {  	_ =	shalt  }
0x52: {  	_ =	shalt  }
0x53: {  	_ =	shalt  }
0x54: {  	_ =	shalt  }
0x55: {  	_ =	shalt  }
0x56: {  	_ =	shalt  }
0x57: {  	_ =	shalt  }
0x58: {  	_ =	shalt  }
0x59: {  	_ =	shalt  }
0x5a: {  	_ =	shalt  }
0x5b: {  	_ =	shalt  }
0x5c: {  	_ =	shalt  }
0x5d: {  	_ =	shalt  }
0x5e: {  	_ =	shalt  }
0x5f: {  	_ =	shalt  }
0x60: {  	_ =	shalt  }
0x61: {  	_ =	shalt  }
0x62: {  	_ =	shalt  }
0x63: {  	_ =	shalt  }
0x64: {  	_ =	shalt  }
0x65: {  	_ =	shalt  }
0x66: {  	_ =	shalt  }
0x67: {  	_ =	shalt  }
0x68: {  	_ =	shalt  }
0x69: {  	_ =	shalt  }
0x6a: {  	_ =	shalt  }
0x6b: {  	_ =	shalt  }
0x6c: {  	_ =	shalt  }
0x6d: {  	_ =	shalt  }
0x6e: {  	_ =	shalt  }
0x6f: {  	_ =	shalt  }
0x70: {  	_ =	shalt  }
0x71: {  	_ =	shalt  }
0x72: {  	_ =	shalt  }
0x73: {  	_ =	shalt  }
0x74: {  	_ =	shalt  }
0x75: {  	_ =	shalt  }
0x76: {  	_ =	shalt  }
0x77: {  	_ =	shalt  }
0x78: {  	_ =	shalt  }
0x79: {  	_ =	shalt  }
0x7a: {  	_ =	shalt  }
0x7b: {  	_ =	shalt  }
0x7c: {  	_ =	shalt  }
0x7d: {  	_ =	shalt  }
0x7e: {  	_ =	shalt  }
0x7f: {  	_ =	shalt  }
0x80: {  	_ =	shalt  }
0x81: {  	_ =	shalt  }
0x82: {  	_ =	shalt  }
0x83: {  	_ =	shalt  }
0x84: {  	_ =	shalt  }
0x85: {  	_ =	shalt  }
0x86: {  	_ =	shalt  }
0x87: {  	_ =	shalt  }
.Lfunc_end0:
.L_simem_size_0:
called_computation.1_lowered:
.L_overlay_start_0:
0x88: {  	s2 =	sld [smem:$0x3FD9]  }
0x89: {  	s3 =	sld [smem:$0x3FFE];
	_ =	sdelay $0x1  }
0x8a: {  	s1 =	srdreg.scid  }
0x8b: {  	s0 =	sand.u32 $0x1, s1  }
0x8c: {  	s16 =	sshll.u32 s0, $0xA;
	s2 =	sadd.s32 s3, s2  }
0x8d: {  	s2 =	sadd.s32 s2, s16  }
0x8e: {  	[smem:$0x3FBA] =	sst s2  }
0x8f: {  	_ = 	snop  }
0x90: {  	(tm) =	ssettm $0x1  }
0x91: {  	s17 =	sld [smem:$0x3FFB];
	_ =	sdelay $0x3  }
0x92: {  	_ =	strace s17  }
0x93: {  	s2 =	sld [smem:$0x3FFC];
	_ =	sdelay $0x3  }
0x94: {  	_ =	strace s2  }
0x95: {  	s2 =	sld [smem:$0x3FFD];
	_ =	sdelay $0x3  }
0x96: {  	_ =	strace s2  }
0x97: {  	_ =	strace $0x8FFFFFFF  }
0x98: {  	s18 =	sld [smem:$0x3FDB];
	_ =	sdelay $0x1  }
0x99: {  	s19 =	simm.s32 $_scs_section_size  }
0x9a: {  	s4 =	simm.s32 $_size__tile_overlayer_lowered;
	s5 =	simm.s32 $_tile_overlayer_lowered  }
0x9b: {  	s22 =	simm.s32 $0x1BFF;
	s21 =	sshll.u32 s5, $0x1;
	s2 =	sadd.s32 s19, s18  }
0x9c: {  	s6 =	simm.s32 $0x0;
	s20 =	sshll.u32 s4, $0x1;
	s4 =	sadd.s32 s21, s2  }
0x9d: {  	[timem:s6], [sflag:s22] =	dma.local [hbm:s4], s20  }
0x9e: {  	_ =	swait.ge [sflag:s22], s20  }
0x9f: {  	s3 =	ssub.s32 $0x0, s20;
	[sflag:s22] =	ssyncset.done $0x0  }
0xa0: {  	[sflag:s22] =	ssyncadd.s32 s3;
	_ =	sdelay $0x1  }
0xa1: {  	s23 =	simm.s32 $0x1B8B  }
0xa2: {  	_ =	swait.ge [sflag:s23], $0x1  }
0xa3: {  	[sflag:s23] =	ssyncset.done $0x0  }
0xa4: {  	s25 =	simm.s32 $0x1B8E;
	s24 =	sld [smem:$0x3FFE];
	[sflag:s23] =	ssyncadd.s32 $0xFFFFFFFF  }
0xa5: {  	s26 =	simm.s32 $execute0_lowered;
	[smem:$0x3FD2] =	sst s25  }
0xa6: {  	s4 =	sshll.u32 s26, $0x1;
	_ =	strace $0x80000049;
	[dreg:$0x1] =	wrdreg $0xFFFFFFFF  }
0xa7: {  	s28 =	simm.s32 $_size_execute0_lowered;
	s2 =	sadd.s32 s2, s4;
	[dreg:$0x0] =	wrdreg $0x0  }
0xa8: {  	s4 =	sshll.u32 s28, $0x1;
	[dreg:$0x2] =	wrdreg s2  }
0xa9: {  	[dreg:$0x3] =	wrdreg s4  }
0xaa: {  	[dreg:$0x4] =	wrdreg $0xC0  }
0xab: {  	_ =	task [dreg:s6], $0x5FFFF  }
0xac: {  	[dreg:$0x1] =	wrdreg $0xFFFFFFFF  }
0xad: {  	[dreg:$0x0] =	wrdreg $0x60  }
0xae: {  	[dreg:$0x2] =	wrdreg s24  }
0xaf: {  	[dreg:$0x3] =	wrdreg $0x130000  }
0xb0: {  	[dreg:$0x4] =	wrdreg $0x90000  }
0xb1: {  	[dreg:$0x5] =	wrdreg $0x9  }
0xb2: {  	_ =	task.clear_ibuf [dreg:s6], $0x6FFFF;
	_ =	strace $0x90000049  }
0xb3: {  	s29 =	simm.s32 $0x9;
	_ =	strace $0x8000004B  }
0xb4: {  	_ =	swait.ge [sflag:s29], $0x1  }
0xb5: {  	[sflag:s29] =	ssyncadd.s32 $0xFFFFFFFF  }
0xb6: {  	_ =	strace $0x9000004B  }
0xb7: {  	_ =	sfence  }
0xb8: {  	s30 =	sld [smem:$0x0];
	_ =	sdelay $0x2  }
0xb9: {  	s31 =	sshll.u32 s1, $0xD;
	s1 =	sshrl.u32 s1, $0x2  }
0xba: {  	s3 =	sand.u32 $0x4000, s31;
	s1 =	sadd.s32 s1, s30  }
0xbb: {  	s0 =	sor.u32 s3, s0;
	s1 =	sshll.u32 s1, $0x11  }
0xbc: {  	s0 =	sor.u32 s1, s0  }
0xbd: {  	s0 =	sadd.s32 $0x8F2B, s0  }
0xbe: {  	[sflag:s0] =	ssyncadd.remote.s32 $0x1  }
0xbf: {  	_ =	sfence.sel $0xFFFF  }
0xc0: {  	[dreg:$0x0] =	wrdreg $0xFFFFFFFF;
	(pc) =	sbr.abs _section_cstart, $3  }
0xc1: {  	[dreg:$0x1] =	wrdreg $0xFFFFFFFF  }
0xc2: {  	_ =	task.clear_ibuf [dreg:s6], $0x2FFFF;
	_ =	strace $0x9FFFFFFF  }
0xc3: {  	(tm) =	ssettm $0x7FFFFFFF  }
tec
execute0_lowered:
.L_overlay_start_1:
0x0: {  	(tag) =	ssettag $0x1  }
0x1: {  	s5 =	rddreg [dreg:$0x0]  }
0x2: {  	s2 =	rddreg [dreg:$0x1]  }
0x3: {  	s3 =	rddreg [dreg:$0x2]  }
0x4: {  	s0 =	rddreg [dreg:$0x3]  }
0x5: {  	s1 =	stileid.u32;
	s4 =	simm.s32 $0x0;
	s6 =	srdreg.scid  }
0x6: {  	s15 =	simm.s32 $0x5;
	s16 =	simm.s32 $0x2800;
	s19 =	simm.s32 $0x5000  }
0x7: {  	s20 =	simm.s32 $0x80;
	s21 =	simm.s32 $0x1;
	s22 =	simm.s32 $0x7000  }
0x8: {  	s23 =	simm.s32 $0x2;
	s24 =	simm.s32 $0x3;
	s25 =	simm.s32 $0x4  }
0x9: {  	s26 =	simm.s32 $0x4F80;
	s28 =	simm.s32 $0x0;
	s8 =	smul.u32 $0xA000, s1  }
0xa: {  	[smem:$0x7FF] =	sst s4;
	s6 =	sand.u32 $0x1, s6;
	s12 =	smul.u32 $0x28000, s1  }
0xb: {  	s17 =	sshll.u32 s1, $0x6;
	s9 =	sshll.u32 s6, $0x4;
	s10 =	smul.u32 $0xA0000, s6  }
0xc: {  	_ =	strace $0x8000004A;
	s6 =	ssub.s32 $0x2, s6;
	s17 =	sor.u32 $0x1C05, s17  }
0xd: {  	s7 =	sshrl.u32 s8, $0x3;
	s9 =	sor.u32 s1, s9;
	s11 =	sshrl.u32 s6, $0x1  }
0xe: {  	s31 =	sshrl.u32 s12, $0x2;
	s18 =	sadd.s32 s8, s2;
	s7 =	sadd.s32 s7, s5  }
0xf: {  	s9 =	smul.u32 $0x500, s9;
	s10 =	sadd.s32 s8, s10;
	s14 =	ssub.s32 s6, s11  }
0x10: {  	s12 =	sadd.s32 s31, s3;
	s8 =	sadd.s32 s8, s3;
	s18 =	sshrl.u32 s18, $0x3  }
0x11: {  	s10 =	sshrl.u32 s10, $0x3;
	s7 =	sadd.s32 $0x25600, s7;
	s11 =	sadd.s32 $0x6000, s12  }
0x12: {  	s14 =	smax.u32 s14, $0x1;
	s9 =	sadd.s32 s9, s5;
	s13 =	sadd.s32 s10, s5  }
0x13: {  	s10 =	sadd.s32 $0x4000, s12;
	s5 =	sadd.s32 $0x1B600, s9;
	s6 =	sadd.s32 $0x2600, s9  }
0x14: {  	v0 =	vimm.f32 $0.0e+00;
	s9 =	sadd.s32 $0x2000, s12;
	s12 =	sadd.s32 $0x8000, s12;
	s13 =	sadd.s32 $0x39600, s13  }
.LBB2_1:
0x15: {  	[tilespmem:s4], [sflag:$0x5] =	stream.linear.gather [hbm4b:s5+s4], $0x2800, $0x38;
	[tilespmem:$0x1D000] =	vst v63  }
0x16: {  	_ =	swait.ge [sflag:s15], $0x2800  }
0x17: {  	[sflag:s15] =	ssyncset.done $0x0  }
0x18: {  	[sflag:s15] =	ssyncadd.s32 $0xFFFFD800  }
0x19: {  	[tilespmem:s16], [sflag:$0x5] =	stream.linear.gather [hbm4b:s6+s4], $0x2800, $0x38;
	[tilespmem:$0x1D000] =	vst v63  }
0x1a: {  	_ =	swait.ge [sflag:s15], $0x2800  }
0x1b: {  	[sflag:s15] =	ssyncset.done $0x0  }
0x1c: {  	[sflag:s15] =	ssyncadd.s32 $0xFFFFD800  }
0x1d: {  	[spmem:s18], [sflag:s17] =	dma.local [hbm:s7], $0x1400  }
0x1e: {  	_ =	swait.ge [sflag:s15], $0x1400  }
0x1f: {  	[sflag:s15] =	ssyncset.done $0x0  }
0x20: {  	s30 =	simm.s32 $0x100;
	s29 =	simm.s32 $0x0;
	[sflag:s15] =	ssyncadd.s32 $0xFFFFEC00  }
.LBB2_2:
0x21: {  	p0 =	sne.s32 s30, $0x7F00;
	[tilespmem:s29+$0x5030] =	vst v0;
	s31 =	smov.u32 s30;
	s30 =	sadd.s32 $0x100, s30  }
.Ltmp0:
0x22: {  	[tilespmem:s29+$0x5020] =	vst v0;
	(pc) =	sbr.rel @p0 .LBB2_2-.Ltmp0, $3  }
0x23: {  	[tilespmem:s29+$0x5000] =	vst v0  }
0x24: {  	[tilespmem:s29+$0x5010] =	vst v0;
	_ =	sdelay $0x1  }
0x25: {  	s29 =	sshra.s32 s31, $0x2  }
0x26: {  	[tilespmem:s29+$0x5030] =	vst v0  }
0x27: {  	[tilespmem:s29+$0x5020] =	vst v0  }
0x28: {  	[tilespmem:s29+$0x5000] =	vst v0  }
0x29: {  	[tilespmem:s29+$0x5010] =	vst v0  }
0x2a: {  	[spmem:s8] =	stream.linear.scatter [tilespmem:s19], [sflag:$0x5], $0x2000, $0x38;
	[tilespmem:$0x1D000] =	vst v63  }
0x2b: {  	_ =	swait.ge [sflag:s15], $0x2000  }
0x2c: {  	[sflag:s15] =	ssyncset.done $0x0  }
0x2d: {  	[sflag:s15] =	ssyncadd.s32 $0xFFFFE000  }
0x2e: {  	[spmem:s9] =	stream.linear.scatter [tilespmem:s19], [sflag:$0x5], $0x2000, $0x38;
	[tilespmem:$0x1D000] =	vst v63  }
0x2f: {  	_ =	swait.ge [sflag:s15], $0x2000  }
0x30: {  	[sflag:s15] =	ssyncset.done $0x0  }
0x31: {  	[sflag:s15] =	ssyncadd.s32 $0xFFFFE000  }
0x32: {  	[spmem:s10] =	stream.linear.scatter [tilespmem:s19], [sflag:$0x5], $0x2000, $0x38;
	[tilespmem:$0x1D000] =	vst v63  }
0x33: {  	_ =	swait.ge [sflag:s15], $0x2000  }
0x34: {  	[sflag:s15] =	ssyncset.done $0x0  }
0x35: {  	[sflag:s15] =	ssyncadd.s32 $0xFFFFE000  }
0x36: {  	[spmem:s11] =	stream.linear.scatter [tilespmem:s19], [sflag:$0x5], $0x2000, $0x38;
	[tilespmem:$0x1D000] =	vst v63  }
0x37: {  	_ =	swait.ge [sflag:s15], $0x2000  }
0x38: {  	[sflag:s15] =	ssyncset.done $0x0  }
0x39: {  	[sflag:s15] =	ssyncadd.s32 $0xFFFFE000  }
0x3a: {  	[spmem:s12] =	stream.linear.scatter [tilespmem:s19], [sflag:$0x5], $0x2000, $0x38;
	[tilespmem:$0x1D000] =	vst v63  }
0x3b: {  	_ =	swait.ge [sflag:s15], $0x2000  }
0x3c: {  	[sflag:s15] =	ssyncset.done $0x0  }
0x3d: {  	[sflag:s15] =	ssyncadd.s32 $0xFFFFE000  }
0x3e: {  	[bflag:$0x0] =	sbarrier.arrive $0xFFFF  }
0x3f: {  	[tilespmem:s19], [sflag:$0x1] =	stream.indirect.gather [spmem:s2], $0x40, s4, s20, $0xb8;
	[tilespmem:$0x1D000] =	vst v63  }
0x40: {  	_ =	swait.ge [sflag:s21], $0x2000  }
0x41: {  	[sflag:s21] =	ssyncset.done $0x0  }
0x42: {  	[sflag:s21] =	ssyncadd.s32 $0xFFFFE000  }
0x43: {  	[spmem:s3] =	stream.indirect.scatter.add.f32 [tilespmem:s19], [sflag:$0x3], $0x40, s16, s20, $0xb8;
	[tilespmem:$0x1D000] =	vst v63  }
0x44: {  	_ = 	snop  }
0x45: {  	[tilespmem:s22], [sflag:$0x2] =	stream.indirect.gather [spmem:s2], $0x40, s20, s20, $0xb8;
	[tilespmem:$0x1D000] =	vst v63  }
0x46: {  	_ =	swait.ge [sflag:s23], $0x2000  }
0x47: {  	[sflag:s23] =	ssyncset.done $0x0  }
0x48: {  	s29 =	simm.s32 $0x2880;
	[sflag:s23] =	ssyncadd.s32 $0xFFFFE000  }
0x49: {  	[spmem:s3] =	stream.indirect.scatter.add.f32 [tilespmem:s22], [sflag:$0x4], $0x40, s29, s20, $0xb8;
	[tilespmem:$0x1D000] =	vst v63  }
0x4a: {  	_ =	swait.ge [sflag:s24], $0x2000  }
0x4b: {  	[sflag:s24] =	ssyncset.done $0x0  }
0x4c: {  	s29 =	simm.s32 $0x100;
	[sflag:s24] =	ssyncadd.s32 $0xFFFFE000  }
0x4d: {  	[tilespmem:s19], [sflag:$0x1] =	stream.indirect.gather [spmem:s2], $0x40, s29, s20, $0xb8;
	[tilespmem:$0x1D000] =	vst v63  }
0x4e: {  	_ =	swait.ge [sflag:s21], $0x2000  }
0x4f: {  	[sflag:s21] =	ssyncset.done $0x0  }
0x50: {  	s29 =	simm.s32 $0x2900;
	[sflag:s21] =	ssyncadd.s32 $0xFFFFE000  }
0x51: {  	[spmem:s3] =	stream.indirect.scatter.add.f32 [tilespmem:s19], [sflag:$0x3], $0x40, s29, s20, $0xb8;
	[tilespmem:$0x1D000] =	vst v63  }
0x52: {  	_ =	swait.ge [sflag:s25], $0x2000  }
0x53: {  	[sflag:s25] =	ssyncset.done $0x0  }
0x54: {  	s30 =	simm.s32 $0x180;
	s29 =	simm.s32 $0xFFFF6800;
	[sflag:s25] =	ssyncadd.s32 $0xFFFFE000  }
.LBB2_4:
0x55: {  	[tilespmem:s22], [sflag:$0x2] =	stream.indirect.gather [spmem:s2], $0x40, s30, s20, $0xb8;
	[tilespmem:$0x1D000] =	vst v63  }
0x56: {  	s30 =	smov.u32 s29  }
0x57: {  	p0 =	sne.s32 s29, $0xFFFFFC00;
	s29 =	sadd.s32 $0x400, s29;
	_ =	swait.ge [sflag:s23], $0x2000  }
0x58: {  	s30 =	sshra.s32 s30, $0x2;
	[sflag:s23] =	ssyncset.done $0x0  }
0x59: {  	s31 =	sadd.s32 $0x4F80, s30;
	[sflag:s23] =	ssyncadd.s32 $0xFFFFE000  }
0x5a: {  	[spmem:s3] =	stream.indirect.scatter.add.f32 [tilespmem:s22], [sflag:$0x4], $0x40, s31, s20, $0xb8;
	[tilespmem:$0x1D000] =	vst v63  }
0x5b: {  	_ =	swait.ge [sflag:s24], $0x2000  }
0x5c: {  	[sflag:s24] =	ssyncset.done $0x0  }
0x5d: {  	s31 =	sadd.s32 $0x2800, s30;
	[sflag:s24] =	ssyncadd.s32 $0xFFFFE000  }
0x5e: {  	[tilespmem:s19], [sflag:$0x1] =	stream.indirect.gather [spmem:s2], $0x40, s31, s20, $0xb8;
	[tilespmem:$0x1D000] =	vst v63  }
0x5f: {  	_ =	swait.ge [sflag:s21], $0x2000  }
0x60: {  	[sflag:s21] =	ssyncset.done $0x0  }
.Ltmp1:
0x61: {  	s31 =	sadd.s32 $0x5000, s30;
	[sflag:s21] =	ssyncadd.s32 $0xFFFFE000;
	(pc) =	sbr.rel @p0 .LBB2_4-.Ltmp1, $4  }
0x62: {  	[spmem:s3] =	stream.indirect.scatter.add.f32 [tilespmem:s19], [sflag:$0x3], $0x40, s31, s20, $0xb8;
	[tilespmem:$0x1D000] =	vst v63  }
0x63: {  	_ =	swait.ge [sflag:s25], $0x2000  }
0x64: {  	[sflag:s25] =	ssyncset.done $0x0  }
0x65: {  	s30 =	sadd.s32 $0x2880, s30;
	[sflag:s25] =	ssyncadd.s32 $0xFFFFE000  }
0x66: {  	[tilespmem:s22], [sflag:$0x2] =	stream.indirect.gather [spmem:s2], $0x40, s30, s20, $0xb8;
	[tilespmem:$0x1D000] =	vst v63  }
0x67: {  	_ =	swait.ge [sflag:s23], $0x2000  }
0x68: {  	[sflag:s23] =	ssyncset.done $0x0  }
0x69: {  	[sflag:s23] =	ssyncadd.s32 $0xFFFFE000  }
0x6a: {  	[spmem:s3] =	stream.indirect.scatter.add.f32 [tilespmem:s22], [sflag:$0x4], $0x40, s26, s20, $0xb8;
	[tilespmem:$0x1D000] =	vst v63  }
0x6b: {  	_ =	swait.ge [sflag:s24], $0x2000  }
0x6c: {  	[sflag:s24] =	ssyncset.done $0x0  }
0x6d: {  	[sflag:s24] =	ssyncadd.s32 $0xFFFFE000  }
0x6e: {  	_ =	swait.ge [sflag:s25], $0x2000  }
0x6f: {  	s28 =	sadd.s32 $0x1, s28;
	[sflag:s25] =	ssyncset.done $0x0  }
0x70: {  	p0 =	sne.s32 s28, s14;
	[sflag:s25] =	ssyncadd.s32 $0xFFFFE000  }
.Ltmp2:
0x71: {  	s29 =	sshrl.u32 s8, $0x3;
	[bflag:$0x0] =	sbarrier.arrive $0xFFFF;
	(pc) =	sbr.rel @p0 .LBB2_1-.Ltmp2, $4  }
0x72: {  	[hbm:s13], [sflag:s17] =	dma.local [spmem:s29], $0x1400  }
0x73: {  	_ =	swait.ge [sflag:s15], $0x1400  }
0x74: {  	[sflag:s15] =	ssyncset.done $0x0  }
0x75: {  	[sflag:s15] =	ssyncadd.s32 $0xFFFFEC00  }
0x76: {  	_ =	sfence.sel $0x180000  }
0x77: {  	[bflag:$0x0] =	sbarrier.arrive $0xFFFF  }
0x78: {  	p0 =	sne.s32 s1, $0x0;
	_ =	strace $0x9000004A  }
0x79: {  	s0 =	sadd.s32 @!p0 $0x100000, s0;
	[bflag:$0x2] =	sbarrier.arrive $0xFFFF  }
0x7a: {  	[sflag:s0] =	ssyncadd.tile.s32 @!p0 $0x1;
	_ =	shalt  }
.Lfunc_end2:
_tile_overlayer_lowered:
.L_overlay_start_2:
0x7b: {  	(tag) =	ssettag $0x2  }
0x7c: {  	s0 =	rddreg [dreg:$0x0];
	s2 =	stileid.u32  }
0x7d: {  	s1 =	rddreg [dreg:$0x1];
	p0 =	sne.s32 s2, $0x0  }
0x7e: {  	s3 =	rddreg [dreg:$0x2];
	[bflag:$0x3] =	sbarrier.arrive $0xFFFF;
	s2 =	simm.s32 @!p0 $0x1C05  }
0x7f: {  	[timem:s3], [sflag:s2] =	dma.local @!p0 [hbm:s0], s1  }
0x80: {  	s0 =	simm.s32 @!p0 $0x5  }
0x81: {  	_ =	swait.ge @!p0 [sflag:s0], s1  }
0x82: {  	s1 =	ssub.s32 @!p0 $0x0, s1;
	[sflag:s0] =	ssyncset.done @!p0 $0x0  }
0x83: {  	[sflag:s0] =	ssyncadd.s32 @!p0 s1  }
0x84: {  	[bflag:$0x3] =	sbarrier.arrive $0xFFFF  }
0x85: {  	_ =	shalt  }

// kernel: kernel.14.cloned.1.call-start
scs
__scs_entry_jumppad:
0x0: {  	(pc) =	sbr.rel $0x88, $3  }
0x1: {  	(tag) =	ssettag $0x0;
	lr =	simm.s32 $0x1  }
0x2: {  	[smem:$0x3F93] =	sst lr;
	_ =	strace $0xD0000000  }
0x3: {  	_ = 	snop  }
0x4: {  	_ = 	snop  }
0x5: {  	_ = 	snop  }
0x6: {  	_ = 	snop  }
0x7: {  	_ = 	snop  }
__scs_overlays_trampoline_lowered:
0x8: {  	[smem:$0x3FA2] =	sst s0  }
0x9: {  	[smem:$0x3FA3] =	sst s1  }
0xa: {  	[smem:$0x3FA4] =	sst s2  }
0xb: {  	[smem:$0x3FA5] =	sst s3  }
0xc: {  	[smem:$0x3FA6] =	sst s4  }
0xd: {  	[smem:$0x3FA7] =	sst s5  }
0xe: {  	[smem:$0x3FA8] =	sst s6  }
0xf: {  	[smem:$0x3FA9] =	sst s7  }
0x10: {  	[smem:$0x3FAA] =	sst s8  }
0x11: {  	[smem:$0x3FAB] =	sst s9;
	s0 =	simm.s32 @!p0 $0x0  }
0x12: {  	s1 =	sld [smem:$0x3F91];
	s0 =	simm.s32 @p0 $0x1  }
0x13: {  	[smem:$0x3FAC] =	sst s0;
	s0 =	simm.s32 @!p1 $0x0  }
0x14: {  	s2 =	sld [smem:$0x3F90];
	s0 =	simm.s32 @p1 $0x1  }
0x15: {  	[smem:$0x3FAD] =	sst s0;
	s0 =	simm.s32 @!p2 $0x0  }
0x16: {  	s3 =	sld [smem:$0x3FDB];
	s0 =	simm.s32 @p2 $0x1  }
0x17: {  	s4 =	simm.s32 $0x1BF5;
	[smem:$0x3FAF] =	sst s0  }
0x18: {  	s0 =	sld [smem:$0x3F92];
	_ =	swait.ge [sflag:s4], $0x0  }
0x19: {  	s7 =	sld [smem:$0x3F93]  }
0x1a: {  	s8 =	sadd.s32 $0xFFFFE003, lr  }
0x1b: {  	s9 =	sadd.s32 $0xFFFFFEF7, lr;
	s5 =	simm.s32 $0xFFFFFFFF;
	p2 =	slt.u32 s8, $0xFFFFF086  }
0x1c: {  	p1 =	slt.u32 s9, $0xF7A;
	s5 =	simm.s32 @!p2 $0x0  }
0x1d: {  	s5 =	simm.s32 @p1 $0x1;
	p0 =	seq.s32 s7, s2  }
0x1e: {  	s7 =	smul.u32 @!p0 $0xF7A, s2;
	p2 =	seq.s32 @!p0 s5, $0x0  }
0x1f: {  	s9 =	smul.u32 $0xF7A, s1;
	s8 =	simm.s32 @!p0 $0x1BF5;
	p2 =	por !p2, p0  }
0x20: {  	[sflag:s8] =	ssyncset.s32 @!p0 $0xFFFFF086;
	s6 =	sadd.s32 @!p0 s3, s7;
	s7 =	simm.s32 @!p0 $0x108  }
0x21: {  	s3 =	sadd.s32 s3, s9;
	s6 =	sadd.s32 @!p0 $0x88, s6;
	s7 =	simm.s32 @p2 $0x1082  }
0x22: {  	[simem:s7], [sflag:s8] =	dma.local @!p0 [hbm:s6], $0xF7A  }
0x23: {  	s9 =	sor.u32 $0xD0000000, s2;
	s6 =	simm.s32 $0x108;
	_ =	swait.ge @!p0 [sflag:s8], $0x0  }
0x24: {  	s3 =	sadd.s32 $0x88, s3;
	s6 =	simm.s32 @!p1 $0x1082;
	[sflag:s4] =	ssyncset.s32 $0xFFFFF086  }
0x25: {  	[simem:s6], [sflag:s4] =	dma.local [hbm:s3], $0xF7A  }
0x26: {  	[smem:$0x3F93] =	sst s1;
	(tag) =	ssettag s2;
	_ =	strace s9  }
0x27: {  	s1 =	sld [smem:$0x3FA3]  }
0x28: {  	s2 =	sld [smem:$0x3FA4]  }
0x29: {  	s4 =	sld [smem:$0x3FA6]  }
0x2a: {  	p0 =	seq.s32 s5, $0x0;
	s5 =	sld [smem:$0x3FA7]  }
0x2b: {  	s6 =	sld [smem:$0x3FA8]  }
0x2c: {  	s7 =	sld [smem:$0x3FA9]  }
0x2d: {  	s3 =	simm.s32 $0x108;
	s8 =	sld [smem:$0x3FAA]  }
0x2e: {  	s3 =	simm.s32 @!p0 $0x1082;
	s9 =	sld [smem:$0x3FAB]  }
0x2f: {  	lr =	sadd.s32 s0, s3;
	s0 =	sld [smem:$0x3FA2]  }
0x30: {  	s3 =	sld [smem:$0x3FA5]  }
0x31: {  	[smem:$0x3FAE] =	sst s10  }
0x32: {  	s10 =	sld [smem:$0x3FAC];
	_ =	sdelay $0x3  }
0x33: {  	p0 =	seq.s32 s10, $0x1;
	s10 =	sld [smem:$0x3FAE];
	_ =	sdelay $0x3  }
0x34: {  	[smem:$0x3FAE] =	sst s10  }
0x35: {  	s10 =	sld [smem:$0x3FAD];
	_ =	sdelay $0x3  }
0x36: {  	p1 =	seq.s32 s10, $0x1;
	s10 =	sld [smem:$0x3FAE];
	_ =	sdelay $0x3  }
0x37: {  	[smem:$0x3FAE] =	sst s10  }
0x38: {  	s10 =	sld [smem:$0x3FAF]  }
0x39: {  	_ = 	snop;
	(pc) =	sbr.ind lr, $3  }
0x3a: {  	_ = 	snop  }
0x3b: {  	_ = 	snop  }
0x3c: {  	p2 =	seq.s32 s10, $0x1;
	s10 =	sld [smem:$0x3FAE]  }
0x3d: {  	_ =	shalt  }
0x3e: {  	_ =	shalt  }
0x3f: {  	_ =	shalt  }
0x40: {  	_ =	shalt  }
0x41: {  	_ =	shalt  }
0x42: {  	_ =	shalt  }
0x43: {  	_ =	shalt  }
0x44: {  	_ =	shalt  }
0x45: {  	_ =	shalt  }
0x46: {  	_ =	shalt  }
0x47: {  	_ =	shalt  }
0x48: {  	_ =	shalt  }
0x49: {  	_ =	shalt  }
0x4a: {  	_ =	shalt  }
0x4b: {  	_ =	shalt  }
0x4c: {  	_ =	shalt  }
0x4d: {  	_ =	shalt  }
0x4e: {  	_ =	shalt  }
0x4f: {  	_ =	shalt  }
0x50: {  	_ =	shalt  }
0x51: {  	_ =	shalt  }
0x52: {  	_ =	shalt  }
0x53: {  	_ =	shalt  }
0x54: {  	_ =	shalt  }
0x55: {  	_ =	shalt  }
0x56: {  	_ =	shalt  }
0x57: {  	_ =	shalt  }
0x58: {  	_ =	shalt  }
0x59: {  	_ =	shalt  }
0x5a: {  	_ =	shalt  }
0x5b: {  	_ =	shalt  }
0x5c: {  	_ =	shalt  }
0x5d: {  	_ =	shalt  }
0x5e: {  	_ =	shalt  }
0x5f: {  	_ =	shalt  }
0x60: {  	_ =	shalt  }
0x61: {  	_ =	shalt  }
0x62: {  	_ =	shalt  }
0x63: {  	_ =	shalt  }
0x64: {  	_ =	shalt  }
0x65: {  	_ =	shalt  }
0x66: {  	_ =	shalt  }
0x67: {  	_ =	shalt  }
0x68: {  	_ =	shalt  }
0x69: {  	_ =	shalt  }
0x6a: {  	_ =	shalt  }
0x6b: {  	_ =	shalt  }
0x6c: {  	_ =	shalt  }
0x6d: {  	_ =	shalt  }
0x6e: {  	_ =	shalt  }
0x6f: {  	_ =	shalt  }
0x70: {  	_ =	shalt  }
0x71: {  	_ =	shalt  }
0x72: {  	_ =	shalt  }
0x73: {  	_ =	shalt  }
0x74: {  	_ =	shalt  }
0x75: {  	_ =	shalt  }
0x76: {  	_ =	shalt  }
0x77: {  	_ =	shalt  }
0x78: {  	_ =	shalt  }
0x79: {  	_ =	shalt  }
0x7a: {  	_ =	shalt  }
0x7b: {  	_ =	shalt  }
0x7c: {  	_ =	shalt  }
0x7d: {  	_ =	shalt  }
0x7e: {  	_ =	shalt  }
0x7f: {  	_ =	shalt  }
0x80: {  	_ =	shalt  }
0x81: {  	_ =	shalt  }
0x82: {  	_ =	shalt  }
0x83: {  	_ =	shalt  }
0x84: {  	_ =	shalt  }
0x85: {  	_ =	shalt  }
0x86: {  	_ =	shalt  }
0x87: {  	_ =	shalt  }
.Lfunc_end0:
.L_simem_size_0:
called_computation.2_lowered:
.L_overlay_start_0:
0x88: {  	s2 =	sld [smem:$0x3FD9]  }
0x89: {  	s3 =	sld [smem:$0x3FFE];
	_ =	sdelay $0x1  }
0x8a: {  	s1 =	srdreg.scid  }
0x8b: {  	s0 =	sand.u32 $0x1, s1  }
0x8c: {  	s16 =	sshll.u32 s0, $0xA;
	s2 =	sadd.s32 s3, s2  }
0x8d: {  	s2 =	sadd.s32 s2, s16  }
0x8e: {  	[smem:$0x3FBA] =	sst s2  }
0x8f: {  	_ = 	snop  }
0x90: {  	(tm) =	ssettm $0x1  }
0x91: {  	s17 =	sld [smem:$0x3FFB];
	_ =	sdelay $0x3  }
0x92: {  	_ =	strace s17  }
0x93: {  	s2 =	sld [smem:$0x3FFC];
	_ =	sdelay $0x3  }
0x94: {  	_ =	strace s2  }
0x95: {  	s2 =	sld [smem:$0x3FFD];
	_ =	sdelay $0x3  }
0x96: {  	_ =	strace s2  }
0x97: {  	_ =	strace $0x8FFFFFFF  }
0x98: {  	s18 =	sld [smem:$0x3FDB];
	_ =	sdelay $0x1  }
0x99: {  	s19 =	simm.s32 $_scs_section_size  }
0x9a: {  	s4 =	simm.s32 $_size__tile_overlayer_lowered;
	s5 =	simm.s32 $_tile_overlayer_lowered  }
0x9b: {  	s22 =	simm.s32 $0x1BFF;
	s21 =	sshll.u32 s5, $0x1;
	s2 =	sadd.s32 s19, s18  }
0x9c: {  	s6 =	simm.s32 $0x0;
	s20 =	sshll.u32 s4, $0x1;
	s4 =	sadd.s32 s21, s2  }
0x9d: {  	[timem:s6], [sflag:s22] =	dma.local [hbm:s4], s20  }
0x9e: {  	_ =	swait.ge [sflag:s22], s20  }
0x9f: {  	s3 =	ssub.s32 $0x0, s20;
	[sflag:s22] =	ssyncset.done $0x0  }
0xa0: {  	[sflag:s22] =	ssyncadd.s32 s3;
	_ =	sdelay $0x1  }
0xa1: {  	s23 =	simm.s32 $0x1B8B  }
0xa2: {  	_ =	swait.ge [sflag:s23], $0x1  }
0xa3: {  	[sflag:s23] =	ssyncset.done $0x0  }
0xa4: {  	s25 =	simm.s32 $0x1B8E;
	s24 =	sld [smem:$0x3FFE];
	[sflag:s23] =	ssyncadd.s32 $0xFFFFFFFF  }
0xa5: {  	s26 =	simm.s32 $execute0_lowered;
	[smem:$0x3FD2] =	sst s25  }
0xa6: {  	s4 =	sshll.u32 s26, $0x1;
	_ =	strace $0x8000004C;
	[dreg:$0x1] =	wrdreg $0xFFFFFFFF  }
0xa7: {  	s28 =	simm.s32 $_size_execute0_lowered;
	s2 =	sadd.s32 s2, s4;
	[dreg:$0x0] =	wrdreg $0x0  }
0xa8: {  	s4 =	sshll.u32 s28, $0x1;
	[dreg:$0x2] =	wrdreg s2  }
0xa9: {  	[dreg:$0x3] =	wrdreg s4  }
0xaa: {  	[dreg:$0x4] =	wrdreg $0xC0  }
0xab: {  	_ =	task [dreg:s6], $0x5FFFF  }
0xac: {  	[dreg:$0x1] =	wrdreg $0xFFFFFFFF  }
0xad: {  	[dreg:$0x0] =	wrdreg $0x60  }
0xae: {  	[dreg:$0x2] =	wrdreg s24  }
0xaf: {  	[dreg:$0x3] =	wrdreg $0x130000  }
0xb0: {  	[dreg:$0x4] =	wrdreg $0x90000  }
0xb1: {  	[dreg:$0x5] =	wrdreg $0x9  }
0xb2: {  	_ =	task.clear_ibuf [dreg:s6], $0x6FFFF;
	_ =	strace $0x9000004C  }
0xb3: {  	s29 =	simm.s32 $0x9;
	_ =	strace $0x8000004E  }
0xb4: {  	_ =	swait.ge [sflag:s29], $0x1  }
0xb5: {  	[sflag:s29] =	ssyncadd.s32 $0xFFFFFFFF  }
0xb6: {  	_ =	strace $0x9000004E  }
0xb7: {  	_ =	sfence  }
0xb8: {  	s30 =	sld [smem:$0x0];
	_ =	sdelay $0x2  }
0xb9: {  	s31 =	sshll.u32 s1, $0xD;
	s1 =	sshrl.u32 s1, $0x2  }
0xba: {  	s3 =	sand.u32 $0x4000, s31;
	s1 =	sadd.s32 s1, s30  }
0xbb: {  	s0 =	sor.u32 s3, s0;
	s1 =	sshll.u32 s1, $0x11  }
0xbc: {  	s0 =	sor.u32 s1, s0  }
0xbd: {  	s0 =	sadd.s32 $0x8F2B, s0  }
0xbe: {  	[sflag:s0] =	ssyncadd.remote.s32 $0x1  }
0xbf: {  	_ =	sfence.sel $0xFFFF  }
0xc0: {  	[dreg:$0x0] =	wrdreg $0xFFFFFFFF;
	(pc) =	sbr.abs _section_cstart, $3  }
0xc1: {  	[dreg:$0x1] =	wrdreg $0xFFFFFFFF  }
0xc2: {  	_ =	task.clear_ibuf [dreg:s6], $0x2FFFF;
	_ =	strace $0x9FFFFFFF  }
0xc3: {  	(tm) =	ssettm $0x7FFFFFFF  }
tec
execute0_lowered:
.L_overlay_start_1:
0x0: {  	(tag) =	ssettag $0x1  }
0x1: {  	s5 =	rddreg [dreg:$0x0]  }
0x2: {  	s2 =	rddreg [dreg:$0x1]  }
0x3: {  	s3 =	rddreg [dreg:$0x2]  }
0x4: {  	s0 =	rddreg [dreg:$0x3]  }
0x5: {  	s1 =	stileid.u32;
	s4 =	simm.s32 $0x0;
	s6 =	srdreg.scid  }
0x6: {  	s15 =	simm.s32 $0x5;
	s16 =	simm.s32 $0x2800;
	s19 =	simm.s32 $0x5000  }
0x7: {  	s20 =	simm.s32 $0x80;
	s21 =	simm.s32 $0x1;
	s22 =	simm.s32 $0x7000  }
0x8: {  	s23 =	simm.s32 $0x2;
	s24 =	simm.s32 $0x3;
	s25 =	simm.s32 $0x4  }
0x9: {  	s26 =	simm.s32 $0x4F80;
	s28 =	simm.s32 $0x0;
	s8 =	smul.u32 $0xA000, s1  }
0xa: {  	[smem:$0x7FF] =	sst s4;
	s6 =	sand.u32 $0x1, s6;
	s12 =	smul.u32 $0x28000, s1  }
0xb: {  	s17 =	sshll.u32 s1, $0x6;
	s9 =	sshll.u32 s6, $0x4;
	s10 =	smul.u32 $0xA0000, s6  }
0xc: {  	_ =	strace $0x8000004D;
	s6 =	ssub.s32 $0x2, s6;
	s17 =	sor.u32 $0x1C05, s17  }
0xd: {  	s7 =	sshrl.u32 s8, $0x3;
	s9 =	sor.u32 s1, s9;
	s11 =	sshrl.u32 s6, $0x1  }
0xe: {  	s31 =	sshrl.u32 s12, $0x2;
	s18 =	sadd.s32 s8, s2;
	s7 =	sadd.s32 s7, s5  }
0xf: {  	s9 =	smul.u32 $0x500, s9;
	s10 =	sadd.s32 s8, s10;
	s14 =	ssub.s32 s6, s11  }
0x10: {  	s12 =	sadd.s32 s31, s3;
	s8 =	sadd.s32 s8, s3;
	s18 =	sshrl.u32 s18, $0x3  }
0x11: {  	s10 =	sshrl.u32 s10, $0x3;
	s7 =	sadd.s32 $0x25600, s7;
	s11 =	sadd.s32 $0x6000, s12  }
0x12: {  	s14 =	smax.u32 s14, $0x1;
	s9 =	sadd.s32 s9, s5;
	s13 =	sadd.s32 s10, s5  }
0x13: {  	s10 =	sadd.s32 $0x4000, s12;
	s5 =	sadd.s32 $0x1B600, s9;
	s6 =	sadd.s32 $0x2600, s9  }
0x14: {  	v0 =	vimm.f32 $0.0e+00;
	s9 =	sadd.s32 $0x2000, s12;
	s12 =	sadd.s32 $0x8000, s12;
	s13 =	sadd.s32 $0x39600, s13  }
.LBB2_1:
0x15: {  	[tilespmem:s4], [sflag:$0x5] =	stream.linear.gather [hbm4b:s5+s4], $0x2800, $0x38;
	[tilespmem:$0x1D000] =	vst v63  }
0x16: {  	_ =	swait.ge [sflag:s15], $0x2800  }
0x17: {  	[sflag:s15] =	ssyncset.done $0x0  }
0x18: {  	[sflag:s15] =	ssyncadd.s32 $0xFFFFD800  }
0x19: {  	[tilespmem:s16], [sflag:$0x5] =	stream.linear.gather [hbm4b:s6+s4], $0x2800, $0x38;
	[tilespmem:$0x1D000] =	vst v63  }
0x1a: {  	_ =	swait.ge [sflag:s15], $0x2800  }
0x1b: {  	[sflag:s15] =	ssyncset.done $0x0  }
0x1c: {  	[sflag:s15] =	ssyncadd.s32 $0xFFFFD800  }
0x1d: {  	[spmem:s18], [sflag:s17] =	dma.local [hbm:s7], $0x1400  }
0x1e: {  	_ =	swait.ge [sflag:s15], $0x1400  }
0x1f: {  	[sflag:s15] =	ssyncset.done $0x0  }
0x20: {  	s30 =	simm.s32 $0x100;
	s29 =	simm.s32 $0x0;
	[sflag:s15] =	ssyncadd.s32 $0xFFFFEC00  }
.LBB2_2:
0x21: {  	p0 =	sne.s32 s30, $0x7F00;
	[tilespmem:s29+$0x5030] =	vst v0;
	s31 =	smov.u32 s30;
	s30 =	sadd.s32 $0x100, s30  }
.Ltmp0:
0x22: {  	[tilespmem:s29+$0x5020] =	vst v0;
	(pc) =	sbr.rel @p0 .LBB2_2-.Ltmp0, $3  }
0x23: {  	[tilespmem:s29+$0x5000] =	vst v0  }
0x24: {  	[tilespmem:s29+$0x5010] =	vst v0;
	_ =	sdelay $0x1  }
0x25: {  	s29 =	sshra.s32 s31, $0x2  }
0x26: {  	[tilespmem:s29+$0x5030] =	vst v0  }
0x27: {  	[tilespmem:s29+$0x5020] =	vst v0  }
0x28: {  	[tilespmem:s29+$0x5000] =	vst v0  }
0x29: {  	[tilespmem:s29+$0x5010] =	vst v0  }
0x2a: {  	[spmem:s8] =	stream.linear.scatter [tilespmem:s19], [sflag:$0x5], $0x2000, $0x38;
	[tilespmem:$0x1D000] =	vst v63  }
0x2b: {  	_ =	swait.ge [sflag:s15], $0x2000  }
0x2c: {  	[sflag:s15] =	ssyncset.done $0x0  }
0x2d: {  	[sflag:s15] =	ssyncadd.s32 $0xFFFFE000  }
0x2e: {  	[spmem:s9] =	stream.linear.scatter [tilespmem:s19], [sflag:$0x5], $0x2000, $0x38;
	[tilespmem:$0x1D000] =	vst v63  }
0x2f: {  	_ =	swait.ge [sflag:s15], $0x2000  }
0x30: {  	[sflag:s15] =	ssyncset.done $0x0  }
0x31: {  	[sflag:s15] =	ssyncadd.s32 $0xFFFFE000  }
0x32: {  	[spmem:s10] =	stream.linear.scatter [tilespmem:s19], [sflag:$0x5], $0x2000, $0x38;
	[tilespmem:$0x1D000] =	vst v63  }
0x33: {  	_ =	swait.ge [sflag:s15], $0x2000  }
0x34: {  	[sflag:s15] =	ssyncset.done $0x0  }
0x35: {  	[sflag:s15] =	ssyncadd.s32 $0xFFFFE000  }
0x36: {  	[spmem:s11] =	stream.linear.scatter [tilespmem:s19], [sflag:$0x5], $0x2000, $0x38;
	[tilespmem:$0x1D000] =	vst v63  }
0x37: {  	_ =	swait.ge [sflag:s15], $0x2000  }
0x38: {  	[sflag:s15] =	ssyncset.done $0x0  }
0x39: {  	[sflag:s15] =	ssyncadd.s32 $0xFFFFE000  }
0x3a: {  	[spmem:s12] =	stream.linear.scatter [tilespmem:s19], [sflag:$0x5], $0x2000, $0x38;
	[tilespmem:$0x1D000] =	vst v63  }
0x3b: {  	_ =	swait.ge [sflag:s15], $0x2000  }
0x3c: {  	[sflag:s15] =	ssyncset.done $0x0  }
0x3d: {  	[sflag:s15] =	ssyncadd.s32 $0xFFFFE000  }
0x3e: {  	[bflag:$0x0] =	sbarrier.arrive $0xFFFF  }
0x3f: {  	[tilespmem:s19], [sflag:$0x1] =	stream.indirect.gather [spmem:s2], $0x40, s4, s20, $0xb8;
	[tilespmem:$0x1D000] =	vst v63  }
0x40: {  	_ =	swait.ge [sflag:s21], $0x2000  }
0x41: {  	[sflag:s21] =	ssyncset.done $0x0  }
0x42: {  	[sflag:s21] =	ssyncadd.s32 $0xFFFFE000  }
0x43: {  	[spmem:s3] =	stream.indirect.scatter.add.f32 [tilespmem:s19], [sflag:$0x3], $0x40, s16, s20, $0xb8;
	[tilespmem:$0x1D000] =	vst v63  }
0x44: {  	_ = 	snop  }
0x45: {  	[tilespmem:s22], [sflag:$0x2] =	stream.indirect.gather [spmem:s2], $0x40, s20, s20, $0xb8;
	[tilespmem:$0x1D000] =	vst v63  }
0x46: {  	_ =	swait.ge [sflag:s23], $0x2000  }
0x47: {  	[sflag:s23] =	ssyncset.done $0x0  }
0x48: {  	s29 =	simm.s32 $0x2880;
	[sflag:s23] =	ssyncadd.s32 $0xFFFFE000  }
0x49: {  	[spmem:s3] =	stream.indirect.scatter.add.f32 [tilespmem:s22], [sflag:$0x4], $0x40, s29, s20, $0xb8;
	[tilespmem:$0x1D000] =	vst v63  }
0x4a: {  	_ =	swait.ge [sflag:s24], $0x2000  }
0x4b: {  	[sflag:s24] =	ssyncset.done $0x0  }
0x4c: {  	s29 =	simm.s32 $0x100;
	[sflag:s24] =	ssyncadd.s32 $0xFFFFE000  }
0x4d: {  	[tilespmem:s19], [sflag:$0x1] =	stream.indirect.gather [spmem:s2], $0x40, s29, s20, $0xb8;
	[tilespmem:$0x1D000] =	vst v63  }
0x4e: {  	_ =	swait.ge [sflag:s21], $0x2000  }
0x4f: {  	[sflag:s21] =	ssyncset.done $0x0  }
0x50: {  	s29 =	simm.s32 $0x2900;
	[sflag:s21] =	ssyncadd.s32 $0xFFFFE000  }
0x51: {  	[spmem:s3] =	stream.indirect.scatter.add.f32 [tilespmem:s19], [sflag:$0x3], $0x40, s29, s20, $0xb8;
	[tilespmem:$0x1D000] =	vst v63  }
0x52: {  	_ =	swait.ge [sflag:s25], $0x2000  }
0x53: {  	[sflag:s25] =	ssyncset.done $0x0  }
0x54: {  	s30 =	simm.s32 $0x180;
	s29 =	simm.s32 $0xFFFF6800;
	[sflag:s25] =	ssyncadd.s32 $0xFFFFE000  }
.LBB2_4:
0x55: {  	[tilespmem:s22], [sflag:$0x2] =	stream.indirect.gather [spmem:s2], $0x40, s30, s20, $0xb8;
	[tilespmem:$0x1D000] =	vst v63  }
0x56: {  	s30 =	smov.u32 s29  }
0x57: {  	p0 =	sne.s32 s29, $0xFFFFFC00;
	s29 =	sadd.s32 $0x400, s29;
	_ =	swait.ge [sflag:s23], $0x2000  }
0x58: {  	s30 =	sshra.s32 s30, $0x2;
	[sflag:s23] =	ssyncset.done $0x0  }
0x59: {  	s31 =	sadd.s32 $0x4F80, s30;
	[sflag:s23] =	ssyncadd.s32 $0xFFFFE000  }
0x5a: {  	[spmem:s3] =	stream.indirect.scatter.add.f32 [tilespmem:s22], [sflag:$0x4], $0x40, s31, s20, $0xb8;
	[tilespmem:$0x1D000] =	vst v63  }
0x5b: {  	_ =	swait.ge [sflag:s24], $0x2000  }
0x5c: {  	[sflag:s24] =	ssyncset.done $0x0  }
0x5d: {  	s31 =	sadd.s32 $0x2800, s30;
	[sflag:s24] =	ssyncadd.s32 $0xFFFFE000  }
0x5e: {  	[tilespmem:s19], [sflag:$0x1] =	stream.indirect.gather [spmem:s2], $0x40, s31, s20, $0xb8;
	[tilespmem:$0x1D000] =	vst v63  }
0x5f: {  	_ =	swait.ge [sflag:s21], $0x2000  }
0x60: {  	[sflag:s21] =	ssyncset.done $0x0  }
.Ltmp1:
0x61: {  	s31 =	sadd.s32 $0x5000, s30;
	[sflag:s21] =	ssyncadd.s32 $0xFFFFE000;
	(pc) =	sbr.rel @p0 .LBB2_4-.Ltmp1, $4  }
0x62: {  	[spmem:s3] =	stream.indirect.scatter.add.f32 [tilespmem:s19], [sflag:$0x3], $0x40, s31, s20, $0xb8;
	[tilespmem:$0x1D000] =	vst v63  }
0x63: {  	_ =	swait.ge [sflag:s25], $0x2000  }
0x64: {  	[sflag:s25] =	ssyncset.done $0x0  }
0x65: {  	s30 =	sadd.s32 $0x2880, s30;
	[sflag:s25] =	ssyncadd.s32 $0xFFFFE000  }
0x66: {  	[tilespmem:s22], [sflag:$0x2] =	stream.indirect.gather [spmem:s2], $0x40, s30, s20, $0xb8;
	[tilespmem:$0x1D000] =	vst v63  }
0x67: {  	_ =	swait.ge [sflag:s23], $0x2000  }
0x68: {  	[sflag:s23] =	ssyncset.done $0x0  }
0x69: {  	[sflag:s23] =	ssyncadd.s32 $0xFFFFE000  }
0x6a: {  	[spmem:s3] =	stream.indirect.scatter.add.f32 [tilespmem:s22], [sflag:$0x4], $0x40, s26, s20, $0xb8;
	[tilespmem:$0x1D000] =	vst v63  }
0x6b: {  	_ =	swait.ge [sflag:s24], $0x2000  }
0x6c: {  	[sflag:s24] =	ssyncset.done $0x0  }
0x6d: {  	[sflag:s24] =	ssyncadd.s32 $0xFFFFE000  }
0x6e: {  	_ =	swait.ge [sflag:s25], $0x2000  }
0x6f: {  	s28 =	sadd.s32 $0x1, s28;
	[sflag:s25] =	ssyncset.done $0x0  }
0x70: {  	p0 =	sne.s32 s28, s14;
	[sflag:s25] =	ssyncadd.s32 $0xFFFFE000  }
.Ltmp2:
0x71: {  	s29 =	sshrl.u32 s8, $0x3;
	[bflag:$0x0] =	sbarrier.arrive $0xFFFF;
	(pc) =	sbr.rel @p0 .LBB2_1-.Ltmp2, $4  }
0x72: {  	[hbm:s13], [sflag:s17] =	dma.local [spmem:s29], $0x1400  }
0x73: {  	_ =	swait.ge [sflag:s15], $0x1400  }
0x74: {  	[sflag:s15] =	ssyncset.done $0x0  }
0x75: {  	[sflag:s15] =	ssyncadd.s32 $0xFFFFEC00  }
0x76: {  	_ =	sfence.sel $0x180000  }
0x77: {  	[bflag:$0x0] =	sbarrier.arrive $0xFFFF  }
0x78: {  	p0 =	sne.s32 s1, $0x0;
	_ =	strace $0x9000004D  }
0x79: {  	s0 =	sadd.s32 @!p0 $0x100000, s0;
	[bflag:$0x2] =	sbarrier.arrive $0xFFFF  }
0x7a: {  	[sflag:s0] =	ssyncadd.tile.s32 @!p0 $0x1;
	_ =	shalt  }
.Lfunc_end2:
_tile_overlayer_lowered:
.L_overlay_start_2:
0x7b: {  	(tag) =	ssettag $0x2  }
0x7c: {  	s0 =	rddreg [dreg:$0x0];
	s2 =	stileid.u32  }
0x7d: {  	s1 =	rddreg [dreg:$0x1];
	p0 =	sne.s32 s2, $0x0  }
0x7e: {  	s3 =	rddreg [dreg:$0x2];
	[bflag:$0x3] =	sbarrier.arrive $0xFFFF;
	s2 =	simm.s32 @!p0 $0x1C05  }
0x7f: {  	[timem:s3], [sflag:s2] =	dma.local @!p0 [hbm:s0], s1  }
0x80: {  	s0 =	simm.s32 @!p0 $0x5  }
0x81: {  	_ =	swait.ge @!p0 [sflag:s0], s1  }
0x82: {  	s1 =	ssub.s32 @!p0 $0x0, s1;
	[sflag:s0] =	ssyncset.done @!p0 $0x0  }
0x83: {  	[sflag:s0] =	ssyncadd.s32 @!p0 s1  }
0x84: {  	[bflag:$0x3] =	sbarrier.arrive $0xFFFF  }
0x85: {  	_ =	shalt  }

// kernel: kernel.8.cloned.1.call-start
scs
__scs_entry_jumppad:
0x0: {  	(pc) =	sbr.rel $0x88, $3  }
0x1: {  	(tag) =	ssettag $0x0;
	lr =	simm.s32 $0x1  }
0x2: {  	[smem:$0x3F93] =	sst lr;
	_ =	strace $0xD0000000  }
0x3: {  	_ = 	snop  }
0x4: {  	_ = 	snop  }
0x5: {  	_ = 	snop  }
0x6: {  	_ = 	snop  }
0x7: {  	_ = 	snop  }
__scs_overlays_trampoline_lowered:
0x8: {  	[smem:$0x3FA2] =	sst s0  }
0x9: {  	[smem:$0x3FA3] =	sst s1  }
0xa: {  	[smem:$0x3FA4] =	sst s2  }
0xb: {  	[smem:$0x3FA5] =	sst s3  }
0xc: {  	[smem:$0x3FA6] =	sst s4  }
0xd: {  	[smem:$0x3FA7] =	sst s5  }
0xe: {  	[smem:$0x3FA8] =	sst s6  }
0xf: {  	[smem:$0x3FA9] =	sst s7  }
0x10: {  	[smem:$0x3FAA] =	sst s8  }
0x11: {  	[smem:$0x3FAB] =	sst s9;
	s0 =	simm.s32 @!p0 $0x0  }
0x12: {  	s1 =	sld [smem:$0x3F91];
	s0 =	simm.s32 @p0 $0x1  }
0x13: {  	[smem:$0x3FAC] =	sst s0;
	s0 =	simm.s32 @!p1 $0x0  }
0x14: {  	s2 =	sld [smem:$0x3F90];
	s0 =	simm.s32 @p1 $0x1  }
0x15: {  	[smem:$0x3FAD] =	sst s0;
	s0 =	simm.s32 @!p2 $0x0  }
0x16: {  	s3 =	sld [smem:$0x3FDB];
	s0 =	simm.s32 @p2 $0x1  }
0x17: {  	s4 =	simm.s32 $0x1BF5;
	[smem:$0x3FAF] =	sst s0  }
0x18: {  	s0 =	sld [smem:$0x3F92];
	_ =	swait.ge [sflag:s4], $0x0  }
0x19: {  	s7 =	sld [smem:$0x3F93]  }
0x1a: {  	s8 =	sadd.s32 $0xFFFFE003, lr  }
0x1b: {  	s9 =	sadd.s32 $0xFFFFFEF7, lr;
	s5 =	simm.s32 $0xFFFFFFFF;
	p2 =	slt.u32 s8, $0xFFFFF086  }
0x1c: {  	p1 =	slt.u32 s9, $0xF7A;
	s5 =	simm.s32 @!p2 $0x0  }
0x1d: {  	s5 =	simm.s32 @p1 $0x1;
	p0 =	seq.s32 s7, s2  }
0x1e: {  	s7 =	smul.u32 @!p0 $0xF7A, s2;
	p2 =	seq.s32 @!p0 s5, $0x0  }
0x1f: {  	s9 =	smul.u32 $0xF7A, s1;
	s8 =	simm.s32 @!p0 $0x1BF5;
	p2 =	por !p2, p0  }
0x20: {  	[sflag:s8] =	ssyncset.s32 @!p0 $0xFFFFF086;
	s6 =	sadd.s32 @!p0 s3, s7;
	s7 =	simm.s32 @!p0 $0x108  }
0x21: {  	s3 =	sadd.s32 s3, s9;
	s6 =	sadd.s32 @!p0 $0x88, s6;
	s7 =	simm.s32 @p2 $0x1082  }
0x22: {  	[simem:s7], [sflag:s8] =	dma.local @!p0 [hbm:s6], $0xF7A  }
0x23: {  	s9 =	sor.u32 $0xD0000000, s2;
	s6 =	simm.s32 $0x108;
	_ =	swait.ge @!p0 [sflag:s8], $0x0  }
0x24: {  	s3 =	sadd.s32 $0x88, s3;
	s6 =	simm.s32 @!p1 $0x1082;
	[sflag:s4] =	ssyncset.s32 $0xFFFFF086  }
0x25: {  	[simem:s6], [sflag:s4] =	dma.local [hbm:s3], $0xF7A  }
0x26: {  	[smem:$0x3F93] =	sst s1;
	(tag) =	ssettag s2;
	_ =	strace s9  }
0x27: {  	s1 =	sld [smem:$0x3FA3]  }
0x28: {  	s2 =	sld [smem:$0x3FA4]  }
0x29: {  	s4 =	sld [smem:$0x3FA6]  }
0x2a: {  	p0 =	seq.s32 s5, $0x0;
	s5 =	sld [smem:$0x3FA7]  }
0x2b: {  	s6 =	sld [smem:$0x3FA8]  }
0x2c: {  	s7 =	sld [smem:$0x3FA9]  }
0x2d: {  	s3 =	simm.s32 $0x108;
	s8 =	sld [smem:$0x3FAA]  }
0x2e: {  	s3 =	simm.s32 @!p0 $0x1082;
	s9 =	sld [smem:$0x3FAB]  }
0x2f: {  	lr =	sadd.s32 s0, s3;
	s0 =	sld [smem:$0x3FA2]  }
0x30: {  	s3 =	sld [smem:$0x3FA5]  }
0x31: {  	[smem:$0x3FAE] =	sst s10  }
0x32: {  	s10 =	sld [smem:$0x3FAC];
	_ =	sdelay $0x3  }
0x33: {  	p0 =	seq.s32 s10, $0x1;
	s10 =	sld [smem:$0x3FAE];
	_ =	sdelay $0x3  }
0x34: {  	[smem:$0x3FAE] =	sst s10  }
0x35: {  	s10 =	sld [smem:$0x3FAD];
	_ =	sdelay $0x3  }
0x36: {  	p1 =	seq.s32 s10, $0x1;
	s10 =	sld [smem:$0x3FAE];
	_ =	sdelay $0x3  }
0x37: {  	[smem:$0x3FAE] =	sst s10  }
0x38: {  	s10 =	sld [smem:$0x3FAF]  }
0x39: {  	_ = 	snop;
	(pc) =	sbr.ind lr, $3  }
0x3a: {  	_ = 	snop  }
0x3b: {  	_ = 	snop  }
0x3c: {  	p2 =	seq.s32 s10, $0x1;
	s10 =	sld [smem:$0x3FAE]  }
0x3d: {  	_ =	shalt  }
0x3e: {  	_ =	shalt  }
0x3f: {  	_ =	shalt  }
0x40: {  	_ =	shalt  }
0x41: {  	_ =	shalt  }
0x42: {  	_ =	shalt  }
0x43: {  	_ =	shalt  }
0x44: {  	_ =	shalt  }
0x45: {  	_ =	shalt  }
0x46: {  	_ =	shalt  }
0x47: {  	_ =	shalt  }
0x48: {  	_ =	shalt  }
0x49: {  	_ =	shalt  }
0x4a: {  	_ =	shalt  }
0x4b: {  	_ =	shalt  }
0x4c: {  	_ =	shalt  }
0x4d: {  	_ =	shalt  }
0x4e: {  	_ =	shalt  }
0x4f: {  	_ =	shalt  }
0x50: {  	_ =	shalt  }
0x51: {  	_ =	shalt  }
0x52: {  	_ =	shalt  }
0x53: {  	_ =	shalt  }
0x54: {  	_ =	shalt  }
0x55: {  	_ =	shalt  }
0x56: {  	_ =	shalt  }
0x57: {  	_ =	shalt  }
0x58: {  	_ =	shalt  }
0x59: {  	_ =	shalt  }
0x5a: {  	_ =	shalt  }
0x5b: {  	_ =	shalt  }
0x5c: {  	_ =	shalt  }
0x5d: {  	_ =	shalt  }
0x5e: {  	_ =	shalt  }
0x5f: {  	_ =	shalt  }
0x60: {  	_ =	shalt  }
0x61: {  	_ =	shalt  }
0x62: {  	_ =	shalt  }
0x63: {  	_ =	shalt  }
0x64: {  	_ =	shalt  }
0x65: {  	_ =	shalt  }
0x66: {  	_ =	shalt  }
0x67: {  	_ =	shalt  }
0x68: {  	_ =	shalt  }
0x69: {  	_ =	shalt  }
0x6a: {  	_ =	shalt  }
0x6b: {  	_ =	shalt  }
0x6c: {  	_ =	shalt  }
0x6d: {  	_ =	shalt  }
0x6e: {  	_ =	shalt  }
0x6f: {  	_ =	shalt  }
0x70: {  	_ =	shalt  }
0x71: {  	_ =	shalt  }
0x72: {  	_ =	shalt  }
0x73: {  	_ =	shalt  }
0x74: {  	_ =	shalt  }
0x75: {  	_ =	shalt  }
0x76: {  	_ =	shalt  }
0x77: {  	_ =	shalt  }
0x78: {  	_ =	shalt  }
0x79: {  	_ =	shalt  }
0x7a: {  	_ =	shalt  }
0x7b: {  	_ =	shalt  }
0x7c: {  	_ =	shalt  }
0x7d: {  	_ =	shalt  }
0x7e: {  	_ =	shalt  }
0x7f: {  	_ =	shalt  }
0x80: {  	_ =	shalt  }
0x81: {  	_ =	shalt  }
0x82: {  	_ =	shalt  }
0x83: {  	_ =	shalt  }
0x84: {  	_ =	shalt  }
0x85: {  	_ =	shalt  }
0x86: {  	_ =	shalt  }
0x87: {  	_ =	shalt  }
.Lfunc_end0:
.L_simem_size_0:
called_computation_lowered:
.L_overlay_start_0:
0x88: {  	s2 =	sld [smem:$0x3FD9]  }
0x89: {  	s3 =	sld [smem:$0x3FFE];
	_ =	sdelay $0x1  }
0x8a: {  	s1 =	srdreg.scid  }
0x8b: {  	s0 =	sand.u32 $0x1, s1  }
0x8c: {  	s17 =	sshll.u32 s0, $0xA;
	s2 =	sadd.s32 s3, s2  }
0x8d: {  	s2 =	sadd.s32 s2, s17  }
0x8e: {  	[smem:$0x3FBA] =	sst s2  }
0x8f: {  	_ = 	snop  }
0x90: {  	s2 =	sld [smem:$0x3FD0];
	(tm) =	ssettm $0x1  }
0x91: {  	s18 =	sld [smem:$0x3FFB];
	_ =	sdelay $0x3  }
0x92: {  	_ =	strace s18  }
0x93: {  	s3 =	sld [smem:$0x3FFC];
	_ =	sdelay $0x3  }
0x94: {  	_ =	strace s3  }
0x95: {  	s3 =	sld [smem:$0x3FFD];
	_ =	sdelay $0x3  }
0x96: {  	_ =	strace s3  }
0x97: {  	_ =	strace $0x8FFFFFFF  }
0x98: {  	s19 =	sld [smem:$0x3FDB];
	_ =	sdelay $0x1  }
0x99: {  	s4 =	simm.s32 $_scs_section_size  }
0x9a: {  	s5 =	simm.s32 $_size__tile_overlayer_lowered;
	s6 =	simm.s32 $_tile_overlayer_lowered  }
0x9b: {  	s22 =	simm.s32 $0x1BFF;
	s21 =	sshll.u32 s6, $0x1;
	s3 =	sadd.s32 s4, s19  }
0x9c: {  	s7 =	simm.s32 $0x0;
	s20 =	sshll.u32 s5, $0x1;
	s5 =	sadd.s32 s21, s3  }
0x9d: {  	[timem:s7], [sflag:s22] =	dma.local [hbm:s5], s20  }
0x9e: {  	_ =	swait.ge [sflag:s22], s20  }
0x9f: {  	s4 =	ssub.s32 $0x0, s20;
	[sflag:s22] =	ssyncset.done $0x0  }
0xa0: {  	[sflag:s22] =	ssyncadd.s32 s4;
	_ =	sdelay $0x1  }
0xa1: {  	s23 =	simm.s32 $0x1B8B  }
0xa2: {  	_ =	swait.ge [sflag:s23], $0x1  }
0xa3: {  	[sflag:s23] =	ssyncset.done $0x0  }
0xa4: {  	s25 =	simm.s32 $0x1B8E;
	s24 =	sld [smem:$0x3FFE];
	[sflag:s23] =	ssyncadd.s32 $0xFFFFFFFF  }
0xa5: {  	s26 =	simm.s32 $execute0_lowered;
	[smem:$0x3FD2] =	sst s25  }
0xa6: {  	s5 =	sshll.u32 s26, $0x1;
	_ =	strace $0x80000046;
	[dreg:$0x1] =	wrdreg $0xFFFFFFFF  }
0xa7: {  	s28 =	simm.s32 $_size_execute0_lowered;
	s3 =	sadd.s32 s3, s5;
	[dreg:$0x0] =	wrdreg $0x0  }
0xa8: {  	s5 =	sshll.u32 s28, $0x1;
	[dreg:$0x2] =	wrdreg s3  }
0xa9: {  	[dreg:$0x3] =	wrdreg s5  }
0xaa: {  	[dreg:$0x4] =	wrdreg $0xC0  }
0xab: {  	_ =	task [dreg:s7], $0x5FFFF  }
0xac: {  	[dreg:$0x1] =	wrdreg $0xFFFFFFFF  }
0xad: {  	[dreg:$0x0] =	wrdreg $0x60  }
0xae: {  	[dreg:$0x2] =	wrdreg s24  }
0xaf: {  	[dreg:$0x3] =	wrdreg s2  }
0xb0: {  	[dreg:$0x4] =	wrdreg $0x30000  }
0xb1: {  	[dreg:$0x5] =	wrdreg $0x9  }
0xb2: {  	_ =	task.clear_ibuf [dreg:s7], $0x6FFFF;
	_ =	strace $0x90000046  }
0xb3: {  	s29 =	simm.s32 $0x9;
	_ =	strace $0x80000048  }
0xb4: {  	_ =	swait.ge [sflag:s29], $0x1  }
0xb5: {  	[sflag:s29] =	ssyncadd.s32 $0xFFFFFFFF  }
0xb6: {  	_ =	strace $0x90000048  }
0xb7: {  	_ =	sfence  }
0xb8: {  	s30 =	sld [smem:$0x0];
	_ =	sdelay $0x2  }
0xb9: {  	s31 =	sshll.u32 s1, $0xD;
	s1 =	sshrl.u32 s1, $0x2  }
0xba: {  	s3 =	sand.u32 $0x4000, s31;
	s1 =	sadd.s32 s1, s30  }
0xbb: {  	s0 =	sor.u32 s3, s0;
	s1 =	sshll.u32 s1, $0x11  }
0xbc: {  	s0 =	sor.u32 s1, s0  }
0xbd: {  	s0 =	sadd.s32 $0x8F2B, s0  }
0xbe: {  	[sflag:s0] =	ssyncadd.remote.s32 $0x1  }
0xbf: {  	_ =	sfence.sel $0xFFFF  }
0xc0: {  	[dreg:$0x0] =	wrdreg $0xFFFFFFFF;
	(pc) =	sbr.abs _section_cstart, $3  }
0xc1: {  	[dreg:$0x1] =	wrdreg $0xFFFFFFFF  }
0xc2: {  	_ =	task.clear_ibuf [dreg:s7], $0x2FFFF;
	_ =	strace $0x9FFFFFFF  }
0xc3: {  	(tm) =	ssettm $0x7FFFFFFF  }
tec
execute0_lowered:
.L_overlay_start_1:
0x0: {  	(tag) =	ssettag $0x1  }
0x1: {  	s6 =	rddreg [dreg:$0x0]  }
0x2: {  	s2 =	rddreg [dreg:$0x1]  }
0x3: {  	s0 =	srdreg.scid;
	s3 =	rddreg [dreg:$0x2]  }
0x4: {  	s4 =	simm.s32 $0x0;
	s13 =	simm.s32 $0x80;
	s14 =	simm.s32 $0x1  }
0x5: {  	s15 =	simm.s32 $0x0;
	s5 =	sand.u32 $0x1, s0;
	s0 =	stileid.u32  }
0x6: {  	[smem:$0x7FF] =	sst s4;
	s1 =	sshll.u32 s5, $0x4;
	s8 =	smul.u32 $0x2800, s0  }
0x7: {  	s9 =	smul.u32 $0x28000, s5;
	s5 =	ssub.s32 $0x2, s5;
	s1 =	sor.u32 s0, s1  }
0x8: {  	s31 =	sshll.u32 s0, $0x6;
	s11 =	sshrl.u32 s5, $0x1;
	s7 =	smul.u32 $0x500, s1  }
0x9: {  	s1 =	rddreg [dreg:$0x3];
	_ =	strace $0x80000047;
	s10 =	sshrl.u32 s8, $0x3  }
0xa: {  	s9 =	sadd.s32 s8, s9;
	s11 =	ssub.s32 s5, s11;
	s12 =	sadd.s32 s8, s3  }
0xb: {  	s10 =	sadd.s32 s10, s6;
	s9 =	sshrl.u32 s9, $0x3;
	s8 =	smax.u32 s11, $0x1  }
0xc: {  	s11 =	sor.u32 $0x1C02, s31;
	s12 =	sshrl.u32 s12, $0x3;
	s7 =	sadd.s32 s7, s6  }
0xd: {  	s9 =	sadd.s32 s9, s6;
	s6 =	sadd.s32 $0xC600, s10;
	s10 =	simm.s32 $0x2800  }
0xe: {  	s5 =	sadd.s32 $0x2600, s7;
	s7 =	sadd.s32 $0x11600, s9;
	s9 =	simm.s32 $0x2  }
.LBB2_1:
0xf: {  	[tilespmem:s4], [sflag:$0x2] =	stream.linear.gather [hbm4b:s5+s4], $0x2800, $0x38;
	[tilespmem:$0x5800] =	vst v63  }
0x10: {  	_ =	swait.ge [sflag:s9], $0x2800  }
0x11: {  	[sflag:s9] =	ssyncset.done $0x0  }
0x12: {  	[sflag:s9] =	ssyncadd.s32 $0xFFFFD800  }
0x13: {  	[tilespmem:s10], [sflag:$0x2] =	stream.linear.gather [hbm4b:s2+s4], $0x800, $0x38;
	[tilespmem:$0x5800] =	vst v63  }
0x14: {  	_ =	swait.ge [sflag:s9], $0x800  }
0x15: {  	[sflag:s9] =	ssyncset.done $0x0  }
0x16: {  	[sflag:s9] =	ssyncadd.s32 $0xFFFFF800  }
0x17: {  	[spmem:s12], [sflag:s11] =	dma.local [hbm:s6], $0x500  }
0x18: {  	_ =	swait.ge [sflag:s9], $0x500  }
0x19: {  	[sflag:s9] =	ssyncset.done $0x0  }
0x1a: {  	[sflag:s9] =	ssyncadd.s32 $0xFFFFFB00  }
0x1b: {  	s16 =	simm.s32 $0x0;
	[bflag:$0x0] =	sbarrier.arrive $0xFFFF  }
0x1c: {  	[spmem:s3] =	stream.indirect.scatter.add.f32 [tilespmem:s10], [sflag:$0x1], $0x10, s16, s13, $0xb8;
	[tilespmem:$0x5800] =	vst v63  }
0x1d: {  	s24 =	simm.s32 $0x80  }
0x1e: {  	[spmem:s3] =	stream.indirect.scatter.add.f32 [tilespmem:s10], [sflag:$0x1], $0x10, s24, s13, $0xb8;
	[tilespmem:$0x5800] =	vst v63  }
0x1f: {  	s25 =	simm.s32 $0x100  }
0x20: {  	[spmem:s3] =	stream.indirect.scatter.add.f32 [tilespmem:s10], [sflag:$0x1], $0x10, s25, s13, $0xb8;
	[tilespmem:$0x5800] =	vst v63  }
0x21: {  	s26 =	simm.s32 $0x180  }
0x22: {  	[spmem:s3] =	stream.indirect.scatter.add.f32 [tilespmem:s10], [sflag:$0x1], $0x10, s26, s13, $0xb8;
	[tilespmem:$0x5800] =	vst v63  }
0x23: {  	s28 =	simm.s32 $0x200  }
0x24: {  	[spmem:s3] =	stream.indirect.scatter.add.f32 [tilespmem:s10], [sflag:$0x1], $0x10, s28, s13, $0xb8;
	[tilespmem:$0x5800] =	vst v63  }
0x25: {  	s29 =	simm.s32 $0x280  }
0x26: {  	[spmem:s3] =	stream.indirect.scatter.add.f32 [tilespmem:s10], [sflag:$0x1], $0x10, s29, s13, $0xb8;
	[tilespmem:$0x5800] =	vst v63  }
0x27: {  	s30 =	simm.s32 $0x300  }
0x28: {  	[spmem:s3] =	stream.indirect.scatter.add.f32 [tilespmem:s10], [sflag:$0x1], $0x10, s30, s13, $0xb8;
	[tilespmem:$0x5800] =	vst v63  }
0x29: {  	s31 =	simm.s32 $0x380  }
0x2a: {  	[spmem:s3] =	stream.indirect.scatter.add.f32 [tilespmem:s10], [sflag:$0x1], $0x10, s31, s13, $0xb8;
	[tilespmem:$0x5800] =	vst v63  }
0x2b: {  	_ =	swait.ge [sflag:s14], $0x800  }
0x2c: {  	[sflag:s14] =	ssyncset.done $0x0  }
0x2d: {  	[sflag:s14] =	ssyncadd.s32 $0xFFFFF800  }
0x2e: {  	_ =	swait.ge [sflag:s14], $0x800  }
0x2f: {  	[sflag:s14] =	ssyncset.done $0x0  }
0x30: {  	[sflag:s14] =	ssyncadd.s32 $0xFFFFF800  }
0x31: {  	_ =	swait.ge [sflag:s14], $0x800  }
0x32: {  	[sflag:s14] =	ssyncset.done $0x0  }
0x33: {  	[sflag:s14] =	ssyncadd.s32 $0xFFFFF800  }
0x34: {  	_ =	swait.ge [sflag:s14], $0x800  }
0x35: {  	[sflag:s14] =	ssyncset.done $0x0  }
0x36: {  	[sflag:s14] =	ssyncadd.s32 $0xFFFFF800  }
0x37: {  	_ =	swait.ge [sflag:s14], $0x800  }
0x38: {  	[sflag:s14] =	ssyncset.done $0x0  }
0x39: {  	[sflag:s14] =	ssyncadd.s32 $0xFFFFF800  }
0x3a: {  	_ =	swait.ge [sflag:s14], $0x800  }
0x3b: {  	[sflag:s14] =	ssyncset.done $0x0  }
0x3c: {  	[sflag:s14] =	ssyncadd.s32 $0xFFFFF800  }
0x3d: {  	_ =	swait.ge [sflag:s14], $0x800  }
0x3e: {  	[sflag:s14] =	ssyncset.done $0x0  }
0x3f: {  	[sflag:s14] =	ssyncadd.s32 $0xFFFFF800  }
0x40: {  	_ =	swait.ge [sflag:s14], $0x800  }
0x41: {  	s18 =	simm.s32 $0x2000;
	s16 =	simm.s32 $0x1000;
	[sflag:s14] =	ssyncset.done $0x0  }
.LBB2_2:
0x42: {  	s19 =	sshra.s32 s16, $0x2  }
0x43: {  	[sflag:s14] =	ssyncadd.s32 $0xFFFFF800;
	s16 =	smov.u32 s18;
	s17 =	sadd.s32 $0x1000, s18  }
0x44: {  	[spmem:s3] =	stream.indirect.scatter.add.f32 [tilespmem:s10], [sflag:$0x1], $0x10, s19, s13, $0xb8;
	[tilespmem:$0x5800] =	vst v63  }
0x45: {  	p0 =	sne.s32 s18, $0x9000;
	s18 =	sadd.s32 $0x80, s19  }
0x46: {  	[spmem:s3] =	stream.indirect.scatter.add.f32 [tilespmem:s10], [sflag:$0x1], $0x10, s18, s13, $0xb8;
	[tilespmem:$0x5800] =	vst v63  }
0x47: {  	s18 =	sadd.s32 $0x100, s19  }
0x48: {  	[spmem:s3] =	stream.indirect.scatter.add.f32 [tilespmem:s10], [sflag:$0x1], $0x10, s18, s13, $0xb8;
	[tilespmem:$0x5800] =	vst v63  }
0x49: {  	s18 =	sadd.s32 $0x180, s19  }
0x4a: {  	[spmem:s3] =	stream.indirect.scatter.add.f32 [tilespmem:s10], [sflag:$0x1], $0x10, s18, s13, $0xb8;
	[tilespmem:$0x5800] =	vst v63  }
0x4b: {  	s18 =	sadd.s32 $0x200, s19  }
0x4c: {  	[spmem:s3] =	stream.indirect.scatter.add.f32 [tilespmem:s10], [sflag:$0x1], $0x10, s18, s13, $0xb8;
	[tilespmem:$0x5800] =	vst v63  }
0x4d: {  	s18 =	sadd.s32 $0x280, s19  }
0x4e: {  	[spmem:s3] =	stream.indirect.scatter.add.f32 [tilespmem:s10], [sflag:$0x1], $0x10, s18, s13, $0xb8;
	[tilespmem:$0x5800] =	vst v63  }
0x4f: {  	s18 =	sadd.s32 $0x300, s19  }
0x50: {  	[spmem:s3] =	stream.indirect.scatter.add.f32 [tilespmem:s10], [sflag:$0x1], $0x10, s18, s13, $0xb8;
	[tilespmem:$0x5800] =	vst v63  }
0x51: {  	s18 =	sadd.s32 $0x380, s19  }
0x52: {  	[spmem:s3] =	stream.indirect.scatter.add.f32 [tilespmem:s10], [sflag:$0x1], $0x10, s18, s13, $0xb8;
	[tilespmem:$0x5800] =	vst v63  }
0x53: {  	_ =	swait.ge [sflag:s14], $0x800  }
0x54: {  	[sflag:s14] =	ssyncset.done $0x0  }
0x55: {  	[sflag:s14] =	ssyncadd.s32 $0xFFFFF800  }
0x56: {  	_ =	swait.ge [sflag:s14], $0x800  }
0x57: {  	[sflag:s14] =	ssyncset.done $0x0  }
0x58: {  	[sflag:s14] =	ssyncadd.s32 $0xFFFFF800  }
0x59: {  	_ =	swait.ge [sflag:s14], $0x800  }
0x5a: {  	[sflag:s14] =	ssyncset.done $0x0  }
0x5b: {  	[sflag:s14] =	ssyncadd.s32 $0xFFFFF800  }
0x5c: {  	_ =	swait.ge [sflag:s14], $0x800  }
0x5d: {  	[sflag:s14] =	ssyncset.done $0x0  }
0x5e: {  	[sflag:s14] =	ssyncadd.s32 $0xFFFFF800  }
0x5f: {  	_ =	swait.ge [sflag:s14], $0x800  }
0x60: {  	[sflag:s14] =	ssyncset.done $0x0  }
0x61: {  	[sflag:s14] =	ssyncadd.s32 $0xFFFFF800  }
0x62: {  	_ =	swait.ge [sflag:s14], $0x800  }
0x63: {  	[sflag:s14] =	ssyncset.done $0x0  }
0x64: {  	[sflag:s14] =	ssyncadd.s32 $0xFFFFF800  }
.Ltmp0:
0x65: {  	_ =	swait.ge [sflag:s14], $0x800;
	(pc) =	sbr.rel @p0 .LBB2_2-.Ltmp0, $4  }
0x66: {  	[sflag:s14] =	ssyncset.done $0x0  }
0x67: {  	[sflag:s14] =	ssyncadd.s32 $0xFFFFF800  }
0x68: {  	_ =	swait.ge [sflag:s14], $0x800  }
0x69: {  	s18 =	smov.u32 s17;
	[sflag:s14] =	ssyncset.done $0x0  }
0x6a: {  	s16 =	sshra.s32 s16, $0x2;
	[sflag:s14] =	ssyncadd.s32 $0xFFFFF800  }
0x6b: {  	[spmem:s3] =	stream.indirect.scatter.add.f32 [tilespmem:s10], [sflag:$0x1], $0x10, s16, s13, $0xb8;
	[tilespmem:$0x5800] =	vst v63  }
0x6c: {  	s17 =	sadd.s32 $0x80, s16  }
0x6d: {  	[spmem:s3] =	stream.indirect.scatter.add.f32 [tilespmem:s10], [sflag:$0x1], $0x10, s17, s13, $0xb8;
	[tilespmem:$0x5800] =	vst v63  }
0x6e: {  	s26 =	sadd.s32 $0x100, s16  }
0x6f: {  	[spmem:s3] =	stream.indirect.scatter.add.f32 [tilespmem:s10], [sflag:$0x1], $0x10, s26, s13, $0xb8;
	[tilespmem:$0x5800] =	vst v63  }
0x70: {  	s28 =	sadd.s32 $0x180, s16  }
0x71: {  	[spmem:s3] =	stream.indirect.scatter.add.f32 [tilespmem:s10], [sflag:$0x1], $0x10, s28, s13, $0xb8;
	[tilespmem:$0x5800] =	vst v63  }
0x72: {  	s29 =	sadd.s32 $0x200, s16  }
0x73: {  	[spmem:s3] =	stream.indirect.scatter.add.f32 [tilespmem:s10], [sflag:$0x1], $0x10, s29, s13, $0xb8;
	[tilespmem:$0x5800] =	vst v63  }
0x74: {  	s30 =	sadd.s32 $0x280, s16  }
0x75: {  	[spmem:s3] =	stream.indirect.scatter.add.f32 [tilespmem:s10], [sflag:$0x1], $0x10, s30, s13, $0xb8;
	[tilespmem:$0x5800] =	vst v63  }
0x76: {  	s31 =	sadd.s32 $0x300, s16  }
0x77: {  	[spmem:s3] =	stream.indirect.scatter.add.f32 [tilespmem:s10], [sflag:$0x1], $0x10, s31, s13, $0xb8;
	[tilespmem:$0x5800] =	vst v63  }
0x78: {  	s16 =	sadd.s32 $0x380, s16  }
0x79: {  	[spmem:s3] =	stream.indirect.scatter.add.f32 [tilespmem:s10], [sflag:$0x1], $0x10, s16, s13, $0xb8;
	[tilespmem:$0x5800] =	vst v63  }
0x7a: {  	_ =	swait.ge [sflag:s14], $0x800  }
0x7b: {  	[sflag:s14] =	ssyncset.done $0x0  }
0x7c: {  	[sflag:s14] =	ssyncadd.s32 $0xFFFFF800  }
0x7d: {  	_ =	swait.ge [sflag:s14], $0x800  }
0x7e: {  	[sflag:s14] =	ssyncset.done $0x0  }
0x7f: {  	[sflag:s14] =	ssyncadd.s32 $0xFFFFF800  }
0x80: {  	_ =	swait.ge [sflag:s14], $0x800  }
0x81: {  	[sflag:s14] =	ssyncset.done $0x0  }
0x82: {  	[sflag:s14] =	ssyncadd.s32 $0xFFFFF800  }
0x83: {  	_ =	swait.ge [sflag:s14], $0x800  }
0x84: {  	[sflag:s14] =	ssyncset.done $0x0  }
0x85: {  	[sflag:s14] =	ssyncadd.s32 $0xFFFFF800  }
0x86: {  	_ =	swait.ge [sflag:s14], $0x800  }
0x87: {  	[sflag:s14] =	ssyncset.done $0x0  }
0x88: {  	[sflag:s14] =	ssyncadd.s32 $0xFFFFF800  }
0x89: {  	_ =	swait.ge [sflag:s14], $0x800  }
0x8a: {  	[sflag:s14] =	ssyncset.done $0x0  }
0x8b: {  	[sflag:s14] =	ssyncadd.s32 $0xFFFFF800  }
0x8c: {  	_ =	swait.ge [sflag:s14], $0x800  }
0x8d: {  	[sflag:s14] =	ssyncset.done $0x0  }
0x8e: {  	[sflag:s14] =	ssyncadd.s32 $0xFFFFF800  }
0x8f: {  	_ =	swait.ge [sflag:s14], $0x800  }
0x90: {  	s15 =	sadd.s32 $0x1, s15;
	[sflag:s14] =	ssyncset.done $0x0  }
0x91: {  	p0 =	sne.s32 s15, s8;
	[sflag:s14] =	ssyncadd.s32 $0xFFFFF800  }
.Ltmp1:
0x92: {  	[bflag:$0x0] =	sbarrier.arrive $0xFFFF;
	(pc) =	sbr.rel @p0 .LBB2_1-.Ltmp1, $4  }
0x93: {  	[hbm:s7], [sflag:s11] =	dma.local [spmem:s12], $0x500  }
0x94: {  	_ =	swait.ge [sflag:s9], $0x500  }
0x95: {  	[sflag:s9] =	ssyncset.done $0x0  }
0x96: {  	[sflag:s9] =	ssyncadd.s32 $0xFFFFFB00  }
0x97: {  	_ =	sfence.sel $0x180000  }
0x98: {  	[bflag:$0x0] =	sbarrier.arrive $0xFFFF  }
0x99: {  	p0 =	sne.s32 s0, $0x0;
	_ =	strace $0x90000047  }
0x9a: {  	s0 =	sadd.s32 @!p0 $0x100000, s1;
	[bflag:$0x2] =	sbarrier.arrive $0xFFFF  }
0x9b: {  	[sflag:s0] =	ssyncadd.tile.s32 @!p0 $0x1;
	_ =	shalt  }
.Lfunc_end2:
_tile_overlayer_lowered:
.L_overlay_start_2:
0x9c: {  	(tag) =	ssettag $0x2  }
0x9d: {  	s0 =	rddreg [dreg:$0x0];
	s2 =	stileid.u32  }
0x9e: {  	s1 =	rddreg [dreg:$0x1];
	p0 =	sne.s32 s2, $0x0  }
0x9f: {  	s3 =	rddreg [dreg:$0x2];
	[bflag:$0x3] =	sbarrier.arrive $0xFFFF;
	s2 =	simm.s32 @!p0 $0x1C02  }
0xa0: {  	[timem:s3], [sflag:s2] =	dma.local @!p0 [hbm:s0], s1  }
0xa1: {  	s0 =	simm.s32 @!p0 $0x2  }
0xa2: {  	_ =	swait.ge @!p0 [sflag:s0], s1  }
0xa3: {  	s1 =	ssub.s32 @!p0 $0x0, s1;
	[sflag:s0] =	ssyncset.done @!p0 $0x0  }
0xa4: {  	[sflag:s0] =	ssyncadd.s32 @!p0 s1  }
0xa5: {  	[bflag:$0x3] =	sbarrier.arrive $0xFFFF  }
0xa6: {  	_ =	shalt  }

</sc_bundles>
